<compile_context>
chip_gen: v7x
topology: tpu7x:2x2x1
jax: 0.10.2.dev20260603
libtpu: 0.0.44.dev20260713+nightly
codegen_flags: <defaults>
</compile_context>

<pallas_src>
import functools

import jax
import jax.numpy as jnp
from jax import lax
from jax.experimental import pallas as pl
from jax.experimental.pallas import tpu as pltpu
from jax.experimental.pallas import tpu_sc as plsc

B, T, H, D = 2, 256, 8, 256
E, K, FFN = 8, 2, 1024
OUT = 5 * D
N = B * T * H
TB = 256
NTB = N // TB
EMB_N = T * H
BLKC = 256
NBLK = N * K // BLKC + (E - 1)
NPAD = NBLK * BLKC
HC = 128

_F32 = jnp.float32
_BF16 = jnp.bfloat16


def _gate_route_body(x_ref, emb_ref, wg_ref, xt_ref, p_ref, eob_ref,
                     w0_ref, w1_ref, oh0_s, oh1_s, ex0_s, ex1_s):
    i = pl.program_id(0)
    idx = jnp.where(i == NTB, 0, i)
    x32 = x_ref[...] + emb_ref[...]
    xt_ref[...] = x32
    gT = lax.dot_general(wg_ref[...], x32, (((0,), (1,)), ((), ())),
                         preferred_element_type=_F32)
    m = jnp.max(gT, axis=0, keepdims=True)
    ex = jnp.exp(gT - m)
    gts = ex / jnp.sum(ex, axis=0, keepdims=True)
    su = lax.broadcasted_iota(jnp.int32, (E, TB), 0)
    v1 = jnp.max(gts, axis=0, keepdims=True)
    i1 = jnp.min(jnp.where(gts == v1, su, E), axis=0, keepdims=True)
    oh1 = su == i1
    g2 = jnp.where(oh1, -jnp.inf, gts)
    v2 = jnp.max(g2, axis=0, keepdims=True)
    i2 = jnp.min(jnp.where(g2 == v2, su, E), axis=0, keepdims=True)
    oh2 = su == i2
    s = v1 + v2
    w0 = v1 / s
    w1 = v2 / s
    r_i = lax.broadcasted_iota(jnp.int32, (TB, TB), 0)
    c_i = lax.broadcasted_iota(jnp.int32, (TB, TB), 1)
    ident = (r_i == c_i).astype(_F32)
    w0_ref[0] = lax.dot_general(ident, w0, (((1,), (1,)), ((), ())),
                                preferred_element_type=_F32)
    w1_ref[0] = lax.dot_general(ident, w1, (((1,), (1,)), ((), ())),
                                preferred_element_type=_F32)
    oh1f = oh1.astype(_F32)
    oh2f = oh2.astype(_F32)
    triu = (r_i < c_i).astype(_F32)
    cum0 = jnp.dot(oh1f, triu, preferred_element_type=_F32)
    cum1 = jnp.dot(oh2f, triu, preferred_element_type=_F32)
    oh0_s[idx] = oh1f
    oh1_s[idx] = oh2f
    ex0_s[idx] = jnp.sum(cum0 * oh1f, axis=0, keepdims=True)
    ex1_s[idx] = jnp.sum(cum1 * oh2f, axis=0, keepdims=True)

    @pl.when(i == NTB)
    def _route():
        c0 = jnp.concatenate(
            [jnp.sum(oh0_s[b], axis=1, keepdims=True) for b in range(NTB)],
            axis=1)
        c1 = jnp.concatenate(
            [jnp.sum(oh1_s[b], axis=1, keepdims=True) for b in range(NTB)],
            axis=1)
        bu = (lax.broadcasted_iota(jnp.int32, (NTB, NTB), 0)
              < lax.broadcasted_iota(jnp.int32, (NTB, NTB), 1)).astype(_F32)
        run0 = jnp.dot(c0, bu, preferred_element_type=_F32)
        run1 = jnp.dot(c1, bu, preferred_element_type=_F32)
        tot0 = jnp.sum(c0, axis=1, keepdims=True)
        tot1 = jnp.sum(c1, axis=1, keepdims=True)
        cnt = tot0 + tot1
        nblk = jnp.floor((cnt + (BLKC - 1)) * (1.0 / BLKC))
        el = (lax.broadcasted_iota(jnp.int32, (E, E), 0)
              > lax.broadcasted_iota(jnp.int32, (E, E), 1)).astype(_F32)
        blkoff = jnp.dot(el, nblk, preferred_element_type=_F32)
        padoff = blkoff * float(BLKC)
        off0 = padoff + run0
        off1 = padoff + tot0 + run1
        for b in range(NTB):
            pos0 = (jnp.sum(oh0_s[b] * off0[:, b:b + 1], axis=0,
                            keepdims=True) + ex0_s[b]).astype(jnp.int32)
            pos1 = (jnp.sum(oh1_s[b] * off1[:, b:b + 1], axis=0,
                            keepdims=True) + ex1_s[b]).astype(jnp.int32)
            p_ref[pl.ds(2 * b, 1), :] = pos0[:, 0:HC]
            p_ref[pl.ds(2 * b + 1, 1), :] = pos0[:, HC:TB]
            p_ref[pl.ds(2 * NTB + 2 * b, 1), :] = pos1[:, 0:HC]
            p_ref[pl.ds(2 * NTB + 2 * b + 1, 1), :] = pos1[:, HC:TB]
        bi = lax.broadcasted_iota(jnp.int32, (1, 64), 1).astype(_F32)
        eacc = jnp.sum((bi >= blkoff).astype(_F32), axis=0, keepdims=True)
        eob_ref[...] = (eacc - 1.0).astype(jnp.int32)


def _ffn_body(eob_ref, x_ref, w1_ref, b1_ref, w2_ref, b2_ref, out_ref):
    del eob_ref
    xb = x_ref[...].astype(_BF16)
    h = jnp.dot(xb, w1_ref[0], preferred_element_type=_F32) + b1_ref[0]
    h = jax.nn.gelu(h)
    eo = jnp.dot(h.astype(_BF16), w2_ref[0], preferred_element_type=_F32)
    out_ref[...] = eo + b2_ref[0]


def _proj_body(ev_ref, od_ref, w0_ref, w1_ref, wp_ref, bp_ref, out_ref):
    moe = w0_ref[0] * ev_ref[...] + w1_ref[0] * od_ref[...]
    y = jnp.dot(jax.nn.gelu(moe).astype(_BF16), wp_ref[...],
                preferred_element_type=_F32) + bp_ref[...]
    out_ref[...] = y


def _make_sc_dispatch():
    info = plsc.get_sparse_core_info()
    nc = info.num_cores

    @functools.partial(
        pl.kernel,
        mesh=plsc.VectorSubcoreMesh(core_axis_name="c", subcore_axis_name="s"),
        out_type=jax.ShapeDtypeStruct((NPAD, D), _F32),
        scratch_types=[
            pltpu.VMEM((HC,), jnp.int32),
            pltpu.VMEM((HC,), jnp.int32),
            pltpu.VMEM((HC, D), _F32),
            pltpu.SemaphoreType.DMA,
        ],
    )
    def dispatch(xt_hbm, p_hbm, out_hbm, idx0_v, idx1_v, rows_v, sem):
        wid = lax.axis_index("s") * nc + lax.axis_index("c")
        pltpu.sync_copy(p_hbm.at[wid], idx0_v)
        pltpu.sync_copy(p_hbm.at[2 * NTB + wid], idx1_v)
        pltpu.sync_copy(xt_hbm.at[pl.ds(wid * HC, HC)], rows_v)
        cp0 = pltpu.async_copy(rows_v, out_hbm.at[idx0_v], sem)
        cp1 = pltpu.async_copy(rows_v, out_hbm.at[idx1_v], sem)
        cp0.wait()
        cp1.wait()

    return dispatch


def _make_sc_combine():
    info = plsc.get_sparse_core_info()
    nc = info.num_cores

    @functools.partial(
        pl.kernel,
        mesh=plsc.VectorSubcoreMesh(core_axis_name="c", subcore_axis_name="s"),
        out_type=jax.ShapeDtypeStruct((N * K, D), _F32),
        scratch_types=[
            pltpu.VMEM((TB,), jnp.int32),
            pltpu.VMEM((TB, D), _F32),
            pltpu.SemaphoreType.DMA,
        ],
    )
    def combine(eo_hbm, p_hbm, out_hbm, idx_v, rows_v, sem):
        wid = lax.axis_index("s") * nc + lax.axis_index("c")
        slot = wid // NTB
        blk = lax.rem(wid, NTB)
        r0 = 2 * NTB * slot + 2 * blk
        pltpu.sync_copy(p_hbm.at[r0], idx_v.at[pl.ds(0, HC)])
        pltpu.sync_copy(p_hbm.at[r0 + 1], idx_v.at[pl.ds(HC, HC)])
        pltpu.async_copy(eo_hbm.at[idx_v], rows_v, sem).wait()
        pltpu.sync_copy(rows_v, out_hbm.at[pl.ds(wid * TB, TB)])

    return combine


_make_sc_dispatch = functools.lru_cache(None)(_make_sc_dispatch)
_make_sc_combine = functools.lru_cache(None)(_make_sc_combine)


def _dispatch_impl(xt, p_sm):
    return _make_sc_dispatch()(xt, p_sm)


def _combine_impl(eo, p_sm):
    return _make_sc_combine()(eo, p_sm)


def _gate_route_call(xt_in, emb, Wg):
    shp = jax.ShapeDtypeStruct
    blk16 = lambda i: (jnp.where(i == NTB, 0, i), 0)
    blk16_3 = lambda i: (jnp.where(i == NTB, 0, i), 0, 0)
    return pl.pallas_call(
        _gate_route_body,
        grid=(NTB + 1,),
        in_specs=[
            pl.BlockSpec((TB, D), blk16),
            pl.BlockSpec((TB, D), lambda i: (lax.rem(i, EMB_N // TB), 0)),
            pl.BlockSpec((D, E), lambda i: (0, 0)),
        ],
        out_specs=[
            pl.BlockSpec((TB, D), blk16),
            pl.BlockSpec((4 * NTB, HC), lambda i: (0, 0)),
            pl.BlockSpec((1, 64), lambda i: (0, 0)),
            pl.BlockSpec((1, TB, 1), blk16_3),
            pl.BlockSpec((1, TB, 1), blk16_3),
        ],
        out_shape=[
            shp((N, D), _F32),
            shp((4 * NTB, HC), jnp.int32),
            shp((1, 64), jnp.int32),
            shp((NTB, TB, 1), _F32),
            shp((NTB, TB, 1), _F32),
        ],
        scratch_shapes=[
            pltpu.VMEM((NTB, E, TB), _F32),
            pltpu.VMEM((NTB, E, TB), _F32),
            pltpu.VMEM((NTB, 1, TB), _F32),
            pltpu.VMEM((NTB, 1, TB), _F32),
        ],
    )(xt_in, emb, Wg)


def _ffn_call(eob, sorted_x, W1b, b1, W2b, b2):
    grid_spec = pltpu.PrefetchScalarGridSpec(
        num_scalar_prefetch=1,
        grid=(NBLK,),
        in_specs=[
            pl.BlockSpec((BLKC, D), lambda i, eob: (i, 0)),
            pl.BlockSpec((1, D, FFN), lambda i, eob: (eob[i], 0, 0)),
            pl.BlockSpec((1, 1, FFN), lambda i, eob: (eob[i], 0, 0)),
            pl.BlockSpec((1, FFN, D), lambda i, eob: (eob[i], 0, 0)),
            pl.BlockSpec((1, 1, D), lambda i, eob: (eob[i], 0, 0)),
        ],
        out_specs=pl.BlockSpec((BLKC, D), lambda i, eob: (i, 0)),
    )
    return pl.pallas_call(
        _ffn_body,
        grid_spec=grid_spec,
        out_shape=jax.ShapeDtypeStruct((NPAD, D), _F32),
    )(eob, sorted_x, W1b, b1, W2b, b2)


def _proj_call(pairs, w0col, w1col, Wpb, bp):
    return pl.pallas_call(
        _proj_body,
        grid=(NTB,),
        in_specs=[
            pl.BlockSpec((TB, D), lambda i: (i, 0)),
            pl.BlockSpec((TB, D), lambda i: (i + NTB, 0)),
            pl.BlockSpec((1, TB, 1), lambda i: (i, 0, 0)),
            pl.BlockSpec((1, TB, 1), lambda i: (i, 0, 0)),
            pl.BlockSpec((D, OUT), lambda i: (0, 0)),
            pl.BlockSpec((1, OUT), lambda i: (0, 0)),
        ],
        out_specs=pl.BlockSpec((TB, OUT), lambda i: (i, 0)),
        out_shape=jax.ShapeDtypeStruct((N, OUT), _F32),
    )(pairs, pairs, w0col, w1col, Wpb, bp)


@jax.jit
def kernel(x, embedding, Wg, W1, b1, W2, b2, Wp, bp):
    xt_in = x.reshape(N, D)
    emb = embedding.reshape(EMB_N, D)
    xt, p_sm, eob2d, w0col, w1col = _gate_route_call(xt_in, emb, Wg)
    eob = eob2d.reshape(64)
    sorted_x = _dispatch_impl(xt, p_sm)
    eo = _ffn_call(eob, sorted_x, W1.astype(_BF16), b1.reshape(E, 1, FFN),
                   W2.astype(_BF16), b2.reshape(E, 1, D))
    pairs = _combine_impl(eo, p_sm)
    y = _proj_call(pairs, w0col, w1col, Wp.astype(_BF16), bp.reshape(1, OUT))
    return y.reshape(B, T, H, OUT)

# --- scband reference (transcript-rebuilt; emitter-appended) ---
"""Pipeline reference for scband-art-attention-57028575756695 (READ-ONLY COPY).

The authoritative reference and input builder live on the scoring server;
editing this copy changes nothing except your own understanding.
"""

import jax, jax.numpy as jnp
import numpy as np

B, T, H, D = 2, 256, 8, 256
E, K, FFN = 8, 2, 1024
OUT = 5 * D

def setup_inputs(seed: int = 0) -> dict:
    key = jax.random.key(seed)
    ks = jax.random.split(key, 10)
    sc = lambda k, shape, s: (jax.random.normal(k, shape, dtype=jnp.float32) * s)
    return {
        "x": jax.random.normal(ks[0], (B, T, H, D), dtype=jnp.float32),
        "embedding": jax.random.normal(ks[1], (1, T, H, D), dtype=jnp.float32),
        "Wg": sc(ks[2], (D, E), 0.02),
        "W1": sc(ks[3], (E, D, FFN), 0.02),
        "b1": jnp.zeros((E, FFN), jnp.float32),
        "W2": sc(ks[4], (E, FFN, D), 0.02),
        "b2": jnp.zeros((E, D), jnp.float32),
        "Wp": sc(ks[5], (D, OUT), 0.02),
        "bp": jnp.zeros((OUT,), jnp.float32),
    }

def reference(x, embedding, Wg, W1, b1, W2, b2, Wp, bp):
    # MOE.forward: x (B,T,H,D) -> + positional embedding -> flatten tokens
    Bx, Tx, Hx, Dx = x.shape
    x = x + embedding[:, :Tx, :, :]
    xt = x.reshape(-1, Dx)
    # fp32 top-k gate (tutel gate_type 'top', k=2, fp32_gate=True; noise omitted at eval)
    logits = xt.astype(jnp.float32) @ Wg.astype(jnp.float32)
    gates = jax.nn.softmax(logits, axis=-1)
    topv, topi = jax.lax.top_k(gates, K)
    topv = topv / jnp.sum(topv, axis=-1, keepdims=True)
    # dense combine weights [tokens, E]
    mask = jnp.sum(jax.nn.one_hot(topi, E, dtype=xt.dtype) * topv[..., None].astype(xt.dtype), axis=1)
    # expert FFNs: gelu(x @ W1 + b1) @ W2 + b2, combined by gate weights
    h = jax.nn.gelu(jnp.einsum('td,edf->tef', xt, W1) + b1[None, :, :])
    eo = jnp.einsum('tef,efd->ted', h, W2) + b2[None, :, :]
    moe_out = jnp.einsum('te,ted->td', mask, eo)
    # MOE wrapper: proj(gelu(moe(x)))
    y = jax.nn.gelu(moe_out) @ Wp + bp
    return y.reshape(Bx, Tx, Hx, OUT)

if __name__ == "__main__":
    import jax
    _d = setup_inputs()
    print(jax.jit(kernel)(*tuple(_d.values())))

</pallas_src>

<mosaic_0001>
#map = affine_map<(d0, d1) -> (0, 0)>
module attributes {stable_mosaic.version = 14 : i64} {
  func.func @dispatch(%arg0: i32, %arg1: i32, %arg2: memref<4096x256xf32, #tpu.memory_space<hbm>>, %arg3: memref<64x128xi32, #tpu.memory_space<hbm>>, %arg4: memref<9984x256xf32, #tpu.memory_space<hbm>>, %arg5: memref<128xi32, #tpu.memory_space<vmem>>, %arg6: memref<128xi32, #tpu.memory_space<vmem>>, %arg7: memref<128x256xf32, #tpu.memory_space<vmem>>, %arg8: memref<!tpu.dma_semaphore, #tpu.memory_space<semaphore_mem>>) attributes {dimension_semantics = [#tpu.dimension_semantics<core_parallel>, #tpu.dimension_semantics<subcore_parallel>], iteration_bounds = array<i64: 2, 16>, scalar_prefetch = 0 : i64, scratch_operands = 4 : i64, tpu.core_type = #tpu.core_type<sc_vector_subcore>, window_params = [{transform_indices = #map}, {transform_indices = #map}, {transform_indices = #map}]} {
    %mul3A = arith.constant 2 : i32
    %mul3A_0 = arith.muli %arg1, %mul3A : i32
    %add3A = arith.addi %mul3A_0, %arg0 : i32
    "tpu.region"() ({
      %run_scoped3A = tpu.sem_alloc : memref<!tpu.dma_semaphore, #tpu.memory_space<semaphore_mem>>
      %dma_start3A_15 = arith.constant 0 : i32
      %dma_start3A_16 = tpu.memref_slice %arg3[%add3A, %dma_start3A_15] : memref<64x128xi32, #tpu.memory_space<hbm>> -> memref<1x128xi32, #tpu.memory_space<hbm>>
      %dma_start3A_17 = tpu.memref_squeeze %dma_start3A_16 : memref<1x128xi32, #tpu.memory_space<hbm>> -> memref<128xi32, #tpu.memory_space<hbm>>
      %dma_start3A_18 = arith.constant 0 : i32
      %dma_start3A_19 = tpu.memref_slice %arg3[%add3A, %dma_start3A_18] : memref<64x128xi32, #tpu.memory_space<hbm>> -> memref<1x128xi32, #tpu.memory_space<hbm>>
      %dma_start3A_20 = tpu.memref_squeeze %dma_start3A_19 : memref<1x128xi32, #tpu.memory_space<hbm>> -> memref<128xi32, #tpu.memory_space<hbm>>
      tpu.enqueue_dma source(%dma_start3A_20 : memref<128xi32, #tpu.memory_space<hbm>>) target(%arg5 : memref<128xi32, #tpu.memory_space<vmem>>) target_semaphore(%run_scoped3A : memref<!tpu.dma_semaphore, #tpu.memory_space<semaphore_mem>>)
      %dma_wait3A_21 = arith.constant 0 : i32
      %dma_wait3A_22 = tpu.memref_slice %arg3[%add3A, %dma_wait3A_21] : memref<64x128xi32, #tpu.memory_space<hbm>> -> memref<1x128xi32, #tpu.memory_space<hbm>>
      %dma_wait3A_23 = tpu.memref_squeeze %dma_wait3A_22 : memref<1x128xi32, #tpu.memory_space<hbm>> -> memref<128xi32, #tpu.memory_space<hbm>>
      %dma_wait3A_24 = arith.constant 0 : i32
      %dma_wait3A_25 = tpu.memref_slice %arg3[%add3A, %dma_wait3A_24] : memref<64x128xi32, #tpu.memory_space<hbm>> -> memref<1x128xi32, #tpu.memory_space<hbm>>
      %dma_wait3A_26 = tpu.memref_squeeze %dma_wait3A_25 : memref<1x128xi32, #tpu.memory_space<hbm>> -> memref<128xi32, #tpu.memory_space<hbm>>
      tpu.wait_dma2 semaphore(%run_scoped3A : memref<!tpu.dma_semaphore, #tpu.memory_space<semaphore_mem>>) src(%dma_wait3A_26 : memref<128xi32, #tpu.memory_space<hbm>>) dst(%arg5 : memref<128xi32, #tpu.memory_space<vmem>>)
      tpu.yield
    }) : () -> ()
    %add3A_1 = arith.constant 32 : i32
    %add3A_2 = arith.addi %add3A_1, %add3A : i32
    "tpu.region"() ({
      %run_scoped3A = tpu.sem_alloc : memref<!tpu.dma_semaphore, #tpu.memory_space<semaphore_mem>>
      %dma_start3A_15 = arith.constant 0 : i32
      %dma_start3A_16 = tpu.memref_slice %arg3[%add3A_2, %dma_start3A_15] : memref<64x128xi32, #tpu.memory_space<hbm>> -> memref<1x128xi32, #tpu.memory_space<hbm>>
      %dma_start3A_17 = tpu.memref_squeeze %dma_start3A_16 : memref<1x128xi32, #tpu.memory_space<hbm>> -> memref<128xi32, #tpu.memory_space<hbm>>
      %dma_start3A_18 = arith.constant 0 : i32
      %dma_start3A_19 = tpu.memref_slice %arg3[%add3A_2, %dma_start3A_18] : memref<64x128xi32, #tpu.memory_space<hbm>> -> memref<1x128xi32, #tpu.memory_space<hbm>>
      %dma_start3A_20 = tpu.memref_squeeze %dma_start3A_19 : memref<1x128xi32, #tpu.memory_space<hbm>> -> memref<128xi32, #tpu.memory_space<hbm>>
      tpu.enqueue_dma source(%dma_start3A_20 : memref<128xi32, #tpu.memory_space<hbm>>) target(%arg6 : memref<128xi32, #tpu.memory_space<vmem>>) target_semaphore(%run_scoped3A : memref<!tpu.dma_semaphore, #tpu.memory_space<semaphore_mem>>)
      %dma_wait3A_21 = arith.constant 0 : i32
      %dma_wait3A_22 = tpu.memref_slice %arg3[%add3A_2, %dma_wait3A_21] : memref<64x128xi32, #tpu.memory_space<hbm>> -> memref<1x128xi32, #tpu.memory_space<hbm>>
      %dma_wait3A_23 = tpu.memref_squeeze %dma_wait3A_22 : memref<1x128xi32, #tpu.memory_space<hbm>> -> memref<128xi32, #tpu.memory_space<hbm>>
      %dma_wait3A_24 = arith.constant 0 : i32
      %dma_wait3A_25 = tpu.memref_slice %arg3[%add3A_2, %dma_wait3A_24] : memref<64x128xi32, #tpu.memory_space<hbm>> -> memref<1x128xi32, #tpu.memory_space<hbm>>
      %dma_wait3A_26 = tpu.memref_squeeze %dma_wait3A_25 : memref<1x128xi32, #tpu.memory_space<hbm>> -> memref<128xi32, #tpu.memory_space<hbm>>
      tpu.wait_dma2 semaphore(%run_scoped3A : memref<!tpu.dma_semaphore, #tpu.memory_space<semaphore_mem>>) src(%dma_wait3A_26 : memref<128xi32, #tpu.memory_space<hbm>>) dst(%arg6 : memref<128xi32, #tpu.memory_space<vmem>>)
      tpu.yield
    }) : () -> ()
    %mul3A_3 = arith.constant 128 : i32
    %mul3A_4 = arith.muli %add3A, %mul3A_3 : i32
    "tpu.region"() ({
      %run_scoped3A = tpu.sem_alloc : memref<!tpu.dma_semaphore, #tpu.memory_space<semaphore_mem>>
      %dma_start3A_15 = arith.constant 0 : i32
      %dma_start3A_16 = tpu.memref_slice %arg2[%mul3A_4, %dma_start3A_15] : memref<4096x256xf32, #tpu.memory_space<hbm>> -> memref<128x256xf32, #tpu.memory_space<hbm>>
      %dma_start3A_17 = arith.constant 0 : i32
      %dma_start3A_18 = tpu.memref_slice %arg2[%mul3A_4, %dma_start3A_17] : memref<4096x256xf32, #tpu.memory_space<hbm>> -> memref<128x256xf32, #tpu.memory_space<hbm>>
      tpu.enqueue_dma source(%dma_start3A_18 : memref<128x256xf32, #tpu.memory_space<hbm>>) target(%arg7 : memref<128x256xf32, #tpu.memory_space<vmem>>) target_semaphore(%run_scoped3A : memref<!tpu.dma_semaphore, #tpu.memory_space<semaphore_mem>>)
      %dma_wait3A_19 = arith.constant 0 : i32
      %dma_wait3A_20 = tpu.memref_slice %arg2[%mul3A_4, %dma_wait3A_19] : memref<4096x256xf32, #tpu.memory_space<hbm>> -> memref<128x256xf32, #tpu.memory_space<hbm>>
      %dma_wait3A_21 = arith.constant 0 : i32
      %dma_wait3A_22 = tpu.memref_slice %arg2[%mul3A_4, %dma_wait3A_21] : memref<4096x256xf32, #tpu.memory_space<hbm>> -> memref<128x256xf32, #tpu.memory_space<hbm>>
      tpu.wait_dma2 semaphore(%run_scoped3A : memref<!tpu.dma_semaphore, #tpu.memory_space<semaphore_mem>>) src(%dma_wait3A_22 : memref<128x256xf32, #tpu.memory_space<hbm>>) dst(%arg7 : memref<128x256xf32, #tpu.memory_space<vmem>>)
      tpu.yield
    }) : () -> ()
    %dma_start3A = arith.constant 0 : i32
    %dma_start3A_5 = arith.constant 0 : i32
    %dma_start3A_6 = tpu.memref_slice %arg4[%dma_start3A, %dma_start3A_5] : memref<9984x256xf32, #tpu.memory_space<hbm>> -> memref<9984x256xf32, #tpu.memory_space<hbm>>
    tpu.enqueue_indirect_dma source(%arg7 : memref<128x256xf32, #tpu.memory_space<vmem>>) target(%dma_start3A_6 : memref<9984x256xf32, #tpu.memory_space<hbm>>) offsets(%arg5 : memref<128xi32, #tpu.memory_space<vmem>>) semaphore(%arg8 : memref<!tpu.dma_semaphore, #tpu.memory_space<semaphore_mem>>)
    %dma_start3A_7 = arith.constant 0 : i32
    %dma_start3A_8 = arith.constant 0 : i32
    %dma_start3A_9 = tpu.memref_slice %arg4[%dma_start3A_7, %dma_start3A_8] : memref<9984x256xf32, #tpu.memory_space<hbm>> -> memref<9984x256xf32, #tpu.memory_space<hbm>>
    tpu.enqueue_indirect_dma source(%arg7 : memref<128x256xf32, #tpu.memory_space<vmem>>) target(%dma_start3A_9 : memref<9984x256xf32, #tpu.memory_space<hbm>>) offsets(%arg6 : memref<128xi32, #tpu.memory_space<vmem>>) semaphore(%arg8 : memref<!tpu.dma_semaphore, #tpu.memory_space<semaphore_mem>>)
    %dma_wait3A = arith.constant 0 : i32
    %dma_wait3A_10 = arith.constant 0 : i32
    %dma_wait3A_11 = tpu.memref_slice %arg4[%dma_wait3A, %dma_wait3A_10] : memref<9984x256xf32, #tpu.memory_space<hbm>> -> memref<9984x256xf32, #tpu.memory_space<hbm>>
    tpu.wait_indirect_dma semaphore(%arg8 : memref<!tpu.dma_semaphore, #tpu.memory_space<semaphore_mem>>) src(%arg7 : memref<128x256xf32, #tpu.memory_space<vmem>>) dst(%dma_wait3A_11 : memref<9984x256xf32, #tpu.memory_space<hbm>>)
    %dma_wait3A_12 = arith.constant 0 : i32
    %dma_wait3A_13 = arith.constant 0 : i32
    %dma_wait3A_14 = tpu.memref_slice %arg4[%dma_wait3A_12, %dma_wait3A_13] : memref<9984x256xf32, #tpu.memory_space<hbm>> -> memref<9984x256xf32, #tpu.memory_space<hbm>>
    tpu.wait_indirect_dma semaphore(%arg8 : memref<!tpu.dma_semaphore, #tpu.memory_space<semaphore_mem>>) src(%arg7 : memref<128x256xf32, #tpu.memory_space<vmem>>) dst(%dma_wait3A_14 : memref<9984x256xf32, #tpu.memory_space<hbm>>)
    return
  }
}

#map = affine_map<(d0, d1) -> (0, 0)>
module attributes {stable_mosaic.version = 14 : i64} {
  func.func @combine(%arg0: i32, %arg1: i32, %arg2: memref<9984x256xf32, #tpu.memory_space<hbm>>, %arg3: memref<64x128xi32, #tpu.memory_space<hbm>>, %arg4: memref<8192x256xf32, #tpu.memory_space<hbm>>, %arg5: memref<256xi32, #tpu.memory_space<vmem>>, %arg6: memref<256x256xf32, #tpu.memory_space<vmem>>, %arg7: memref<!tpu.dma_semaphore, #tpu.memory_space<semaphore_mem>>) attributes {dimension_semantics = [#tpu.dimension_semantics<core_parallel>, #tpu.dimension_semantics<subcore_parallel>], iteration_bounds = array<i64: 2, 16>, scalar_prefetch = 0 : i64, scratch_operands = 3 : i64, tpu.core_type = #tpu.core_type<sc_vector_subcore>, window_params = [{transform_indices = #map}, {transform_indices = #map}, {transform_indices = #map}]} {
    %mul3A = arith.constant 2 : i32
    %mul3A_0 = arith.muli %arg1, %mul3A : i32
    %add3A = arith.addi %mul3A_0, %arg0 : i32
    %jit3A = arith.constant 16 : i32
    %div3A = arith.divsi %add3A, %jit3A : i32
    %sign3A = arith.constant 0 : i32
    %sign3A_1 = arith.cmpi sgt, %add3A, %sign3A : i32
    %sign3A_2 = arith.extui %sign3A_1 : i1 to i32
    %sign3A_3 = arith.constant 0 : i32
    %sign3A_4 = arith.cmpi slt, %add3A, %sign3A_3 : i32
    %sign3A_5 = arith.extui %sign3A_4 : i1 to i32
    %sign3A_6 = arith.subi %sign3A_2, %sign3A_5 : i32
    %sign3A_7 = arith.constant 0 : i32
    %sign3A_8 = arith.cmpi sgt, %jit3A, %sign3A_7 : i32
    %sign3A_9 = arith.extui %sign3A_8 : i1 to i32
    %sign3A_10 = arith.constant 0 : i32
    %sign3A_11 = arith.cmpi slt, %jit3A, %sign3A_10 : i32
    %sign3A_12 = arith.extui %sign3A_11 : i1 to i32
    %sign3A_13 = arith.subi %sign3A_9, %sign3A_12 : i32
    %ne3A = arith.cmpi ne, %sign3A_6, %sign3A_13 : i32
    %rem3A = arith.remsi %add3A, %jit3A : i32
    %ne3A_14 = arith.constant 0 : i32
    %ne3A_15 = arith.cmpi ne, %rem3A, %ne3A_14 : i32
    %and3A = arith.andi %ne3A, %ne3A_15 : i1
    %sub3A = arith.constant 1 : i32
    %sub3A_16 = arith.subi %div3A, %sub3A : i32
    %select_n3A = arith.select %and3A, %sub3A_16, %div3A : i32
    %rem3A_17 = arith.constant 16 : i32
    %rem3A_18 = arith.remsi %add3A, %rem3A_17 : i32
    %mul3A_19 = arith.constant 32 : i32
    %mul3A_20 = arith.muli %mul3A_19, %select_n3A : i32
    %mul3A_21 = arith.constant 2 : i32
    %mul3A_22 = arith.muli %mul3A_21, %rem3A_18 : i32
    %add3A_23 = arith.addi %mul3A_20, %mul3A_22 : i32
    "tpu.region"() ({
      %run_scoped3A = tpu.sem_alloc : memref<!tpu.dma_semaphore, #tpu.memory_space<semaphore_mem>>
      %dma_start3A_32 = arith.constant 0 : i32
      %dma_start3A_33 = tpu.memref_slice %arg5[%dma_start3A_32] : memref<256xi32, #tpu.memory_space<vmem>> -> memref<128xi32, #tpu.memory_space<vmem>>
      %dma_start3A_34 = arith.constant 0 : i32
      %dma_start3A_35 = tpu.memref_slice %arg3[%add3A_23, %dma_start3A_34] : memref<64x128xi32, #tpu.memory_space<hbm>> -> memref<1x128xi32, #tpu.memory_space<hbm>>
      %dma_start3A_36 = tpu.memref_squeeze %dma_start3A_35 : memref<1x128xi32, #tpu.memory_space<hbm>> -> memref<128xi32, #tpu.memory_space<hbm>>
      %dma_start3A_37 = arith.constant 0 : i32
      %dma_start3A_38 = tpu.memref_slice %arg5[%dma_start3A_37] : memref<256xi32, #tpu.memory_space<vmem>> -> memref<128xi32, #tpu.memory_space<vmem>>
      %dma_start3A_39 = arith.constant 0 : i32
      %dma_start3A_40 = tpu.memref_slice %arg3[%add3A_23, %dma_start3A_39] : memref<64x128xi32, #tpu.memory_space<hbm>> -> memref<1x128xi32, #tpu.memory_space<hbm>>
      %dma_start3A_41 = tpu.memref_squeeze %dma_start3A_40 : memref<1x128xi32, #tpu.memory_space<hbm>> -> memref<128xi32, #tpu.memory_space<hbm>>
      tpu.enqueue_dma source(%dma_start3A_41 : memref<128xi32, #tpu.memory_space<hbm>>) target(%dma_start3A_38 : memref<128xi32, #tpu.memory_space<vmem>>) target_semaphore(%run_scoped3A : memref<!tpu.dma_semaphore, #tpu.memory_space<semaphore_mem>>)
      %dma_wait3A_42 = arith.constant 0 : i32
      %dma_wait3A_43 = tpu.memref_slice %arg5[%dma_wait3A_42] : memref<256xi32, #tpu.memory_space<vmem>> -> memref<128xi32, #tpu.memory_space<vmem>>
      %dma_wait3A_44 = arith.constant 0 : i32
      %dma_wait3A_45 = tpu.memref_slice %arg3[%add3A_23, %dma_wait3A_44] : memref<64x128xi32, #tpu.memory_space<hbm>> -> memref<1x128xi32, #tpu.memory_space<hbm>>
      %dma_wait3A_46 = tpu.memref_squeeze %dma_wait3A_45 : memref<1x128xi32, #tpu.memory_space<hbm>> -> memref<128xi32, #tpu.memory_space<hbm>>
      %dma_wait3A_47 = arith.constant 0 : i32
      %dma_wait3A_48 = tpu.memref_slice %arg5[%dma_wait3A_47] : memref<256xi32, #tpu.memory_space<vmem>> -> memref<128xi32, #tpu.memory_space<vmem>>
      %dma_wait3A_49 = arith.constant 0 : i32
      %dma_wait3A_50 = tpu.memref_slice %arg3[%add3A_23, %dma_wait3A_49] : memref<64x128xi32, #tpu.memory_space<hbm>> -> memref<1x128xi32, #tpu.memory_space<hbm>>
      %dma_wait3A_51 = tpu.memref_squeeze %dma_wait3A_50 : memref<1x128xi32, #tpu.memory_space<hbm>> -> memref<128xi32, #tpu.memory_space<hbm>>
      tpu.wait_dma2 semaphore(%run_scoped3A : memref<!tpu.dma_semaphore, #tpu.memory_space<semaphore_mem>>) src(%dma_wait3A_51 : memref<128xi32, #tpu.memory_space<hbm>>) dst(%dma_wait3A_48 : memref<128xi32, #tpu.memory_space<vmem>>)
      tpu.yield
    }) : () -> ()
    %add3A_24 = arith.constant 1 : i32
    %add3A_25 = arith.addi %add3A_23, %add3A_24 : i32
    "tpu.region"() ({
      %run_scoped3A = tpu.sem_alloc : memref<!tpu.dma_semaphore, #tpu.memory_space<semaphore_mem>>
      %dma_start3A_32 = arith.constant 128 : i32
      %dma_start3A_33 = tpu.memref_slice %arg5[%dma_start3A_32] : memref<256xi32, #tpu.memory_space<vmem>> -> memref<128xi32, #tpu.memory_space<vmem>>
      %dma_start3A_34 = arith.constant 0 : i32
      %dma_start3A_35 = tpu.memref_slice %arg3[%add3A_25, %dma_start3A_34] : memref<64x128xi32, #tpu.memory_space<hbm>> -> memref<1x128xi32, #tpu.memory_space<hbm>>
      %dma_start3A_36 = tpu.memref_squeeze %dma_start3A_35 : memref<1x128xi32, #tpu.memory_space<hbm>> -> memref<128xi32, #tpu.memory_space<hbm>>
      %dma_start3A_37 = arith.constant 128 : i32
      %dma_start3A_38 = tpu.memref_slice %arg5[%dma_start3A_37] : memref<256xi32, #tpu.memory_space<vmem>> -> memref<128xi32, #tpu.memory_space<vmem>>
      %dma_start3A_39 = arith.constant 0 : i32
      %dma_start3A_40 = tpu.memref_slice %arg3[%add3A_25, %dma_start3A_39] : memref<64x128xi32, #tpu.memory_space<hbm>> -> memref<1x128xi32, #tpu.memory_space<hbm>>
      %dma_start3A_41 = tpu.memref_squeeze %dma_start3A_40 : memref<1x128xi32, #tpu.memory_space<hbm>> -> memref<128xi32, #tpu.memory_space<hbm>>
      tpu.enqueue_dma source(%dma_start3A_41 : memref<128xi32, #tpu.memory_space<hbm>>) target(%dma_start3A_38 : memref<128xi32, #tpu.memory_space<vmem>>) target_semaphore(%run_scoped3A : memref<!tpu.dma_semaphore, #tpu.memory_space<semaphore_mem>>)
      %dma_wait3A_42 = arith.constant 128 : i32
      %dma_wait3A_43 = tpu.memref_slice %arg5[%dma_wait3A_42] : memref<256xi32, #tpu.memory_space<vmem>> -> memref<128xi32, #tpu.memory_space<vmem>>
      %dma_wait3A_44 = arith.constant 0 : i32
      %dma_wait3A_45 = tpu.memref_slice %arg3[%add3A_25, %dma_wait3A_44] : memref<64x128xi32, #tpu.memory_space<hbm>> -> memref<1x128xi32, #tpu.memory_space<hbm>>
      %dma_wait3A_46 = tpu.memref_squeeze %dma_wait3A_45 : memref<1x128xi32, #tpu.memory_space<hbm>> -> memref<128xi32, #tpu.memory_space<hbm>>
      %dma_wait3A_47 = arith.constant 128 : i32
      %dma_wait3A_48 = tpu.memref_slice %arg5[%dma_wait3A_47] : memref<256xi32, #tpu.memory_space<vmem>> -> memref<128xi32, #tpu.memory_space<vmem>>
      %dma_wait3A_49 = arith.constant 0 : i32
      %dma_wait3A_50 = tpu.memref_slice %arg3[%add3A_25, %dma_wait3A_49] : memref<64x128xi32, #tpu.memory_space<hbm>> -> memref<1x128xi32, #tpu.memory_space<hbm>>
      %dma_wait3A_51 = tpu.memref_squeeze %dma_wait3A_50 : memref<1x128xi32, #tpu.memory_space<hbm>> -> memref<128xi32, #tpu.memory_space<hbm>>
      tpu.wait_dma2 semaphore(%run_scoped3A : memref<!tpu.dma_semaphore, #tpu.memory_space<semaphore_mem>>) src(%dma_wait3A_51 : memref<128xi32, #tpu.memory_space<hbm>>) dst(%dma_wait3A_48 : memref<128xi32, #tpu.memory_space<vmem>>)
      tpu.yield
    }) : () -> ()
    %dma_start3A = arith.constant 0 : i32
    %dma_start3A_26 = arith.constant 0 : i32
    %dma_start3A_27 = tpu.memref_slice %arg2[%dma_start3A, %dma_start3A_26] : memref<9984x256xf32, #tpu.memory_space<hbm>> -> memref<9984x256xf32, #tpu.memory_space<hbm>>
    tpu.enqueue_indirect_dma source(%dma_start3A_27 : memref<9984x256xf32, #tpu.memory_space<hbm>>) target(%arg6 : memref<256x256xf32, #tpu.memory_space<vmem>>) offsets(%arg5 : memref<256xi32, #tpu.memory_space<vmem>>) semaphore(%arg7 : memref<!tpu.dma_semaphore, #tpu.memory_space<semaphore_mem>>)
    %dma_wait3A = arith.constant 0 : i32
    %dma_wait3A_28 = arith.constant 0 : i32
    %dma_wait3A_29 = tpu.memref_slice %arg2[%dma_wait3A, %dma_wait3A_28] : memref<9984x256xf32, #tpu.memory_space<hbm>> -> memref<9984x256xf32, #tpu.memory_space<hbm>>
    tpu.wait_indirect_dma semaphore(%arg7 : memref<!tpu.dma_semaphore, #tpu.memory_space<semaphore_mem>>) src(%dma_wait3A_29 : memref<9984x256xf32, #tpu.memory_space<hbm>>) dst(%arg6 : memref<256x256xf32, #tpu.memory_space<vmem>>)
    %mul3A_30 = arith.constant 256 : i32
    %mul3A_31 = arith.muli %add3A, %mul3A_30 : i32
    "tpu.region"() ({
      %run_scoped3A = tpu.sem_alloc : memref<!tpu.dma_semaphore, #tpu.memory_space<semaphore_mem>>
      %dma_start3A_32 = arith.constant 0 : i32
      %dma_start3A_33 = tpu.memref_slice %arg4[%mul3A_31, %dma_start3A_32] : memref<8192x256xf32, #tpu.memory_space<hbm>> -> memref<256x256xf32, #tpu.memory_space<hbm>>
      %dma_start3A_34 = arith.constant 0 : i32
      %dma_start3A_35 = tpu.memref_slice %arg4[%mul3A_31, %dma_start3A_34] : memref<8192x256xf32, #tpu.memory_space<hbm>> -> memref<256x256xf32, #tpu.memory_space<hbm>>
      tpu.enqueue_dma source(%arg6 : memref<256x256xf32, #tpu.memory_space<vmem>>) target(%dma_start3A_35 : memref<256x256xf32, #tpu.memory_space<hbm>>) target_semaphore(%run_scoped3A : memref<!tpu.dma_semaphore, #tpu.memory_space<semaphore_mem>>)
      %dma_wait3A_36 = arith.constant 0 : i32
      %dma_wait3A_37 = tpu.memref_slice %arg4[%mul3A_31, %dma_wait3A_36] : memref<8192x256xf32, #tpu.memory_space<hbm>> -> memref<256x256xf32, #tpu.memory_space<hbm>>
      %dma_wait3A_38 = arith.constant 0 : i32
      %dma_wait3A_39 = tpu.memref_slice %arg4[%mul3A_31, %dma_wait3A_38] : memref<8192x256xf32, #tpu.memory_space<hbm>> -> memref<256x256xf32, #tpu.memory_space<hbm>>
      tpu.wait_dma2 semaphore(%run_scoped3A : memref<!tpu.dma_semaphore, #tpu.memory_space<semaphore_mem>>) src(%arg6 : memref<256x256xf32, #tpu.memory_space<vmem>>) dst(%dma_wait3A_39 : memref<256x256xf32, #tpu.memory_space<hbm>>)
      tpu.yield
    }) : () -> ()
    return
  }
}

module attributes {stable_mosaic.version = 14 : i64} {
  func.func @_ffn_body(%arg0: i32, %arg1: memref<64xi32, #tpu.memory_space<smem>>, %arg2: memref<256x256xf32, #tpu.memory_space<vmem>>, %arg3: memref<1x256x1024xbf16, #tpu.memory_space<vmem>>, %arg4: memref<1x1x1024xf32, #tpu.memory_space<vmem>>, %arg5: memref<1x1024x256xbf16, #tpu.memory_space<vmem>>, %arg6: memref<1x1x256xf32, #tpu.memory_space<vmem>>, %arg7: memref<256x256xf32, #tpu.memory_space<vmem>>) attributes {dimension_semantics = [#tpu.dimension_semantics<arbitrary>], iteration_bounds = array<i64: 39>, scalar_prefetch = 1 : i64, scratch_operands = 0 : i64, tpu.core_type = #tpu.core_type<tc>, window_params = [{transform_indices = @transform_0, window_bounds = array<i64: 256, 256>}, {transform_indices = @transform_1, window_bounds = array<i64: 1, 256, 1024>}, {transform_indices = @transform_2, window_bounds = array<i64: 1, 1, 1024>}, {transform_indices = @transform_3, window_bounds = array<i64: 1, 1024, 256>}, {transform_indices = @transform_4, window_bounds = array<i64: 1, 1, 256>}, {transform_indices = @transform_5, window_bounds = array<i64: 256, 256>}]} {
    %get3A = arith.constant 0 : index
    %get3A_0 = arith.constant 0 : index
    %get3A_1 = vector.load %arg2[%get3A, %get3A_0] : memref<256x256xf32, #tpu.memory_space<vmem>>, vector<256x256xf32>
    %convert_element_type3A = arith.truncf %get3A_1 : vector<256x256xf32> to vector<256x256xbf16>
    %get3A_2 = arith.constant 0 : index
    %get3A_3 = arith.constant 0 : index
    %get3A_4 = arith.constant 0 : index
    %get3A_5 = vector.load %arg3[%get3A_2, %get3A_3, %get3A_4] : memref<1x256x1024xbf16, #tpu.memory_space<vmem>>, vector<1x256x1024xbf16>
    %get3A_6 = vector.shape_cast %get3A_5 : vector<1x256x1024xbf16> to vector<256x1024xbf16>
    %dot_general3A = arith.constant dense<0.000000e+00> : vector<256x1024xf32>
    %dot_general3A_7 = tpu.matmul %convert_element_type3A, %get3A_6, %dot_general3A {dimension_numbers = #tpu.dot_dimension_numbers<[1], [0], [0], [1], [0, 0, 1, 1], [], []>, transpose_lhs_hint = false} : vector<256x256xbf16>, vector<256x1024xbf16>, vector<256x1024xf32> -> vector<256x1024xf32>
    %get3A_8 = arith.constant 0 : index
    %get3A_9 = arith.constant 0 : index
    %get3A_10 = arith.constant 0 : index
    %get3A_11 = vector.load %arg4[%get3A_8, %get3A_9, %get3A_10] : memref<1x1x1024xf32, #tpu.memory_space<vmem>>, vector<1x1x1024xf32>
    %get3A_12 = vector.shape_cast %get3A_11 : vector<1x1x1024xf32> to vector<1x1024xf32>
    %add3A = vector.broadcast %get3A_12 : vector<1x1024xf32> to vector<256x1024xf32>
    %add3A_13 = arith.addf %dot_general3A_7, %add3A : vector<256x1024xf32>
    %integer_pow3A = arith.mulf %add3A_13, %add3A_13 : vector<256x1024xf32>
    %integer_pow3A_14 = arith.mulf %add3A_13, %integer_pow3A : vector<256x1024xf32>
    %mul3A = arith.constant 4.471500e-02 : f32
    %mul3A_15 = vector.broadcast %mul3A : f32 to vector<256x1024xf32>
    %mul3A_16 = arith.mulf %mul3A_15, %integer_pow3A_14 : vector<256x1024xf32>
    %add3A_17 = arith.addf %add3A_13, %mul3A_16 : vector<256x1024xf32>
    %mul3A_18 = arith.constant 0.797884583 : f32
    %mul3A_19 = vector.broadcast %mul3A_18 : f32 to vector<256x1024xf32>
    %mul3A_20 = arith.mulf %mul3A_19, %add3A_17 : vector<256x1024xf32>
    %tanh3A = math.tanh %mul3A_20 : vector<256x1024xf32>
    %add3A_21 = arith.constant 1.000000e+00 : f32
    %add3A_22 = vector.broadcast %add3A_21 : f32 to vector<256x1024xf32>
    %add3A_23 = arith.addf %add3A_22, %tanh3A : vector<256x1024xf32>
    %mul3A_24 = arith.constant 5.000000e-01 : f32
    %mul3A_25 = vector.broadcast %mul3A_24 : f32 to vector<256x1024xf32>
    %mul3A_26 = arith.mulf %mul3A_25, %add3A_23 : vector<256x1024xf32>
    %mul3A_27 = arith.mulf %add3A_13, %mul3A_26 : vector<256x1024xf32>
    %convert_element_type3A_28 = arith.truncf %mul3A_27 : vector<256x1024xf32> to vector<256x1024xbf16>
    %get3A_29 = arith.constant 0 : index
    %get3A_30 = arith.constant 0 : index
    %get3A_31 = arith.constant 0 : index
    %get3A_32 = vector.load %arg5[%get3A_29, %get3A_30, %get3A_31] : memref<1x1024x256xbf16, #tpu.memory_space<vmem>>, vector<1x1024x256xbf16>
    %get3A_33 = vector.shape_cast %get3A_32 : vector<1x1024x256xbf16> to vector<1024x256xbf16>
    %dot_general3A_34 = arith.constant dense<0.000000e+00> : vector<256x256xf32>
    %dot_general3A_35 = tpu.matmul %convert_element_type3A_28, %get3A_33, %dot_general3A_34 {dimension_numbers = #tpu.dot_dimension_numbers<[1], [0], [0], [1], [0, 0, 1, 1], [], []>, transpose_lhs_hint = false} : vector<256x1024xbf16>, vector<1024x256xbf16>, vector<256x256xf32> -> vector<256x256xf32>
    %get3A_36 = arith.constant 0 : index
    %get3A_37 = arith.constant 0 : index
    %get3A_38 = arith.constant 0 : index
    %get3A_39 = vector.load %arg6[%get3A_36, %get3A_37, %get3A_38] : memref<1x1x256xf32, #tpu.memory_space<vmem>>, vector<1x1x256xf32>
    %get3A_40 = vector.shape_cast %get3A_39 : vector<1x1x256xf32> to vector<1x256xf32>
    %add3A_41 = vector.broadcast %get3A_40 : vector<1x256xf32> to vector<256x256xf32>
    %add3A_42 = arith.addf %dot_general3A_35, %add3A_41 : vector<256x256xf32>
    %swap3A = arith.constant 0 : index
    %swap3A_43 = arith.constant 0 : index
    %swap3A_44 = vector.load %arg7[%swap3A, %swap3A_43] : memref<256x256xf32, #tpu.memory_space<vmem>>, vector<256x256xf32>
    tpu.vector_store %arg7[%swap3A, %swap3A_43], %add3A_42 {strides = array<i32>} : memref<256x256xf32, #tpu.memory_space<vmem>>, vector<256x256xf32>,
    return
  }
  func.func @transform_0(%arg0: i32, %arg1: memref<64xi32, #tpu.memory_space<smem>>) -> (i32, i32) {
    %c0_i32 = arith.constant 0 : i32
    %c0_i32_0 = arith.constant 0 : i32
    return %arg0, %c0_i32 : i32, i32
  }
  func.func @transform_1(%arg0: i32, %arg1: memref<64xi32, #tpu.memory_space<smem>>) -> (i32, i32, i32) {
    %get3A = arith.index_cast %arg0 : i32 to index
    %get3A_0 = memref.load %arg1[%get3A] : memref<64xi32, #tpu.memory_space<smem>>
    %c0_i32 = arith.constant 0 : i32
    %c0_i32_1 = arith.constant 0 : i32
    %c0_i32_2 = arith.constant 0 : i32
    return %get3A_0, %c0_i32, %c0_i32_1 : i32, i32, i32
  }
  func.func @transform_2(%arg0: i32, %arg1: memref<64xi32, #tpu.memory_space<smem>>) -> (i32, i32, i32) {
    %get3A = arith.index_cast %arg0 : i32 to index
    %get3A_0 = memref.load %arg1[%get3A] : memref<64xi32, #tpu.memory_space<smem>>
    %c0_i32 = arith.constant 0 : i32
    %c0_i32_1 = arith.constant 0 : i32
    %c0_i32_2 = arith.constant 0 : i32
    return %get3A_0, %c0_i32, %c0_i32_1 : i32, i32, i32
  }
  func.func @transform_3(%arg0: i32, %arg1: memref<64xi32, #tpu.memory_space<smem>>) -> (i32, i32, i32) {
    %get3A = arith.index_cast %arg0 : i32 to index
    %get3A_0 = memref.load %arg1[%get3A] : memref<64xi32, #tpu.memory_space<smem>>
    %c0_i32 = arith.constant 0 : i32
    %c0_i32_1 = arith.constant 0 : i32
    %c0_i32_2 = arith.constant 0 : i32
    return %get3A_0, %c0_i32, %c0_i32_1 : i32, i32, i32
  }
  func.func @transform_4(%arg0: i32, %arg1: memref<64xi32, #tpu.memory_space<smem>>) -> (i32, i32, i32) {
    %get3A = arith.index_cast %arg0 : i32 to index
    %get3A_0 = memref.load %arg1[%get3A] : memref<64xi32, #tpu.memory_space<smem>>
    %c0_i32 = arith.constant 0 : i32
    %c0_i32_1 = arith.constant 0 : i32
    %c0_i32_2 = arith.constant 0 : i32
    return %get3A_0, %c0_i32, %c0_i32_1 : i32, i32, i32
  }
  func.func @transform_5(%arg0: i32, %arg1: memref<64xi32, #tpu.memory_space<smem>>) -> (i32, i32) {
    %c0_i32 = arith.constant 0 : i32
    %c0_i32_0 = arith.constant 0 : i32
    return %arg0, %c0_i32 : i32, i32
  }
}

module attributes {stable_mosaic.version = 14 : i64} {
  func.func @_gate_route_body(%arg0: i32, %arg1: memref<256x256xf32, #tpu.memory_space<vmem>>, %arg2: memref<256x256xf32, #tpu.memory_space<vmem>>, %arg3: memref<256x8xf32, #tpu.memory_space<vmem>>, %arg4: memref<256x256xf32, #tpu.memory_space<vmem>>, %arg5: memref<64x128xi32, #tpu.memory_space<vmem>>, %arg6: memref<1x64xi32, #tpu.memory_space<vmem>>, %arg7: memref<1x256x1xf32, #tpu.memory_space<vmem>>, %arg8: memref<1x256x1xf32, #tpu.memory_space<vmem>>, %arg9: memref<16x8x256xf32, #tpu.memory_space<vmem>>, %arg10: memref<16x8x256xf32, #tpu.memory_space<vmem>>, %arg11: memref<16x1x256xf32, #tpu.memory_space<vmem>>, %arg12: memref<16x1x256xf32, #tpu.memory_space<vmem>>) attributes {dimension_semantics = [#tpu.dimension_semantics<arbitrary>], iteration_bounds = array<i64: 17>, scalar_prefetch = 0 : i64, scratch_operands = 4 : i64, tpu.core_type = #tpu.core_type<tc>, window_params = [{transform_indices = @transform_0, window_bounds = array<i64: 256, 256>}, {transform_indices = @transform_1, window_bounds = array<i64: 256, 256>}, {pipeline_mode = #tpu.pipeline_mode<synchronous>, transform_indices = @transform_2, window_bounds = array<i64: 256, 8>}, {transform_indices = @transform_3, window_bounds = array<i64: 256, 256>}, {pipeline_mode = #tpu.pipeline_mode<synchronous>, transform_indices = @transform_4, window_bounds = array<i64: 64, 128>}, {pipeline_mode = #tpu.pipeline_mode<synchronous>, transform_indices = @transform_5, window_bounds = array<i64: 1, 64>}, {transform_indices = @transform_6, window_bounds = array<i64: 1, 256, 1>}, {transform_indices = @transform_7, window_bounds = array<i64: 1, 256, 1>}]} {
    %eq3A = arith.constant 16 : i32
    %eq3A_0 = arith.cmpi eq, %arg0, %eq3A : i32
    %jit3A = arith.constant 0 : i32
    %select_n3A = arith.select %eq3A_0, %jit3A, %arg0 : i32
    %get3A = arith.constant 0 : index
    %get3A_1 = arith.constant 0 : index
    %get3A_2 = vector.load %arg1[%get3A, %get3A_1] : memref<256x256xf32, #tpu.memory_space<vmem>>, vector<256x256xf32>
    %get3A_3 = arith.constant 0 : index
    %get3A_4 = arith.constant 0 : index
    %get3A_5 = vector.load %arg2[%get3A_3, %get3A_4] : memref<256x256xf32, #tpu.memory_space<vmem>>, vector<256x256xf32>
    %add3A = arith.addf %get3A_2, %get3A_5 : vector<256x256xf32>
    %swap3A = arith.constant 0 : index
    %swap3A_6 = arith.constant 0 : index
    %swap3A_7 = vector.load %arg4[%swap3A, %swap3A_6] : memref<256x256xf32, #tpu.memory_space<vmem>>, vector<256x256xf32>
    tpu.vector_store %arg4[%swap3A, %swap3A_6], %add3A {strides = array<i32>} : memref<256x256xf32, #tpu.memory_space<vmem>>, vector<256x256xf32>,
    %get3A_8 = arith.constant 0 : index
    %get3A_9 = arith.constant 0 : index
    %get3A_10 = vector.load %arg3[%get3A_8, %get3A_9] : memref<256x8xf32, #tpu.memory_space<vmem>>, vector<256x8xf32>
    %dot_general3A = arith.constant dense<0.000000e+00> : vector<8x256xf32>
    %dot_general3A_11 = tpu.matmul %get3A_10, %add3A, %dot_general3A {dimension_numbers = #tpu.dot_dimension_numbers<[0], [1], [1], [0], [0, 1, 1, 0], [], []>, transpose_lhs_hint = false} : vector<256x8xf32>, vector<256x256xf32>, vector<8x256xf32> -> vector<8x256xf32>
    %reduce_max3A = arith.constant dense<0xFF800000> : vector<256xf32>
    %reduce_max3A_12 = vector.multi_reduction <maximumf>, %dot_general3A_11, %reduce_max3A [0] : vector<8x256xf32> to vector<256xf32>
    %broadcast_in_dim3A = vector.shape_cast %reduce_max3A_12 : vector<256xf32> to vector<1x256xf32>
    %sub3A = vector.broadcast %broadcast_in_dim3A : vector<1x256xf32> to vector<8x256xf32>
    %sub3A_13 = arith.subf %dot_general3A_11, %sub3A : vector<8x256xf32>
    %exp3A = math.exp %sub3A_13 : vector<8x256xf32>
    %reduce_sum3A = arith.constant dense<0.000000e+00> : vector<256xf32>
    %reduce_sum3A_14 = vector.multi_reduction <add>, %exp3A, %reduce_sum3A [0] : vector<8x256xf32> to vector<256xf32>
    %broadcast_in_dim3A_15 = vector.shape_cast %reduce_sum3A_14 : vector<256xf32> to vector<1x256xf32>
    %div3A = vector.broadcast %broadcast_in_dim3A_15 : vector<1x256xf32> to vector<8x256xf32>
    %div3A_16 = arith.divf %exp3A, %div3A : vector<8x256xf32>
    %iota3A = tpu.iota {dimensions = array<i32: 0>} : vector<8x256xi32>
    %reduce_max3A_17 = arith.constant dense<0xFF800000> : vector<256xf32>
    %reduce_max3A_18 = vector.multi_reduction <maximumf>, %div3A_16, %reduce_max3A_17 [0] : vector<8x256xf32> to vector<256xf32>
    %broadcast_in_dim3A_19 = vector.shape_cast %reduce_max3A_18 : vector<256xf32> to vector<1x256xf32>
    %eq3A_20 = vector.broadcast %broadcast_in_dim3A_19 : vector<1x256xf32> to vector<8x256xf32>
    %eq3A_21 = arith.cmpf oeq, %div3A_16, %eq3A_20 : vector<8x256xf32>
    %jit3A_22 = arith.constant 8 : i32
    %broadcast_in_dim3A_23 = vector.broadcast %jit3A_22 : i32 to vector<8x256xi32>
    %select_n3A_24 = arith.select %eq3A_21, %iota3A, %broadcast_in_dim3A_23 : vector<8x256xi1>, vector<8x256xi32>
    %reduce_min3A = arith.constant dense<2147483647> : vector<256xi32>
    %reduce_min3A_25 = vector.multi_reduction <minsi>, %select_n3A_24, %reduce_min3A [0] : vector<8x256xi32> to vector<256xi32>
    %broadcast_in_dim3A_26 = vector.shape_cast %reduce_min3A_25 : vector<256xi32> to vector<1x256xi32>
    %eq3A_27 = vector.broadcast %broadcast_in_dim3A_26 : vector<1x256xi32> to vector<8x256xi32>
    %eq3A_28 = arith.cmpi eq, %iota3A, %eq3A_27 : vector<8x256xi32>
    %jit3A_29 = arith.constant 0xFF800000 : f32
    %broadcast_in_dim3A_30 = vector.broadcast %jit3A_29 : f32 to vector<8x256xf32>
    %select_n3A_31 = arith.select %eq3A_28, %broadcast_in_dim3A_30, %div3A_16 : vector<8x256xi1>, vector<8x256xf32>
    %reduce_max3A_32 = arith.constant dense<0xFF800000> : vector<256xf32>
    %reduce_max3A_33 = vector.multi_reduction <maximumf>, %select_n3A_31, %reduce_max3A_32 [0] : vector<8x256xf32> to vector<256xf32>
    %broadcast_in_dim3A_34 = vector.shape_cast %reduce_max3A_33 : vector<256xf32> to vector<1x256xf32>
    %eq3A_35 = vector.broadcast %broadcast_in_dim3A_34 : vector<1x256xf32> to vector<8x256xf32>
    %eq3A_36 = arith.cmpf oeq, %select_n3A_31, %eq3A_35 : vector<8x256xf32>
    %jit3A_37 = arith.constant 8 : i32
    %broadcast_in_dim3A_38 = vector.broadcast %jit3A_37 : i32 to vector<8x256xi32>
    %select_n3A_39 = arith.select %eq3A_36, %iota3A, %broadcast_in_dim3A_38 : vector<8x256xi1>, vector<8x256xi32>
    %reduce_min3A_40 = arith.constant dense<2147483647> : vector<256xi32>
    %reduce_min3A_41 = vector.multi_reduction <minsi>, %select_n3A_39, %reduce_min3A_40 [0] : vector<8x256xi32> to vector<256xi32>
    %broadcast_in_dim3A_42 = vector.shape_cast %reduce_min3A_41 : vector<256xi32> to vector<1x256xi32>
    %eq3A_43 = vector.broadcast %broadcast_in_dim3A_42 : vector<1x256xi32> to vector<8x256xi32>
    %eq3A_44 = arith.cmpi eq, %iota3A, %eq3A_43 : vector<8x256xi32>
    %add3A_45 = arith.addf %broadcast_in_dim3A_19, %broadcast_in_dim3A_34 : vector<1x256xf32>
    %div3A_46 = arith.divf %broadcast_in_dim3A_19, %add3A_45 : vector<1x256xf32>
    %div3A_47 = arith.divf %broadcast_in_dim3A_34, %add3A_45 : vector<1x256xf32>
    %iota3A_48 = tpu.iota {dimensions = array<i32: 0>} : vector<256x256xi32>
    %iota3A_49 = tpu.iota {dimensions = array<i32: 1>} : vector<256x256xi32>
    %eq3A_50 = arith.cmpi eq, %iota3A_48, %iota3A_49 : vector<256x256xi32>
    %convert_element_type3A = arith.extui %eq3A_50 : vector<256x256xi1> to vector<256x256xi32>
    %convert_element_type3A_51 = arith.sitofp %convert_element_type3A : vector<256x256xi32> to vector<256x256xf32>
    %dot_general3A_52 = arith.constant dense<0.000000e+00> : vector<256x1xf32>
    %dot_general3A_53 = tpu.matmul %convert_element_type3A_51, %div3A_46, %dot_general3A_52 {dimension_numbers = #tpu.dot_dimension_numbers<[1], [1], [0], [0], [0, 0, 1, 0], [], []>, transpose_lhs_hint = false} : vector<256x256xf32>, vector<1x256xf32>, vector<256x1xf32> -> vector<256x1xf32>
    %swap3A_54 = arith.constant 0 : index
    %swap3A_55 = arith.constant 0 : index
    %swap3A_56 = arith.constant 0 : index
    %swap3A_57 = vector.load %arg7[%swap3A_54, %swap3A_55, %swap3A_56] : memref<1x256x1xf32, #tpu.memory_space<vmem>>, vector<1x256x1xf32>
    %swap3A_58 = vector.shape_cast %swap3A_57 : vector<1x256x1xf32> to vector<256x1xf32>
    %swap3A_59 = vector.shape_cast %dot_general3A_53 : vector<256x1xf32> to vector<1x256x1xf32>
    tpu.vector_store %arg7[%swap3A_54, %swap3A_55, %swap3A_56], %swap3A_59 {strides = array<i32>} : memref<1x256x1xf32, #tpu.memory_space<vmem>>, vector<1x256x1xf32>,
    %dot_general3A_60 = arith.constant dense<0.000000e+00> : vector<256x1xf32>
    %dot_general3A_61 = tpu.matmul %convert_element_type3A_51, %div3A_47, %dot_general3A_60 {dimension_numbers = #tpu.dot_dimension_numbers<[1], [1], [0], [0], [0, 0, 1, 0], [], []>, transpose_lhs_hint = false} : vector<256x256xf32>, vector<1x256xf32>, vector<256x1xf32> -> vector<256x1xf32>
    %swap3A_62 = arith.constant 0 : index
    %swap3A_63 = arith.constant 0 : index
    %swap3A_64 = arith.constant 0 : index
    %swap3A_65 = vector.load %arg8[%swap3A_62, %swap3A_63, %swap3A_64] : memref<1x256x1xf32, #tpu.memory_space<vmem>>, vector<1x256x1xf32>
    %swap3A_66 = vector.shape_cast %swap3A_65 : vector<1x256x1xf32> to vector<256x1xf32>
    %swap3A_67 = vector.shape_cast %dot_general3A_61 : vector<256x1xf32> to vector<1x256x1xf32>
    tpu.vector_store %arg8[%swap3A_62, %swap3A_63, %swap3A_64], %swap3A_67 {strides = array<i32>} : memref<1x256x1xf32, #tpu.memory_space<vmem>>, vector<1x256x1xf32>,
    %convert_element_type3A_68 = arith.extui %eq3A_28 : vector<8x256xi1> to vector<8x256xi32>
    %convert_element_type3A_69 = arith.sitofp %convert_element_type3A_68 : vector<8x256xi32> to vector<8x256xf32>
    %convert_element_type3A_70 = arith.extui %eq3A_44 : vector<8x256xi1> to vector<8x256xi32>
    %convert_element_type3A_71 = arith.sitofp %convert_element_type3A_70 : vector<8x256xi32> to vector<8x256xf32>
    %lt3A = arith.cmpi slt, %iota3A_48, %iota3A_49 : vector<256x256xi32>
    %convert_element_type3A_72 = arith.extui %lt3A : vector<256x256xi1> to vector<256x256xi32>
    %convert_element_type3A_73 = arith.sitofp %convert_element_type3A_72 : vector<256x256xi32> to vector<256x256xf32>
    %dot_general3A_74 = arith.constant dense<0.000000e+00> : vector<8x256xf32>
    %dot_general3A_75 = tpu.matmul %convert_element_type3A_69, %convert_element_type3A_73, %dot_general3A_74 {dimension_numbers = #tpu.dot_dimension_numbers<[1], [0], [0], [1], [0, 0, 1, 1], [], []>, transpose_lhs_hint = false} : vector<8x256xf32>, vector<256x256xf32>, vector<8x256xf32> -> vector<8x256xf32>
    %dot_general3A_76 = arith.constant dense<0.000000e+00> : vector<8x256xf32>
    %dot_general3A_77 = tpu.matmul %convert_element_type3A_71, %convert_element_type3A_73, %dot_general3A_76 {dimension_numbers = #tpu.dot_dimension_numbers<[1], [0], [0], [1], [0, 0, 1, 1], [], []>, transpose_lhs_hint = false} : vector<8x256xf32>, vector<256x256xf32>, vector<8x256xf32> -> vector<8x256xf32>
    %swap3A_78 = arith.index_cast %select_n3A : i32 to index
    %swap3A_79 = arith.constant 0 : index
    %swap3A_80 = arith.constant 0 : index
    %swap3A_81 = vector.load %arg9[%swap3A_78, %swap3A_79, %swap3A_80] : memref<16x8x256xf32, #tpu.memory_space<vmem>>, vector<1x8x256xf32>
    %swap3A_82 = vector.shape_cast %swap3A_81 : vector<1x8x256xf32> to vector<8x256xf32>
    %swap3A_83 = vector.shape_cast %convert_element_type3A_69 : vector<8x256xf32> to vector<1x8x256xf32>
    tpu.vector_store %arg9[%swap3A_78, %swap3A_79, %swap3A_80], %swap3A_83 {strides = array<i32>} : memref<16x8x256xf32, #tpu.memory_space<vmem>>, vector<1x8x256xf32>,
    %swap3A_84 = arith.index_cast %select_n3A : i32 to index
    %swap3A_85 = arith.constant 0 : index
    %swap3A_86 = arith.constant 0 : index
    %swap3A_87 = vector.load %arg10[%swap3A_84, %swap3A_85, %swap3A_86] : memref<16x8x256xf32, #tpu.memory_space<vmem>>, vector<1x8x256xf32>
    %swap3A_88 = vector.shape_cast %swap3A_87 : vector<1x8x256xf32> to vector<8x256xf32>
    %swap3A_89 = vector.shape_cast %convert_element_type3A_71 : vector<8x256xf32> to vector<1x8x256xf32>
    tpu.vector_store %arg10[%swap3A_84, %swap3A_85, %swap3A_86], %swap3A_89 {strides = array<i32>} : memref<16x8x256xf32, #tpu.memory_space<vmem>>, vector<1x8x256xf32>,
    %mul3A = arith.mulf %dot_general3A_75, %convert_element_type3A_69 : vector<8x256xf32>
    %reduce_sum3A_90 = arith.constant dense<0.000000e+00> : vector<256xf32>
    %reduce_sum3A_91 = vector.multi_reduction <add>, %mul3A, %reduce_sum3A_90 [0] : vector<8x256xf32> to vector<256xf32>
    %broadcast_in_dim3A_92 = vector.shape_cast %reduce_sum3A_91 : vector<256xf32> to vector<1x256xf32>
    %swap3A_93 = arith.index_cast %select_n3A : i32 to index
    %swap3A_94 = arith.constant 0 : index
    %swap3A_95 = arith.constant 0 : index
    %swap3A_96 = vector.load %arg11[%swap3A_93, %swap3A_94, %swap3A_95] : memref<16x1x256xf32, #tpu.memory_space<vmem>>, vector<1x1x256xf32>
    %swap3A_97 = vector.shape_cast %swap3A_96 : vector<1x1x256xf32> to vector<1x256xf32>
    %swap3A_98 = vector.shape_cast %broadcast_in_dim3A_92 : vector<1x256xf32> to vector<1x1x256xf32>
    tpu.vector_store %arg11[%swap3A_93, %swap3A_94, %swap3A_95], %swap3A_98 {strides = array<i32>} : memref<16x1x256xf32, #tpu.memory_space<vmem>>, vector<1x1x256xf32>,
    %mul3A_99 = arith.mulf %dot_general3A_77, %convert_element_type3A_71 : vector<8x256xf32>
    %reduce_sum3A_100 = arith.constant dense<0.000000e+00> : vector<256xf32>
    %reduce_sum3A_101 = vector.multi_reduction <add>, %mul3A_99, %reduce_sum3A_100 [0] : vector<8x256xf32> to vector<256xf32>
    %broadcast_in_dim3A_102 = vector.shape_cast %reduce_sum3A_101 : vector<256xf32> to vector<1x256xf32>
    %swap3A_103 = arith.index_cast %select_n3A : i32 to index
    %swap3A_104 = arith.constant 0 : index
    %swap3A_105 = arith.constant 0 : index
    %swap3A_106 = vector.load %arg12[%swap3A_103, %swap3A_104, %swap3A_105] : memref<16x1x256xf32, #tpu.memory_space<vmem>>, vector<1x1x256xf32>
    %swap3A_107 = vector.shape_cast %swap3A_106 : vector<1x1x256xf32> to vector<1x256xf32>
    %swap3A_108 = vector.shape_cast %broadcast_in_dim3A_102 : vector<1x256xf32> to vector<1x1x256xf32>
    tpu.vector_store %arg12[%swap3A_103, %swap3A_104, %swap3A_105], %swap3A_108 {strides = array<i32>} : memref<16x1x256xf32, #tpu.memory_space<vmem>>, vector<1x1x256xf32>,
    %eq3A_109 = arith.constant 16 : i32
    %eq3A_110 = arith.cmpi eq, %arg0, %eq3A_109 : i32
    %convert_element_type3A_111 = arith.extui %eq3A_110 : i1 to i32
    %cond3A = arith.constant 0 : i32
    %cond3A_112 = arith.cmpi ne, %convert_element_type3A_111, %cond3A : i32
    scf.if %cond3A_112 {
      %get3A_113 = arith.constant 0 : index
      %get3A_114 = arith.constant 0 : index
      %get3A_115 = arith.constant 0 : index
      %get3A_116 = vector.load %arg9[%get3A_113, %get3A_114, %get3A_115] : memref<16x8x256xf32, #tpu.memory_space<vmem>>, vector<1x8x256xf32>
      %get3A_117 = vector.shape_cast %get3A_116 : vector<1x8x256xf32> to vector<8x256xf32>
      %reduce_sum3A_118 = arith.constant dense<0.000000e+00> : vector<8xf32>
      %reduce_sum3A_119 = vector.multi_reduction <add>, %get3A_117, %reduce_sum3A_118 [1] : vector<8x256xf32> to vector<8xf32>
      %broadcast_in_dim3A_120 = vector.shape_cast %reduce_sum3A_119 : vector<8xf32> to vector<8x1xf32>
      %get3A_121 = arith.constant 1 : index
      %get3A_122 = arith.constant 0 : index
      %get3A_123 = arith.constant 0 : index
      %get3A_124 = vector.load %arg9[%get3A_121, %get3A_122, %get3A_123] : memref<16x8x256xf32, #tpu.memory_space<vmem>>, vector<1x8x256xf32>
      %get3A_125 = vector.shape_cast %get3A_124 : vector<1x8x256xf32> to vector<8x256xf32>
      %reduce_sum3A_126 = arith.constant dense<0.000000e+00> : vector<8xf32>
      %reduce_sum3A_127 = vector.multi_reduction <add>, %get3A_125, %reduce_sum3A_126 [1] : vector<8x256xf32> to vector<8xf32>
      %broadcast_in_dim3A_128 = vector.shape_cast %reduce_sum3A_127 : vector<8xf32> to vector<8x1xf32>
      %get3A_129 = arith.constant 2 : index
      %get3A_130 = arith.constant 0 : index
      %get3A_131 = arith.constant 0 : index
      %get3A_132 = vector.load %arg9[%get3A_129, %get3A_130, %get3A_131] : memref<16x8x256xf32, #tpu.memory_space<vmem>>, vector<1x8x256xf32>
      %get3A_133 = vector.shape_cast %get3A_132 : vector<1x8x256xf32> to vector<8x256xf32>
      %reduce_sum3A_134 = arith.constant dense<0.000000e+00> : vector<8xf32>
      %reduce_sum3A_135 = vector.multi_reduction <add>, %get3A_133, %reduce_sum3A_134 [1] : vector<8x256xf32> to vector<8xf32>
      %broadcast_in_dim3A_136 = vector.shape_cast %reduce_sum3A_135 : vector<8xf32> to vector<8x1xf32>
      %get3A_137 = arith.constant 3 : index
      %get3A_138 = arith.constant 0 : index
      %get3A_139 = arith.constant 0 : index
      %get3A_140 = vector.load %arg9[%get3A_137, %get3A_138, %get3A_139] : memref<16x8x256xf32, #tpu.memory_space<vmem>>, vector<1x8x256xf32>
      %get3A_141 = vector.shape_cast %get3A_140 : vector<1x8x256xf32> to vector<8x256xf32>
      %reduce_sum3A_142 = arith.constant dense<0.000000e+00> : vector<8xf32>
      %reduce_sum3A_143 = vector.multi_reduction <add>, %get3A_141, %reduce_sum3A_142 [1] : vector<8x256xf32> to vector<8xf32>
      %broadcast_in_dim3A_144 = vector.shape_cast %reduce_sum3A_143 : vector<8xf32> to vector<8x1xf32>
      %get3A_145 = arith.constant 4 : index
      %get3A_146 = arith.constant 0 : index
      %get3A_147 = arith.constant 0 : index
      %get3A_148 = vector.load %arg9[%get3A_145, %get3A_146, %get3A_147] : memref<16x8x256xf32, #tpu.memory_space<vmem>>, vector<1x8x256xf32>
      %get3A_149 = vector.shape_cast %get3A_148 : vector<1x8x256xf32> to vector<8x256xf32>
      %reduce_sum3A_150 = arith.constant dense<0.000000e+00> : vector<8xf32>
      %reduce_sum3A_151 = vector.multi_reduction <add>, %get3A_149, %reduce_sum3A_150 [1] : vector<8x256xf32> to vector<8xf32>
      %broadcast_in_dim3A_152 = vector.shape_cast %reduce_sum3A_151 : vector<8xf32> to vector<8x1xf32>
      %get3A_153 = arith.constant 5 : index
      %get3A_154 = arith.constant 0 : index
      %get3A_155 = arith.constant 0 : index
      %get3A_156 = vector.load %arg9[%get3A_153, %get3A_154, %get3A_155] : memref<16x8x256xf32, #tpu.memory_space<vmem>>, vector<1x8x256xf32>
      %get3A_157 = vector.shape_cast %get3A_156 : vector<1x8x256xf32> to vector<8x256xf32>
      %reduce_sum3A_158 = arith.constant dense<0.000000e+00> : vector<8xf32>
      %reduce_sum3A_159 = vector.multi_reduction <add>, %get3A_157, %reduce_sum3A_158 [1] : vector<8x256xf32> to vector<8xf32>
      %broadcast_in_dim3A_160 = vector.shape_cast %reduce_sum3A_159 : vector<8xf32> to vector<8x1xf32>
      %get3A_161 = arith.constant 6 : index
      %get3A_162 = arith.constant 0 : index
      %get3A_163 = arith.constant 0 : index
      %get3A_164 = vector.load %arg9[%get3A_161, %get3A_162, %get3A_163] : memref<16x8x256xf32, #tpu.memory_space<vmem>>, vector<1x8x256xf32>
      %get3A_165 = vector.shape_cast %get3A_164 : vector<1x8x256xf32> to vector<8x256xf32>
      %reduce_sum3A_166 = arith.constant dense<0.000000e+00> : vector<8xf32>
      %reduce_sum3A_167 = vector.multi_reduction <add>, %get3A_165, %reduce_sum3A_166 [1] : vector<8x256xf32> to vector<8xf32>
      %broadcast_in_dim3A_168 = vector.shape_cast %reduce_sum3A_167 : vector<8xf32> to vector<8x1xf32>
      %get3A_169 = arith.constant 7 : index
      %get3A_170 = arith.constant 0 : index
      %get3A_171 = arith.constant 0 : index
      %get3A_172 = vector.load %arg9[%get3A_169, %get3A_170, %get3A_171] : memref<16x8x256xf32, #tpu.memory_space<vmem>>, vector<1x8x256xf32>
      %get3A_173 = vector.shape_cast %get3A_172 : vector<1x8x256xf32> to vector<8x256xf32>
      %reduce_sum3A_174 = arith.constant dense<0.000000e+00> : vector<8xf32>
      %reduce_sum3A_175 = vector.multi_reduction <add>, %get3A_173, %reduce_sum3A_174 [1] : vector<8x256xf32> to vector<8xf32>
      %broadcast_in_dim3A_176 = vector.shape_cast %reduce_sum3A_175 : vector<8xf32> to vector<8x1xf32>
      %get3A_177 = arith.constant 8 : index
      %get3A_178 = arith.constant 0 : index
      %get3A_179 = arith.constant 0 : index
      %get3A_180 = vector.load %arg9[%get3A_177, %get3A_178, %get3A_179] : memref<16x8x256xf32, #tpu.memory_space<vmem>>, vector<1x8x256xf32>
      %get3A_181 = vector.shape_cast %get3A_180 : vector<1x8x256xf32> to vector<8x256xf32>
      %reduce_sum3A_182 = arith.constant dense<0.000000e+00> : vector<8xf32>
      %reduce_sum3A_183 = vector.multi_reduction <add>, %get3A_181, %reduce_sum3A_182 [1] : vector<8x256xf32> to vector<8xf32>
      %broadcast_in_dim3A_184 = vector.shape_cast %reduce_sum3A_183 : vector<8xf32> to vector<8x1xf32>
      %get3A_185 = arith.constant 9 : index
      %get3A_186 = arith.constant 0 : index
      %get3A_187 = arith.constant 0 : index
      %get3A_188 = vector.load %arg9[%get3A_185, %get3A_186, %get3A_187] : memref<16x8x256xf32, #tpu.memory_space<vmem>>, vector<1x8x256xf32>
      %get3A_189 = vector.shape_cast %get3A_188 : vector<1x8x256xf32> to vector<8x256xf32>
      %reduce_sum3A_190 = arith.constant dense<0.000000e+00> : vector<8xf32>
      %reduce_sum3A_191 = vector.multi_reduction <add>, %get3A_189, %reduce_sum3A_190 [1] : vector<8x256xf32> to vector<8xf32>
      %broadcast_in_dim3A_192 = vector.shape_cast %reduce_sum3A_191 : vector<8xf32> to vector<8x1xf32>
      %get3A_193 = arith.constant 10 : index
      %get3A_194 = arith.constant 0 : index
      %get3A_195 = arith.constant 0 : index
      %get3A_196 = vector.load %arg9[%get3A_193, %get3A_194, %get3A_195] : memref<16x8x256xf32, #tpu.memory_space<vmem>>, vector<1x8x256xf32>
      %get3A_197 = vector.shape_cast %get3A_196 : vector<1x8x256xf32> to vector<8x256xf32>
      %reduce_sum3A_198 = arith.constant dense<0.000000e+00> : vector<8xf32>
      %reduce_sum3A_199 = vector.multi_reduction <add>, %get3A_197, %reduce_sum3A_198 [1] : vector<8x256xf32> to vector<8xf32>
      %broadcast_in_dim3A_200 = vector.shape_cast %reduce_sum3A_199 : vector<8xf32> to vector<8x1xf32>
      %get3A_201 = arith.constant 11 : index
      %get3A_202 = arith.constant 0 : index
      %get3A_203 = arith.constant 0 : index
      %get3A_204 = vector.load %arg9[%get3A_201, %get3A_202, %get3A_203] : memref<16x8x256xf32, #tpu.memory_space<vmem>>, vector<1x8x256xf32>
      %get3A_205 = vector.shape_cast %get3A_204 : vector<1x8x256xf32> to vector<8x256xf32>
      %reduce_sum3A_206 = arith.constant dense<0.000000e+00> : vector<8xf32>
      %reduce_sum3A_207 = vector.multi_reduction <add>, %get3A_205, %reduce_sum3A_206 [1] : vector<8x256xf32> to vector<8xf32>
      %broadcast_in_dim3A_208 = vector.shape_cast %reduce_sum3A_207 : vector<8xf32> to vector<8x1xf32>
      %get3A_209 = arith.constant 12 : index
      %get3A_210 = arith.constant 0 : index
      %get3A_211 = arith.constant 0 : index
      %get3A_212 = vector.load %arg9[%get3A_209, %get3A_210, %get3A_211] : memref<16x8x256xf32, #tpu.memory_space<vmem>>, vector<1x8x256xf32>
      %get3A_213 = vector.shape_cast %get3A_212 : vector<1x8x256xf32> to vector<8x256xf32>
      %reduce_sum3A_214 = arith.constant dense<0.000000e+00> : vector<8xf32>
      %reduce_sum3A_215 = vector.multi_reduction <add>, %get3A_213, %reduce_sum3A_214 [1] : vector<8x256xf32> to vector<8xf32>
      %broadcast_in_dim3A_216 = vector.shape_cast %reduce_sum3A_215 : vector<8xf32> to vector<8x1xf32>
      %get3A_217 = arith.constant 13 : index
      %get3A_218 = arith.constant 0 : index
      %get3A_219 = arith.constant 0 : index
      %get3A_220 = vector.load %arg9[%get3A_217, %get3A_218, %get3A_219] : memref<16x8x256xf32, #tpu.memory_space<vmem>>, vector<1x8x256xf32>
      %get3A_221 = vector.shape_cast %get3A_220 : vector<1x8x256xf32> to vector<8x256xf32>
      %reduce_sum3A_222 = arith.constant dense<0.000000e+00> : vector<8xf32>
      %reduce_sum3A_223 = vector.multi_reduction <add>, %get3A_221, %reduce_sum3A_222 [1] : vector<8x256xf32> to vector<8xf32>
      %broadcast_in_dim3A_224 = vector.shape_cast %reduce_sum3A_223 : vector<8xf32> to vector<8x1xf32>
      %get3A_225 = arith.constant 14 : index
      %get3A_226 = arith.constant 0 : index
      %get3A_227 = arith.constant 0 : index
      %get3A_228 = vector.load %arg9[%get3A_225, %get3A_226, %get3A_227] : memref<16x8x256xf32, #tpu.memory_space<vmem>>, vector<1x8x256xf32>
      %get3A_229 = vector.shape_cast %get3A_228 : vector<1x8x256xf32> to vector<8x256xf32>
      %reduce_sum3A_230 = arith.constant dense<0.000000e+00> : vector<8xf32>
      %reduce_sum3A_231 = vector.multi_reduction <add>, %get3A_229, %reduce_sum3A_230 [1] : vector<8x256xf32> to vector<8xf32>
      %broadcast_in_dim3A_232 = vector.shape_cast %reduce_sum3A_231 : vector<8xf32> to vector<8x1xf32>
      %get3A_233 = arith.constant 15 : index
      %get3A_234 = arith.constant 0 : index
      %get3A_235 = arith.constant 0 : index
      %get3A_236 = vector.load %arg9[%get3A_233, %get3A_234, %get3A_235] : memref<16x8x256xf32, #tpu.memory_space<vmem>>, vector<1x8x256xf32>
      %get3A_237 = vector.shape_cast %get3A_236 : vector<1x8x256xf32> to vector<8x256xf32>
      %reduce_sum3A_238 = arith.constant dense<0.000000e+00> : vector<8xf32>
      %reduce_sum3A_239 = vector.multi_reduction <add>, %get3A_237, %reduce_sum3A_238 [1] : vector<8x256xf32> to vector<8xf32>
      %broadcast_in_dim3A_240 = vector.shape_cast %reduce_sum3A_239 : vector<8xf32> to vector<8x1xf32>
      %concatenate3A = tpu.concatenate %broadcast_in_dim3A_120, %broadcast_in_dim3A_128, %broadcast_in_dim3A_136, %broadcast_in_dim3A_144, %broadcast_in_dim3A_152, %broadcast_in_dim3A_160, %broadcast_in_dim3A_168, %broadcast_in_dim3A_176, %broadcast_in_dim3A_184, %broadcast_in_dim3A_192, %broadcast_in_dim3A_200, %broadcast_in_dim3A_208, %broadcast_in_dim3A_216, %broadcast_in_dim3A_224, %broadcast_in_dim3A_232, %broadcast_in_dim3A_240 in 1 : vector<8x1xf32>, vector<8x1xf32>, vector<8x1xf32>, vector<8x1xf32>, vector<8x1xf32>, vector<8x1xf32>, vector<8x1xf32>, vector<8x1xf32>, vector<8x1xf32>, vector<8x1xf32>, vector<8x1xf32>, vector<8x1xf32>, vector<8x1xf32>, vector<8x1xf32>, vector<8x1xf32>, vector<8x1xf32> -> vector<8x16xf32>
      %get3A_241 = arith.constant 0 : index
      %get3A_242 = arith.constant 0 : index
      %get3A_243 = arith.constant 0 : index
      %get3A_244 = vector.load %arg10[%get3A_241, %get3A_242, %get3A_243] : memref<16x8x256xf32, #tpu.memory_space<vmem>>, vector<1x8x256xf32>
      %get3A_245 = vector.shape_cast %get3A_244 : vector<1x8x256xf32> to vector<8x256xf32>
      %reduce_sum3A_246 = arith.constant dense<0.000000e+00> : vector<8xf32>
      %reduce_sum3A_247 = vector.multi_reduction <add>, %get3A_245, %reduce_sum3A_246 [1] : vector<8x256xf32> to vector<8xf32>
      %broadcast_in_dim3A_248 = vector.shape_cast %reduce_sum3A_247 : vector<8xf32> to vector<8x1xf32>
      %get3A_249 = arith.constant 1 : index
      %get3A_250 = arith.constant 0 : index
      %get3A_251 = arith.constant 0 : index
      %get3A_252 = vector.load %arg10[%get3A_249, %get3A_250, %get3A_251] : memref<16x8x256xf32, #tpu.memory_space<vmem>>, vector<1x8x256xf32>
      %get3A_253 = vector.shape_cast %get3A_252 : vector<1x8x256xf32> to vector<8x256xf32>
      %reduce_sum3A_254 = arith.constant dense<0.000000e+00> : vector<8xf32>
      %reduce_sum3A_255 = vector.multi_reduction <add>, %get3A_253, %reduce_sum3A_254 [1] : vector<8x256xf32> to vector<8xf32>
      %broadcast_in_dim3A_256 = vector.shape_cast %reduce_sum3A_255 : vector<8xf32> to vector<8x1xf32>
      %get3A_257 = arith.constant 2 : index
      %get3A_258 = arith.constant 0 : index
      %get3A_259 = arith.constant 0 : index
      %get3A_260 = vector.load %arg10[%get3A_257, %get3A_258, %get3A_259] : memref<16x8x256xf32, #tpu.memory_space<vmem>>, vector<1x8x256xf32>
      %get3A_261 = vector.shape_cast %get3A_260 : vector<1x8x256xf32> to vector<8x256xf32>
      %reduce_sum3A_262 = arith.constant dense<0.000000e+00> : vector<8xf32>
      %reduce_sum3A_263 = vector.multi_reduction <add>, %get3A_261, %reduce_sum3A_262 [1] : vector<8x256xf32> to vector<8xf32>
      %broadcast_in_dim3A_264 = vector.shape_cast %reduce_sum3A_263 : vector<8xf32> to vector<8x1xf32>
      %get3A_265 = arith.constant 3 : index
      %get3A_266 = arith.constant 0 : index
      %get3A_267 = arith.constant 0 : index
      %get3A_268 = vector.load %arg10[%get3A_265, %get3A_266, %get3A_267] : memref<16x8x256xf32, #tpu.memory_space<vmem>>, vector<1x8x256xf32>
      %get3A_269 = vector.shape_cast %get3A_268 : vector<1x8x256xf32> to vector<8x256xf32>
      %reduce_sum3A_270 = arith.constant dense<0.000000e+00> : vector<8xf32>
      %reduce_sum3A_271 = vector.multi_reduction <add>, %get3A_269, %reduce_sum3A_270 [1] : vector<8x256xf32> to vector<8xf32>
      %broadcast_in_dim3A_272 = vector.shape_cast %reduce_sum3A_271 : vector<8xf32> to vector<8x1xf32>
      %get3A_273 = arith.constant 4 : index
      %get3A_274 = arith.constant 0 : index
      %get3A_275 = arith.constant 0 : index
      %get3A_276 = vector.load %arg10[%get3A_273, %get3A_274, %get3A_275] : memref<16x8x256xf32, #tpu.memory_space<vmem>>, vector<1x8x256xf32>
      %get3A_277 = vector.shape_cast %get3A_276 : vector<1x8x256xf32> to vector<8x256xf32>
      %reduce_sum3A_278 = arith.constant dense<0.000000e+00> : vector<8xf32>
      %reduce_sum3A_279 = vector.multi_reduction <add>, %get3A_277, %reduce_sum3A_278 [1] : vector<8x256xf32> to vector<8xf32>
      %broadcast_in_dim3A_280 = vector.shape_cast %reduce_sum3A_279 : vector<8xf32> to vector<8x1xf32>
      %get3A_281 = arith.constant 5 : index
      %get3A_282 = arith.constant 0 : index
      %get3A_283 = arith.constant 0 : index
      %get3A_284 = vector.load %arg10[%get3A_281, %get3A_282, %get3A_283] : memref<16x8x256xf32, #tpu.memory_space<vmem>>, vector<1x8x256xf32>
      %get3A_285 = vector.shape_cast %get3A_284 : vector<1x8x256xf32> to vector<8x256xf32>
      %reduce_sum3A_286 = arith.constant dense<0.000000e+00> : vector<8xf32>
      %reduce_sum3A_287 = vector.multi_reduction <add>, %get3A_285, %reduce_sum3A_286 [1] : vector<8x256xf32> to vector<8xf32>
      %broadcast_in_dim3A_288 = vector.shape_cast %reduce_sum3A_287 : vector<8xf32> to vector<8x1xf32>
      %get3A_289 = arith.constant 6 : index
      %get3A_290 = arith.constant 0 : index
      %get3A_291 = arith.constant 0 : index
      %get3A_292 = vector.load %arg10[%get3A_289, %get3A_290, %get3A_291] : memref<16x8x256xf32, #tpu.memory_space<vmem>>, vector<1x8x256xf32>
      %get3A_293 = vector.shape_cast %get3A_292 : vector<1x8x256xf32> to vector<8x256xf32>
      %reduce_sum3A_294 = arith.constant dense<0.000000e+00> : vector<8xf32>
      %reduce_sum3A_295 = vector.multi_reduction <add>, %get3A_293, %reduce_sum3A_294 [1] : vector<8x256xf32> to vector<8xf32>
      %broadcast_in_dim3A_296 = vector.shape_cast %reduce_sum3A_295 : vector<8xf32> to vector<8x1xf32>
      %get3A_297 = arith.constant 7 : index
      %get3A_298 = arith.constant 0 : index
      %get3A_299 = arith.constant 0 : index
      %get3A_300 = vector.load %arg10[%get3A_297, %get3A_298, %get3A_299] : memref<16x8x256xf32, #tpu.memory_space<vmem>>, vector<1x8x256xf32>
      %get3A_301 = vector.shape_cast %get3A_300 : vector<1x8x256xf32> to vector<8x256xf32>
      %reduce_sum3A_302 = arith.constant dense<0.000000e+00> : vector<8xf32>
      %reduce_sum3A_303 = vector.multi_reduction <add>, %get3A_301, %reduce_sum3A_302 [1] : vector<8x256xf32> to vector<8xf32>
      %broadcast_in_dim3A_304 = vector.shape_cast %reduce_sum3A_303 : vector<8xf32> to vector<8x1xf32>
      %get3A_305 = arith.constant 8 : index
      %get3A_306 = arith.constant 0 : index
      %get3A_307 = arith.constant 0 : index
      %get3A_308 = vector.load %arg10[%get3A_305, %get3A_306, %get3A_307] : memref<16x8x256xf32, #tpu.memory_space<vmem>>, vector<1x8x256xf32>
      %get3A_309 = vector.shape_cast %get3A_308 : vector<1x8x256xf32> to vector<8x256xf32>
      %reduce_sum3A_310 = arith.constant dense<0.000000e+00> : vector<8xf32>
      %reduce_sum3A_311 = vector.multi_reduction <add>, %get3A_309, %reduce_sum3A_310 [1] : vector<8x256xf32> to vector<8xf32>
      %broadcast_in_dim3A_312 = vector.shape_cast %reduce_sum3A_311 : vector<8xf32> to vector<8x1xf32>
      %get3A_313 = arith.constant 9 : index
      %get3A_314 = arith.constant 0 : index
      %get3A_315 = arith.constant 0 : index
      %get3A_316 = vector.load %arg10[%get3A_313, %get3A_314, %get3A_315] : memref<16x8x256xf32, #tpu.memory_space<vmem>>, vector<1x8x256xf32>
      %get3A_317 = vector.shape_cast %get3A_316 : vector<1x8x256xf32> to vector<8x256xf32>
      %reduce_sum3A_318 = arith.constant dense<0.000000e+00> : vector<8xf32>
      %reduce_sum3A_319 = vector.multi_reduction <add>, %get3A_317, %reduce_sum3A_318 [1] : vector<8x256xf32> to vector<8xf32>
      %broadcast_in_dim3A_320 = vector.shape_cast %reduce_sum3A_319 : vector<8xf32> to vector<8x1xf32>
      %get3A_321 = arith.constant 10 : index
      %get3A_322 = arith.constant 0 : index
      %get3A_323 = arith.constant 0 : index
      %get3A_324 = vector.load %arg10[%get3A_321, %get3A_322, %get3A_323] : memref<16x8x256xf32, #tpu.memory_space<vmem>>, vector<1x8x256xf32>
      %get3A_325 = vector.shape_cast %get3A_324 : vector<1x8x256xf32> to vector<8x256xf32>
      %reduce_sum3A_326 = arith.constant dense<0.000000e+00> : vector<8xf32>
      %reduce_sum3A_327 = vector.multi_reduction <add>, %get3A_325, %reduce_sum3A_326 [1] : vector<8x256xf32> to vector<8xf32>
      %broadcast_in_dim3A_328 = vector.shape_cast %reduce_sum3A_327 : vector<8xf32> to vector<8x1xf32>
      %get3A_329 = arith.constant 11 : index
      %get3A_330 = arith.constant 0 : index
      %get3A_331 = arith.constant 0 : index
      %get3A_332 = vector.load %arg10[%get3A_329, %get3A_330, %get3A_331] : memref<16x8x256xf32, #tpu.memory_space<vmem>>, vector<1x8x256xf32>
      %get3A_333 = vector.shape_cast %get3A_332 : vector<1x8x256xf32> to vector<8x256xf32>
      %reduce_sum3A_334 = arith.constant dense<0.000000e+00> : vector<8xf32>
      %reduce_sum3A_335 = vector.multi_reduction <add>, %get3A_333, %reduce_sum3A_334 [1] : vector<8x256xf32> to vector<8xf32>
      %broadcast_in_dim3A_336 = vector.shape_cast %reduce_sum3A_335 : vector<8xf32> to vector<8x1xf32>
      %get3A_337 = arith.constant 12 : index
      %get3A_338 = arith.constant 0 : index
      %get3A_339 = arith.constant 0 : index
      %get3A_340 = vector.load %arg10[%get3A_337, %get3A_338, %get3A_339] : memref<16x8x256xf32, #tpu.memory_space<vmem>>, vector<1x8x256xf32>
      %get3A_341 = vector.shape_cast %get3A_340 : vector<1x8x256xf32> to vector<8x256xf32>
      %reduce_sum3A_342 = arith.constant dense<0.000000e+00> : vector<8xf32>
      %reduce_sum3A_343 = vector.multi_reduction <add>, %get3A_341, %reduce_sum3A_342 [1] : vector<8x256xf32> to vector<8xf32>
      %broadcast_in_dim3A_344 = vector.shape_cast %reduce_sum3A_343 : vector<8xf32> to vector<8x1xf32>
      %get3A_345 = arith.constant 13 : index
      %get3A_346 = arith.constant 0 : index
      %get3A_347 = arith.constant 0 : index
      %get3A_348 = vector.load %arg10[%get3A_345, %get3A_346, %get3A_347] : memref<16x8x256xf32, #tpu.memory_space<vmem>>, vector<1x8x256xf32>
      %get3A_349 = vector.shape_cast %get3A_348 : vector<1x8x256xf32> to vector<8x256xf32>
      %reduce_sum3A_350 = arith.constant dense<0.000000e+00> : vector<8xf32>
      %reduce_sum3A_351 = vector.multi_reduction <add>, %get3A_349, %reduce_sum3A_350 [1] : vector<8x256xf32> to vector<8xf32>
      %broadcast_in_dim3A_352 = vector.shape_cast %reduce_sum3A_351 : vector<8xf32> to vector<8x1xf32>
      %get3A_353 = arith.constant 14 : index
      %get3A_354 = arith.constant 0 : index
      %get3A_355 = arith.constant 0 : index
      %get3A_356 = vector.load %arg10[%get3A_353, %get3A_354, %get3A_355] : memref<16x8x256xf32, #tpu.memory_space<vmem>>, vector<1x8x256xf32>
      %get3A_357 = vector.shape_cast %get3A_356 : vector<1x8x256xf32> to vector<8x256xf32>
      %reduce_sum3A_358 = arith.constant dense<0.000000e+00> : vector<8xf32>
      %reduce_sum3A_359 = vector.multi_reduction <add>, %get3A_357, %reduce_sum3A_358 [1] : vector<8x256xf32> to vector<8xf32>
      %broadcast_in_dim3A_360 = vector.shape_cast %reduce_sum3A_359 : vector<8xf32> to vector<8x1xf32>
      %get3A_361 = arith.constant 15 : index
      %get3A_362 = arith.constant 0 : index
      %get3A_363 = arith.constant 0 : index
      %get3A_364 = vector.load %arg10[%get3A_361, %get3A_362, %get3A_363] : memref<16x8x256xf32, #tpu.memory_space<vmem>>, vector<1x8x256xf32>
      %get3A_365 = vector.shape_cast %get3A_364 : vector<1x8x256xf32> to vector<8x256xf32>
      %reduce_sum3A_366 = arith.constant dense<0.000000e+00> : vector<8xf32>
      %reduce_sum3A_367 = vector.multi_reduction <add>, %get3A_365, %reduce_sum3A_366 [1] : vector<8x256xf32> to vector<8xf32>
      %broadcast_in_dim3A_368 = vector.shape_cast %reduce_sum3A_367 : vector<8xf32> to vector<8x1xf32>
      %concatenate3A_369 = tpu.concatenate %broadcast_in_dim3A_248, %broadcast_in_dim3A_256, %broadcast_in_dim3A_264, %broadcast_in_dim3A_272, %broadcast_in_dim3A_280, %broadcast_in_dim3A_288, %broadcast_in_dim3A_296, %broadcast_in_dim3A_304, %broadcast_in_dim3A_312, %broadcast_in_dim3A_320, %broadcast_in_dim3A_328, %broadcast_in_dim3A_336, %broadcast_in_dim3A_344, %broadcast_in_dim3A_352, %broadcast_in_dim3A_360, %broadcast_in_dim3A_368 in 1 : vector<8x1xf32>, vector<8x1xf32>, vector<8x1xf32>, vector<8x1xf32>, vector<8x1xf32>, vector<8x1xf32>, vector<8x1xf32>, vector<8x1xf32>, vector<8x1xf32>, vector<8x1xf32>, vector<8x1xf32>, vector<8x1xf32>, vector<8x1xf32>, vector<8x1xf32>, vector<8x1xf32>, vector<8x1xf32> -> vector<8x16xf32>
      %iota3A_370 = tpu.iota {dimensions = array<i32: 0>} : vector<16x16xi32>
      %iota3A_371 = tpu.iota {dimensions = array<i32: 1>} : vector<16x16xi32>
      %lt3A_372 = arith.cmpi slt, %iota3A_370, %iota3A_371 : vector<16x16xi32>
      %convert_element_type3A_373 = arith.extui %lt3A_372 : vector<16x16xi1> to vector<16x16xi32>
      %convert_element_type3A_374 = arith.sitofp %convert_element_type3A_373 : vector<16x16xi32> to vector<16x16xf32>
      %dot_general3A_375 = arith.constant dense<0.000000e+00> : vector<8x16xf32>
      %dot_general3A_376 = tpu.matmul %concatenate3A, %convert_element_type3A_374, %dot_general3A_375 {dimension_numbers = #tpu.dot_dimension_numbers<[1], [0], [0], [1], [0, 0, 1, 1], [], []>, transpose_lhs_hint = false} : vector<8x16xf32>, vector<16x16xf32>, vector<8x16xf32> -> vector<8x16xf32>
      %dot_general3A_377 = arith.constant dense<0.000000e+00> : vector<8x16xf32>
      %dot_general3A_378 = tpu.matmul %concatenate3A_369, %convert_element_type3A_374, %dot_general3A_377 {dimension_numbers = #tpu.dot_dimension_numbers<[1], [0], [0], [1], [0, 0, 1, 1], [], []>, transpose_lhs_hint = false} : vector<8x16xf32>, vector<16x16xf32>, vector<8x16xf32> -> vector<8x16xf32>
      %reduce_sum3A_379 = arith.constant dense<0.000000e+00> : vector<8xf32>
      %reduce_sum3A_380 = vector.multi_reduction <add>, %concatenate3A, %reduce_sum3A_379 [1] : vector<8x16xf32> to vector<8xf32>
      %broadcast_in_dim3A_381 = vector.shape_cast %reduce_sum3A_380 : vector<8xf32> to vector<8x1xf32>
      %reduce_sum3A_382 = arith.constant dense<0.000000e+00> : vector<8xf32>
      %reduce_sum3A_383 = vector.multi_reduction <add>, %concatenate3A_369, %reduce_sum3A_382 [1] : vector<8x16xf32> to vector<8xf32>
      %broadcast_in_dim3A_384 = vector.shape_cast %reduce_sum3A_383 : vector<8xf32> to vector<8x1xf32>
      %add3A_385 = arith.addf %broadcast_in_dim3A_381, %broadcast_in_dim3A_384 : vector<8x1xf32>
      %add3A_386 = arith.constant 2.550000e+02 : f32
      %add3A_387 = vector.broadcast %add3A_386 : f32 to vector<8x1xf32>
      %add3A_388 = arith.addf %add3A_385, %add3A_387 : vector<8x1xf32>
      %mul3A_389 = arith.constant 3.906250e-03 : f32
      %mul3A_390 = vector.broadcast %mul3A_389 : f32 to vector<8x1xf32>
      %mul3A_391 = arith.mulf %add3A_388, %mul3A_390 : vector<8x1xf32>
      %floor3A = math.floor %mul3A_391 : vector<8x1xf32>
      %iota3A_392 = tpu.iota {dimensions = array<i32: 0>} : vector<8x8xi32>
      %iota3A_393 = tpu.iota {dimensions = array<i32: 1>} : vector<8x8xi32>
      %gt3A = arith.cmpi sgt, %iota3A_392, %iota3A_393 : vector<8x8xi32>
      %convert_element_type3A_394 = arith.extui %gt3A : vector<8x8xi1> to vector<8x8xi32>
      %convert_element_type3A_395 = arith.sitofp %convert_element_type3A_394 : vector<8x8xi32> to vector<8x8xf32>
      %dot_general3A_396 = arith.constant dense<0.000000e+00> : vector<8x1xf32>
      %dot_general3A_397 = tpu.matmul %convert_element_type3A_395, %floor3A, %dot_general3A_396 {dimension_numbers = #tpu.dot_dimension_numbers<[1], [0], [0], [1], [0, 0, 1, 1], [], []>, transpose_lhs_hint = false} : vector<8x8xf32>, vector<8x1xf32>, vector<8x1xf32> -> vector<8x1xf32>
      %mul3A_398 = arith.constant 2.560000e+02 : f32
      %mul3A_399 = vector.broadcast %mul3A_398 : f32 to vector<8x1xf32>
      %mul3A_400 = arith.mulf %dot_general3A_397, %mul3A_399 : vector<8x1xf32>
      %add3A_401 = vector.broadcast %mul3A_400 : vector<8x1xf32> to vector<8x16xf32>
      %add3A_402 = arith.addf %add3A_401, %dot_general3A_376 : vector<8x16xf32>
      %add3A_403 = arith.addf %mul3A_400, %broadcast_in_dim3A_381 : vector<8x1xf32>
      %add3A_404 = vector.broadcast %add3A_403 : vector<8x1xf32> to vector<8x16xf32>
      %add3A_405 = arith.addf %add3A_404, %dot_general3A_378 : vector<8x16xf32>
      %get3A_406 = arith.constant 0 : index
      %get3A_407 = arith.constant 0 : index
      %get3A_408 = arith.constant 0 : index
      %get3A_409 = vector.load %arg9[%get3A_406, %get3A_407, %get3A_408] : memref<16x8x256xf32, #tpu.memory_space<vmem>>, vector<1x8x256xf32>
      %get3A_410 = vector.shape_cast %get3A_409 : vector<1x8x256xf32> to vector<8x256xf32>
      %slice3A = vector.extract_strided_slice %add3A_402 {offsets = [0, 0], sizes = [8, 1], strides = [1, 1]} : vector<8x16xf32> to vector<8x1xf32>
      %mul3A_411 = vector.broadcast %slice3A : vector<8x1xf32> to vector<8x256xf32>
      %mul3A_412 = arith.mulf %get3A_410, %mul3A_411 : vector<8x256xf32>
      %reduce_sum3A_413 = arith.constant dense<0.000000e+00> : vector<256xf32>
      %reduce_sum3A_414 = vector.multi_reduction <add>, %mul3A_412, %reduce_sum3A_413 [0] : vector<8x256xf32> to vector<256xf32>
      %broadcast_in_dim3A_415 = vector.shape_cast %reduce_sum3A_414 : vector<256xf32> to vector<1x256xf32>
      %get3A_416 = arith.constant 0 : index
      %get3A_417 = arith.constant 0 : index
      %get3A_418 = arith.constant 0 : index
      %get3A_419 = vector.load %arg11[%get3A_416, %get3A_417, %get3A_418] : memref<16x1x256xf32, #tpu.memory_space<vmem>>, vector<1x1x256xf32>
      %get3A_420 = vector.shape_cast %get3A_419 : vector<1x1x256xf32> to vector<1x256xf32>
      %add3A_421 = arith.addf %broadcast_in_dim3A_415, %get3A_420 : vector<1x256xf32>
      %convert_element_type3A_422 = arith.fptosi %add3A_421 : vector<1x256xf32> to vector<1x256xi32>
      %get3A_423 = arith.constant 0 : index
      %get3A_424 = arith.constant 0 : index
      %get3A_425 = arith.constant 0 : index
      %get3A_426 = vector.load %arg10[%get3A_423, %get3A_424, %get3A_425] : memref<16x8x256xf32, #tpu.memory_space<vmem>>, vector<1x8x256xf32>
      %get3A_427 = vector.shape_cast %get3A_426 : vector<1x8x256xf32> to vector<8x256xf32>
      %slice3A_428 = vector.extract_strided_slice %add3A_405 {offsets = [0, 0], sizes = [8, 1], strides = [1, 1]} : vector<8x16xf32> to vector<8x1xf32>
      %mul3A_429 = vector.broadcast %slice3A_428 : vector<8x1xf32> to vector<8x256xf32>
      %mul3A_430 = arith.mulf %get3A_427, %mul3A_429 : vector<8x256xf32>
      %reduce_sum3A_431 = arith.constant dense<0.000000e+00> : vector<256xf32>
      %reduce_sum3A_432 = vector.multi_reduction <add>, %mul3A_430, %reduce_sum3A_431 [0] : vector<8x256xf32> to vector<256xf32>
      %broadcast_in_dim3A_433 = vector.shape_cast %reduce_sum3A_432 : vector<256xf32> to vector<1x256xf32>
      %get3A_434 = arith.constant 0 : index
      %get3A_435 = arith.constant 0 : index
      %get3A_436 = arith.constant 0 : index
      %get3A_437 = vector.load %arg12[%get3A_434, %get3A_435, %get3A_436] : memref<16x1x256xf32, #tpu.memory_space<vmem>>, vector<1x1x256xf32>
      %get3A_438 = vector.shape_cast %get3A_437 : vector<1x1x256xf32> to vector<1x256xf32>
      %add3A_439 = arith.addf %broadcast_in_dim3A_433, %get3A_438 : vector<1x256xf32>
      %convert_element_type3A_440 = arith.fptosi %add3A_439 : vector<1x256xf32> to vector<1x256xi32>
      %slice3A_441 = vector.extract_strided_slice %convert_element_type3A_422 {offsets = [0, 0], sizes = [1, 128], strides = [1, 1]} : vector<1x256xi32> to vector<1x128xi32>
      %swap3A_442 = arith.constant 0 : index
      %swap3A_443 = arith.constant 0 : index
      %swap3A_444 = vector.load %arg5[%swap3A_442, %swap3A_443] : memref<64x128xi32, #tpu.memory_space<vmem>>, vector<1x128xi32>
      tpu.vector_store %arg5[%swap3A_442, %swap3A_443], %slice3A_441 {strides = array<i32>} : memref<64x128xi32, #tpu.memory_space<vmem>>, vector<1x128xi32>,
      %slice3A_445 = vector.extract_strided_slice %convert_element_type3A_422 {offsets = [0, 128], sizes = [1, 128], strides = [1, 1]} : vector<1x256xi32> to vector<1x128xi32>
      %swap3A_446 = arith.constant 1 : index
      %swap3A_447 = arith.constant 0 : index
      %swap3A_448 = vector.load %arg5[%swap3A_446, %swap3A_447] : memref<64x128xi32, #tpu.memory_space<vmem>>, vector<1x128xi32>
      tpu.vector_store %arg5[%swap3A_446, %swap3A_447], %slice3A_445 {strides = array<i32>} : memref<64x128xi32, #tpu.memory_space<vmem>>, vector<1x128xi32>,
      %slice3A_449 = vector.extract_strided_slice %convert_element_type3A_440 {offsets = [0, 0], sizes = [1, 128], strides = [1, 1]} : vector<1x256xi32> to vector<1x128xi32>
      %swap3A_450 = arith.constant 32 : index
      %swap3A_451 = arith.constant 0 : index
      %swap3A_452 = vector.load %arg5[%swap3A_450, %swap3A_451] : memref<64x128xi32, #tpu.memory_space<vmem>>, vector<1x128xi32>
      tpu.vector_store %arg5[%swap3A_450, %swap3A_451], %slice3A_449 {strides = array<i32>} : memref<64x128xi32, #tpu.memory_space<vmem>>, vector<1x128xi32>,
      %slice3A_453 = vector.extract_strided_slice %convert_element_type3A_440 {offsets = [0, 128], sizes = [1, 128], strides = [1, 1]} : vector<1x256xi32> to vector<1x128xi32>
      %swap3A_454 = arith.constant 33 : index
      %swap3A_455 = arith.constant 0 : index
      %swap3A_456 = vector.load %arg5[%swap3A_454, %swap3A_455] : memref<64x128xi32, #tpu.memory_space<vmem>>, vector<1x128xi32>
      tpu.vector_store %arg5[%swap3A_454, %swap3A_455], %slice3A_453 {strides = array<i32>} : memref<64x128xi32, #tpu.memory_space<vmem>>, vector<1x128xi32>,
      %get3A_457 = arith.constant 1 : index
      %get3A_458 = arith.constant 0 : index
      %get3A_459 = arith.constant 0 : index
      %get3A_460 = vector.load %arg9[%get3A_457, %get3A_458, %get3A_459] : memref<16x8x256xf32, #tpu.memory_space<vmem>>, vector<1x8x256xf32>
      %get3A_461 = vector.shape_cast %get3A_460 : vector<1x8x256xf32> to vector<8x256xf32>
      %slice3A_462 = vector.extract_strided_slice %add3A_402 {offsets = [0, 1], sizes = [8, 1], strides = [1, 1]} : vector<8x16xf32> to vector<8x1xf32>
      %mul3A_463 = vector.broadcast %slice3A_462 : vector<8x1xf32> to vector<8x256xf32>
      %mul3A_464 = arith.mulf %get3A_461, %mul3A_463 : vector<8x256xf32>
      %reduce_sum3A_465 = arith.constant dense<0.000000e+00> : vector<256xf32>
      %reduce_sum3A_466 = vector.multi_reduction <add>, %mul3A_464, %reduce_sum3A_465 [0] : vector<8x256xf32> to vector<256xf32>
      %broadcast_in_dim3A_467 = vector.shape_cast %reduce_sum3A_466 : vector<256xf32> to vector<1x256xf32>
      %get3A_468 = arith.constant 1 : index
      %get3A_469 = arith.constant 0 : index
      %get3A_470 = arith.constant 0 : index
      %get3A_471 = vector.load %arg11[%get3A_468, %get3A_469, %get3A_470] : memref<16x1x256xf32, #tpu.memory_space<vmem>>, vector<1x1x256xf32>
      %get3A_472 = vector.shape_cast %get3A_471 : vector<1x1x256xf32> to vector<1x256xf32>
      %add3A_473 = arith.addf %broadcast_in_dim3A_467, %get3A_472 : vector<1x256xf32>
      %convert_element_type3A_474 = arith.fptosi %add3A_473 : vector<1x256xf32> to vector<1x256xi32>
      %get3A_475 = arith.constant 1 : index
      %get3A_476 = arith.constant 0 : index
      %get3A_477 = arith.constant 0 : index
      %get3A_478 = vector.load %arg10[%get3A_475, %get3A_476, %get3A_477] : memref<16x8x256xf32, #tpu.memory_space<vmem>>, vector<1x8x256xf32>
      %get3A_479 = vector.shape_cast %get3A_478 : vector<1x8x256xf32> to vector<8x256xf32>
      %slice3A_480 = vector.extract_strided_slice %add3A_405 {offsets = [0, 1], sizes = [8, 1], strides = [1, 1]} : vector<8x16xf32> to vector<8x1xf32>
      %mul3A_481 = vector.broadcast %slice3A_480 : vector<8x1xf32> to vector<8x256xf32>
      %mul3A_482 = arith.mulf %get3A_479, %mul3A_481 : vector<8x256xf32>
      %reduce_sum3A_483 = arith.constant dense<0.000000e+00> : vector<256xf32>
      %reduce_sum3A_484 = vector.multi_reduction <add>, %mul3A_482, %reduce_sum3A_483 [0] : vector<8x256xf32> to vector<256xf32>
      %broadcast_in_dim3A_485 = vector.shape_cast %reduce_sum3A_484 : vector<256xf32> to vector<1x256xf32>
      %get3A_486 = arith.constant 1 : index
      %get3A_487 = arith.constant 0 : index
      %get3A_488 = arith.constant 0 : index
      %get3A_489 = vector.load %arg12[%get3A_486, %get3A_487, %get3A_488] : memref<16x1x256xf32, #tpu.memory_space<vmem>>, vector<1x1x256xf32>
      %get3A_490 = vector.shape_cast %get3A_489 : vector<1x1x256xf32> to vector<1x256xf32>
      %add3A_491 = arith.addf %broadcast_in_dim3A_485, %get3A_490 : vector<1x256xf32>
      %convert_element_type3A_492 = arith.fptosi %add3A_491 : vector<1x256xf32> to vector<1x256xi32>
      %slice3A_493 = vector.extract_strided_slice %convert_element_type3A_474 {offsets = [0, 0], sizes = [1, 128], strides = [1, 1]} : vector<1x256xi32> to vector<1x128xi32>
      %swap3A_494 = arith.constant 2 : index
      %swap3A_495 = arith.constant 0 : index
      %swap3A_496 = vector.load %arg5[%swap3A_494, %swap3A_495] : memref<64x128xi32, #tpu.memory_space<vmem>>, vector<1x128xi32>
      tpu.vector_store %arg5[%swap3A_494, %swap3A_495], %slice3A_493 {strides = array<i32>} : memref<64x128xi32, #tpu.memory_space<vmem>>, vector<1x128xi32>,
      %slice3A_497 = vector.extract_strided_slice %convert_element_type3A_474 {offsets = [0, 128], sizes = [1, 128], strides = [1, 1]} : vector<1x256xi32> to vector<1x128xi32>
      %swap3A_498 = arith.constant 3 : index
      %swap3A_499 = arith.constant 0 : index
      %swap3A_500 = vector.load %arg5[%swap3A_498, %swap3A_499] : memref<64x128xi32, #tpu.memory_space<vmem>>, vector<1x128xi32>
      tpu.vector_store %arg5[%swap3A_498, %swap3A_499], %slice3A_497 {strides = array<i32>} : memref<64x128xi32, #tpu.memory_space<vmem>>, vector<1x128xi32>,
      %slice3A_501 = vector.extract_strided_slice %convert_element_type3A_492 {offsets = [0, 0], sizes = [1, 128], strides = [1, 1]} : vector<1x256xi32> to vector<1x128xi32>
      %swap3A_502 = arith.constant 34 : index
      %swap3A_503 = arith.constant 0 : index
      %swap3A_504 = vector.load %arg5[%swap3A_502, %swap3A_503] : memref<64x128xi32, #tpu.memory_space<vmem>>, vector<1x128xi32>
      tpu.vector_store %arg5[%swap3A_502, %swap3A_503], %slice3A_501 {strides = array<i32>} : memref<64x128xi32, #tpu.memory_space<vmem>>, vector<1x128xi32>,
      %slice3A_505 = vector.extract_strided_slice %convert_element_type3A_492 {offsets = [0, 128], sizes = [1, 128], strides = [1, 1]} : vector<1x256xi32> to vector<1x128xi32>
      %swap3A_506 = arith.constant 35 : index
      %swap3A_507 = arith.constant 0 : index
      %swap3A_508 = vector.load %arg5[%swap3A_506, %swap3A_507] : memref<64x128xi32, #tpu.memory_space<vmem>>, vector<1x128xi32>
      tpu.vector_store %arg5[%swap3A_506, %swap3A_507], %slice3A_505 {strides = array<i32>} : memref<64x128xi32, #tpu.memory_space<vmem>>, vector<1x128xi32>,
      %get3A_509 = arith.constant 2 : index
      %get3A_510 = arith.constant 0 : index
      %get3A_511 = arith.constant 0 : index
      %get3A_512 = vector.load %arg9[%get3A_509, %get3A_510, %get3A_511] : memref<16x8x256xf32, #tpu.memory_space<vmem>>, vector<1x8x256xf32>
      %get3A_513 = vector.shape_cast %get3A_512 : vector<1x8x256xf32> to vector<8x256xf32>
      %slice3A_514 = vector.extract_strided_slice %add3A_402 {offsets = [0, 2], sizes = [8, 1], strides = [1, 1]} : vector<8x16xf32> to vector<8x1xf32>
      %mul3A_515 = vector.broadcast %slice3A_514 : vector<8x1xf32> to vector<8x256xf32>
      %mul3A_516 = arith.mulf %get3A_513, %mul3A_515 : vector<8x256xf32>
      %reduce_sum3A_517 = arith.constant dense<0.000000e+00> : vector<256xf32>
      %reduce_sum3A_518 = vector.multi_reduction <add>, %mul3A_516, %reduce_sum3A_517 [0] : vector<8x256xf32> to vector<256xf32>
      %broadcast_in_dim3A_519 = vector.shape_cast %reduce_sum3A_518 : vector<256xf32> to vector<1x256xf32>
      %get3A_520 = arith.constant 2 : index
      %get3A_521 = arith.constant 0 : index
      %get3A_522 = arith.constant 0 : index
      %get3A_523 = vector.load %arg11[%get3A_520, %get3A_521, %get3A_522] : memref<16x1x256xf32, #tpu.memory_space<vmem>>, vector<1x1x256xf32>
      %get3A_524 = vector.shape_cast %get3A_523 : vector<1x1x256xf32> to vector<1x256xf32>
      %add3A_525 = arith.addf %broadcast_in_dim3A_519, %get3A_524 : vector<1x256xf32>
      %convert_element_type3A_526 = arith.fptosi %add3A_525 : vector<1x256xf32> to vector<1x256xi32>
      %get3A_527 = arith.constant 2 : index
      %get3A_528 = arith.constant 0 : index
      %get3A_529 = arith.constant 0 : index
      %get3A_530 = vector.load %arg10[%get3A_527, %get3A_528, %get3A_529] : memref<16x8x256xf32, #tpu.memory_space<vmem>>, vector<1x8x256xf32>
      %get3A_531 = vector.shape_cast %get3A_530 : vector<1x8x256xf32> to vector<8x256xf32>
      %slice3A_532 = vector.extract_strided_slice %add3A_405 {offsets = [0, 2], sizes = [8, 1], strides = [1, 1]} : vector<8x16xf32> to vector<8x1xf32>
      %mul3A_533 = vector.broadcast %slice3A_532 : vector<8x1xf32> to vector<8x256xf32>
      %mul3A_534 = arith.mulf %get3A_531, %mul3A_533 : vector<8x256xf32>
      %reduce_sum3A_535 = arith.constant dense<0.000000e+00> : vector<256xf32>
      %reduce_sum3A_536 = vector.multi_reduction <add>, %mul3A_534, %reduce_sum3A_535 [0] : vector<8x256xf32> to vector<256xf32>
      %broadcast_in_dim3A_537 = vector.shape_cast %reduce_sum3A_536 : vector<256xf32> to vector<1x256xf32>
      %get3A_538 = arith.constant 2 : index
      %get3A_539 = arith.constant 0 : index
      %get3A_540 = arith.constant 0 : index
      %get3A_541 = vector.load %arg12[%get3A_538, %get3A_539, %get3A_540] : memref<16x1x256xf32, #tpu.memory_space<vmem>>, vector<1x1x256xf32>
      %get3A_542 = vector.shape_cast %get3A_541 : vector<1x1x256xf32> to vector<1x256xf32>
      %add3A_543 = arith.addf %broadcast_in_dim3A_537, %get3A_542 : vector<1x256xf32>
      %convert_element_type3A_544 = arith.fptosi %add3A_543 : vector<1x256xf32> to vector<1x256xi32>
      %slice3A_545 = vector.extract_strided_slice %convert_element_type3A_526 {offsets = [0, 0], sizes = [1, 128], strides = [1, 1]} : vector<1x256xi32> to vector<1x128xi32>
      %swap3A_546 = arith.constant 4 : index
      %swap3A_547 = arith.constant 0 : index
      %swap3A_548 = vector.load %arg5[%swap3A_546, %swap3A_547] : memref<64x128xi32, #tpu.memory_space<vmem>>, vector<1x128xi32>
      tpu.vector_store %arg5[%swap3A_546, %swap3A_547], %slice3A_545 {strides = array<i32>} : memref<64x128xi32, #tpu.memory_space<vmem>>, vector<1x128xi32>,
      %slice3A_549 = vector.extract_strided_slice %convert_element_type3A_526 {offsets = [0, 128], sizes = [1, 128], strides = [1, 1]} : vector<1x256xi32> to vector<1x128xi32>
      %swap3A_550 = arith.constant 5 : index
      %swap3A_551 = arith.constant 0 : index
      %swap3A_552 = vector.load %arg5[%swap3A_550, %swap3A_551] : memref<64x128xi32, #tpu.memory_space<vmem>>, vector<1x128xi32>
      tpu.vector_store %arg5[%swap3A_550, %swap3A_551], %slice3A_549 {strides = array<i32>} : memref<64x128xi32, #tpu.memory_space<vmem>>, vector<1x128xi32>,
      %slice3A_553 = vector.extract_strided_slice %convert_element_type3A_544 {offsets = [0, 0], sizes = [1, 128], strides = [1, 1]} : vector<1x256xi32> to vector<1x128xi32>
      %swap3A_554 = arith.constant 36 : index
      %swap3A_555 = arith.constant 0 : index
      %swap3A_556 = vector.load %arg5[%swap3A_554, %swap3A_555] : memref<64x128xi32, #tpu.memory_space<vmem>>, vector<1x128xi32>
      tpu.vector_store %arg5[%swap3A_554, %swap3A_555], %slice3A_553 {strides = array<i32>} : memref<64x128xi32, #tpu.memory_space<vmem>>, vector<1x128xi32>,
      %slice3A_557 = vector.extract_strided_slice %convert_element_type3A_544 {offsets = [0, 128], sizes = [1, 128], strides = [1, 1]} : vector<1x256xi32> to vector<1x128xi32>
      %swap3A_558 = arith.constant 37 : index
      %swap3A_559 = arith.constant 0 : index
      %swap3A_560 = vector.load %arg5[%swap3A_558, %swap3A_559] : memref<64x128xi32, #tpu.memory_space<vmem>>, vector<1x128xi32>
      tpu.vector_store %arg5[%swap3A_558, %swap3A_559], %slice3A_557 {strides = array<i32>} : memref<64x128xi32, #tpu.memory_space<vmem>>, vector<1x128xi32>,
      %get3A_561 = arith.constant 3 : index
      %get3A_562 = arith.constant 0 : index
      %get3A_563 = arith.constant 0 : index
      %get3A_564 = vector.load %arg9[%get3A_561, %get3A_562, %get3A_563] : memref<16x8x256xf32, #tpu.memory_space<vmem>>, vector<1x8x256xf32>
      %get3A_565 = vector.shape_cast %get3A_564 : vector<1x8x256xf32> to vector<8x256xf32>
      %slice3A_566 = vector.extract_strided_slice %add3A_402 {offsets = [0, 3], sizes = [8, 1], strides = [1, 1]} : vector<8x16xf32> to vector<8x1xf32>
      %mul3A_567 = vector.broadcast %slice3A_566 : vector<8x1xf32> to vector<8x256xf32>
      %mul3A_568 = arith.mulf %get3A_565, %mul3A_567 : vector<8x256xf32>
      %reduce_sum3A_569 = arith.constant dense<0.000000e+00> : vector<256xf32>
      %reduce_sum3A_570 = vector.multi_reduction <add>, %mul3A_568, %reduce_sum3A_569 [0] : vector<8x256xf32> to vector<256xf32>
      %broadcast_in_dim3A_571 = vector.shape_cast %reduce_sum3A_570 : vector<256xf32> to vector<1x256xf32>
      %get3A_572 = arith.constant 3 : index
      %get3A_573 = arith.constant 0 : index
      %get3A_574 = arith.constant 0 : index
      %get3A_575 = vector.load %arg11[%get3A_572, %get3A_573, %get3A_574] : memref<16x1x256xf32, #tpu.memory_space<vmem>>, vector<1x1x256xf32>
      %get3A_576 = vector.shape_cast %get3A_575 : vector<1x1x256xf32> to vector<1x256xf32>
      %add3A_577 = arith.addf %broadcast_in_dim3A_571, %get3A_576 : vector<1x256xf32>
      %convert_element_type3A_578 = arith.fptosi %add3A_577 : vector<1x256xf32> to vector<1x256xi32>
      %get3A_579 = arith.constant 3 : index
      %get3A_580 = arith.constant 0 : index
      %get3A_581 = arith.constant 0 : index
      %get3A_582 = vector.load %arg10[%get3A_579, %get3A_580, %get3A_581] : memref<16x8x256xf32, #tpu.memory_space<vmem>>, vector<1x8x256xf32>
      %get3A_583 = vector.shape_cast %get3A_582 : vector<1x8x256xf32> to vector<8x256xf32>
      %slice3A_584 = vector.extract_strided_slice %add3A_405 {offsets = [0, 3], sizes = [8, 1], strides = [1, 1]} : vector<8x16xf32> to vector<8x1xf32>
      %mul3A_585 = vector.broadcast %slice3A_584 : vector<8x1xf32> to vector<8x256xf32>
      %mul3A_586 = arith.mulf %get3A_583, %mul3A_585 : vector<8x256xf32>
      %reduce_sum3A_587 = arith.constant dense<0.000000e+00> : vector<256xf32>
      %reduce_sum3A_588 = vector.multi_reduction <add>, %mul3A_586, %reduce_sum3A_587 [0] : vector<8x256xf32> to vector<256xf32>
      %broadcast_in_dim3A_589 = vector.shape_cast %reduce_sum3A_588 : vector<256xf32> to vector<1x256xf32>
      %get3A_590 = arith.constant 3 : index
      %get3A_591 = arith.constant 0 : index
      %get3A_592 = arith.constant 0 : index
      %get3A_593 = vector.load %arg12[%get3A_590, %get3A_591, %get3A_592] : memref<16x1x256xf32, #tpu.memory_space<vmem>>, vector<1x1x256xf32>
      %get3A_594 = vector.shape_cast %get3A_593 : vector<1x1x256xf32> to vector<1x256xf32>
      %add3A_595 = arith.addf %broadcast_in_dim3A_589, %get3A_594 : vector<1x256xf32>
      %convert_element_type3A_596 = arith.fptosi %add3A_595 : vector<1x256xf32> to vector<1x256xi32>
      %slice3A_597 = vector.extract_strided_slice %convert_element_type3A_578 {offsets = [0, 0], sizes = [1, 128], strides = [1, 1]} : vector<1x256xi32> to vector<1x128xi32>
      %swap3A_598 = arith.constant 6 : index
      %swap3A_599 = arith.constant 0 : index
      %swap3A_600 = vector.load %arg5[%swap3A_598, %swap3A_599] : memref<64x128xi32, #tpu.memory_space<vmem>>, vector<1x128xi32>
      tpu.vector_store %arg5[%swap3A_598, %swap3A_599], %slice3A_597 {strides = array<i32>} : memref<64x128xi32, #tpu.memory_space<vmem>>, vector<1x128xi32>,
      %slice3A_601 = vector.extract_strided_slice %convert_element_type3A_578 {offsets = [0, 128], sizes = [1, 128], strides = [1, 1]} : vector<1x256xi32> to vector<1x128xi32>
      %swap3A_602 = arith.constant 7 : index
      %swap3A_603 = arith.constant 0 : index
      %swap3A_604 = vector.load %arg5[%swap3A_602, %swap3A_603] : memref<64x128xi32, #tpu.memory_space<vmem>>, vector<1x128xi32>
      tpu.vector_store %arg5[%swap3A_602, %swap3A_603], %slice3A_601 {strides = array<i32>} : memref<64x128xi32, #tpu.memory_space<vmem>>, vector<1x128xi32>,
      %slice3A_605 = vector.extract_strided_slice %convert_element_type3A_596 {offsets = [0, 0], sizes = [1, 128], strides = [1, 1]} : vector<1x256xi32> to vector<1x128xi32>
      %swap3A_606 = arith.constant 38 : index
      %swap3A_607 = arith.constant 0 : index
      %swap3A_608 = vector.load %arg5[%swap3A_606, %swap3A_607] : memref<64x128xi32, #tpu.memory_space<vmem>>, vector<1x128xi32>
      tpu.vector_store %arg5[%swap3A_606, %swap3A_607], %slice3A_605 {strides = array<i32>} : memref<64x128xi32, #tpu.memory_space<vmem>>, vector<1x128xi32>,
      %slice3A_609 = vector.extract_strided_slice %convert_element_type3A_596 {offsets = [0, 128], sizes = [1, 128], strides = [1, 1]} : vector<1x256xi32> to vector<1x128xi32>
      %swap3A_610 = arith.constant 39 : index
      %swap3A_611 = arith.constant 0 : index
      %swap3A_612 = vector.load %arg5[%swap3A_610, %swap3A_611] : memref<64x128xi32, #tpu.memory_space<vmem>>, vector<1x128xi32>
      tpu.vector_store %arg5[%swap3A_610, %swap3A_611], %slice3A_609 {strides = array<i32>} : memref<64x128xi32, #tpu.memory_space<vmem>>, vector<1x128xi32>,
      %get3A_613 = arith.constant 4 : index
      %get3A_614 = arith.constant 0 : index
      %get3A_615 = arith.constant 0 : index
      %get3A_616 = vector.load %arg9[%get3A_613, %get3A_614, %get3A_615] : memref<16x8x256xf32, #tpu.memory_space<vmem>>, vector<1x8x256xf32>
      %get3A_617 = vector.shape_cast %get3A_616 : vector<1x8x256xf32> to vector<8x256xf32>
      %slice3A_618 = vector.extract_strided_slice %add3A_402 {offsets = [0, 4], sizes = [8, 1], strides = [1, 1]} : vector<8x16xf32> to vector<8x1xf32>
      %mul3A_619 = vector.broadcast %slice3A_618 : vector<8x1xf32> to vector<8x256xf32>
      %mul3A_620 = arith.mulf %get3A_617, %mul3A_619 : vector<8x256xf32>
      %reduce_sum3A_621 = arith.constant dense<0.000000e+00> : vector<256xf32>
      %reduce_sum3A_622 = vector.multi_reduction <add>, %mul3A_620, %reduce_sum3A_621 [0] : vector<8x256xf32> to vector<256xf32>
      %broadcast_in_dim3A_623 = vector.shape_cast %reduce_sum3A_622 : vector<256xf32> to vector<1x256xf32>
      %get3A_624 = arith.constant 4 : index
      %get3A_625 = arith.constant 0 : index
      %get3A_626 = arith.constant 0 : index
      %get3A_627 = vector.load %arg11[%get3A_624, %get3A_625, %get3A_626] : memref<16x1x256xf32, #tpu.memory_space<vmem>>, vector<1x1x256xf32>
      %get3A_628 = vector.shape_cast %get3A_627 : vector<1x1x256xf32> to vector<1x256xf32>
      %add3A_629 = arith.addf %broadcast_in_dim3A_623, %get3A_628 : vector<1x256xf32>
      %convert_element_type3A_630 = arith.fptosi %add3A_629 : vector<1x256xf32> to vector<1x256xi32>
      %get3A_631 = arith.constant 4 : index
      %get3A_632 = arith.constant 0 : index
      %get3A_633 = arith.constant 0 : index
      %get3A_634 = vector.load %arg10[%get3A_631, %get3A_632, %get3A_633] : memref<16x8x256xf32, #tpu.memory_space<vmem>>, vector<1x8x256xf32>
      %get3A_635 = vector.shape_cast %get3A_634 : vector<1x8x256xf32> to vector<8x256xf32>
      %slice3A_636 = vector.extract_strided_slice %add3A_405 {offsets = [0, 4], sizes = [8, 1], strides = [1, 1]} : vector<8x16xf32> to vector<8x1xf32>
      %mul3A_637 = vector.broadcast %slice3A_636 : vector<8x1xf32> to vector<8x256xf32>
      %mul3A_638 = arith.mulf %get3A_635, %mul3A_637 : vector<8x256xf32>
      %reduce_sum3A_639 = arith.constant dense<0.000000e+00> : vector<256xf32>
      %reduce_sum3A_640 = vector.multi_reduction <add>, %mul3A_638, %reduce_sum3A_639 [0] : vector<8x256xf32> to vector<256xf32>
      %broadcast_in_dim3A_641 = vector.shape_cast %reduce_sum3A_640 : vector<256xf32> to vector<1x256xf32>
      %get3A_642 = arith.constant 4 : index
      %get3A_643 = arith.constant 0 : index
      %get3A_644 = arith.constant 0 : index
      %get3A_645 = vector.load %arg12[%get3A_642, %get3A_643, %get3A_644] : memref<16x1x256xf32, #tpu.memory_space<vmem>>, vector<1x1x256xf32>
      %get3A_646 = vector.shape_cast %get3A_645 : vector<1x1x256xf32> to vector<1x256xf32>
      %add3A_647 = arith.addf %broadcast_in_dim3A_641, %get3A_646 : vector<1x256xf32>
      %convert_element_type3A_648 = arith.fptosi %add3A_647 : vector<1x256xf32> to vector<1x256xi32>
      %slice3A_649 = vector.extract_strided_slice %convert_element_type3A_630 {offsets = [0, 0], sizes = [1, 128], strides = [1, 1]} : vector<1x256xi32> to vector<1x128xi32>
      %swap3A_650 = arith.constant 8 : index
      %swap3A_651 = arith.constant 0 : index
      %swap3A_652 = vector.load %arg5[%swap3A_650, %swap3A_651] : memref<64x128xi32, #tpu.memory_space<vmem>>, vector<1x128xi32>
      tpu.vector_store %arg5[%swap3A_650, %swap3A_651], %slice3A_649 {strides = array<i32>} : memref<64x128xi32, #tpu.memory_space<vmem>>, vector<1x128xi32>,
      %slice3A_653 = vector.extract_strided_slice %convert_element_type3A_630 {offsets = [0, 128], sizes = [1, 128], strides = [1, 1]} : vector<1x256xi32> to vector<1x128xi32>
      %swap3A_654 = arith.constant 9 : index
      %swap3A_655 = arith.constant 0 : index
      %swap3A_656 = vector.load %arg5[%swap3A_654, %swap3A_655] : memref<64x128xi32, #tpu.memory_space<vmem>>, vector<1x128xi32>
      tpu.vector_store %arg5[%swap3A_654, %swap3A_655], %slice3A_653 {strides = array<i32>} : memref<64x128xi32, #tpu.memory_space<vmem>>, vector<1x128xi32>,
      %slice3A_657 = vector.extract_strided_slice %convert_element_type3A_648 {offsets = [0, 0], sizes = [1, 128], strides = [1, 1]} : vector<1x256xi32> to vector<1x128xi32>
      %swap3A_658 = arith.constant 40 : index
      %swap3A_659 = arith.constant 0 : index
      %swap3A_660 = vector.load %arg5[%swap3A_658, %swap3A_659] : memref<64x128xi32, #tpu.memory_space<vmem>>, vector<1x128xi32>
      tpu.vector_store %arg5[%swap3A_658, %swap3A_659], %slice3A_657 {strides = array<i32>} : memref<64x128xi32, #tpu.memory_space<vmem>>, vector<1x128xi32>,
      %slice3A_661 = vector.extract_strided_slice %convert_element_type3A_648 {offsets = [0, 128], sizes = [1, 128], strides = [1, 1]} : vector<1x256xi32> to vector<1x128xi32>
      %swap3A_662 = arith.constant 41 : index
      %swap3A_663 = arith.constant 0 : index
      %swap3A_664 = vector.load %arg5[%swap3A_662, %swap3A_663] : memref<64x128xi32, #tpu.memory_space<vmem>>, vector<1x128xi32>
      tpu.vector_store %arg5[%swap3A_662, %swap3A_663], %slice3A_661 {strides = array<i32>} : memref<64x128xi32, #tpu.memory_space<vmem>>, vector<1x128xi32>,
      %get3A_665 = arith.constant 5 : index
      %get3A_666 = arith.constant 0 : index
      %get3A_667 = arith.constant 0 : index
      %get3A_668 = vector.load %arg9[%get3A_665, %get3A_666, %get3A_667] : memref<16x8x256xf32, #tpu.memory_space<vmem>>, vector<1x8x256xf32>
      %get3A_669 = vector.shape_cast %get3A_668 : vector<1x8x256xf32> to vector<8x256xf32>
      %slice3A_670 = vector.extract_strided_slice %add3A_402 {offsets = [0, 5], sizes = [8, 1], strides = [1, 1]} : vector<8x16xf32> to vector<8x1xf32>
      %mul3A_671 = vector.broadcast %slice3A_670 : vector<8x1xf32> to vector<8x256xf32>
      %mul3A_672 = arith.mulf %get3A_669, %mul3A_671 : vector<8x256xf32>
      %reduce_sum3A_673 = arith.constant dense<0.000000e+00> : vector<256xf32>
      %reduce_sum3A_674 = vector.multi_reduction <add>, %mul3A_672, %reduce_sum3A_673 [0] : vector<8x256xf32> to vector<256xf32>
      %broadcast_in_dim3A_675 = vector.shape_cast %reduce_sum3A_674 : vector<256xf32> to vector<1x256xf32>
      %get3A_676 = arith.constant 5 : index
      %get3A_677 = arith.constant 0 : index
      %get3A_678 = arith.constant 0 : index
      %get3A_679 = vector.load %arg11[%get3A_676, %get3A_677, %get3A_678] : memref<16x1x256xf32, #tpu.memory_space<vmem>>, vector<1x1x256xf32>
      %get3A_680 = vector.shape_cast %get3A_679 : vector<1x1x256xf32> to vector<1x256xf32>
      %add3A_681 = arith.addf %broadcast_in_dim3A_675, %get3A_680 : vector<1x256xf32>
      %convert_element_type3A_682 = arith.fptosi %add3A_681 : vector<1x256xf32> to vector<1x256xi32>
      %get3A_683 = arith.constant 5 : index
      %get3A_684 = arith.constant 0 : index
      %get3A_685 = arith.constant 0 : index
      %get3A_686 = vector.load %arg10[%get3A_683, %get3A_684, %get3A_685] : memref<16x8x256xf32, #tpu.memory_space<vmem>>, vector<1x8x256xf32>
      %get3A_687 = vector.shape_cast %get3A_686 : vector<1x8x256xf32> to vector<8x256xf32>
      %slice3A_688 = vector.extract_strided_slice %add3A_405 {offsets = [0, 5], sizes = [8, 1], strides = [1, 1]} : vector<8x16xf32> to vector<8x1xf32>
      %mul3A_689 = vector.broadcast %slice3A_688 : vector<8x1xf32> to vector<8x256xf32>
      %mul3A_690 = arith.mulf %get3A_687, %mul3A_689 : vector<8x256xf32>
      %reduce_sum3A_691 = arith.constant dense<0.000000e+00> : vector<256xf32>
      %reduce_sum3A_692 = vector.multi_reduction <add>, %mul3A_690, %reduce_sum3A_691 [0] : vector<8x256xf32> to vector<256xf32>
      %broadcast_in_dim3A_693 = vector.shape_cast %reduce_sum3A_692 : vector<256xf32> to vector<1x256xf32>
      %get3A_694 = arith.constant 5 : index
      %get3A_695 = arith.constant 0 : index
      %get3A_696 = arith.constant 0 : index
      %get3A_697 = vector.load %arg12[%get3A_694, %get3A_695, %get3A_696] : memref<16x1x256xf32, #tpu.memory_space<vmem>>, vector<1x1x256xf32>
      %get3A_698 = vector.shape_cast %get3A_697 : vector<1x1x256xf32> to vector<1x256xf32>
      %add3A_699 = arith.addf %broadcast_in_dim3A_693, %get3A_698 : vector<1x256xf32>
      %convert_element_type3A_700 = arith.fptosi %add3A_699 : vector<1x256xf32> to vector<1x256xi32>
      %slice3A_701 = vector.extract_strided_slice %convert_element_type3A_682 {offsets = [0, 0], sizes = [1, 128], strides = [1, 1]} : vector<1x256xi32> to vector<1x128xi32>
      %swap3A_702 = arith.constant 10 : index
      %swap3A_703 = arith.constant 0 : index
      %swap3A_704 = vector.load %arg5[%swap3A_702, %swap3A_703] : memref<64x128xi32, #tpu.memory_space<vmem>>, vector<1x128xi32>
      tpu.vector_store %arg5[%swap3A_702, %swap3A_703], %slice3A_701 {strides = array<i32>} : memref<64x128xi32, #tpu.memory_space<vmem>>, vector<1x128xi32>,
      %slice3A_705 = vector.extract_strided_slice %convert_element_type3A_682 {offsets = [0, 128], sizes = [1, 128], strides = [1, 1]} : vector<1x256xi32> to vector<1x128xi32>
      %swap3A_706 = arith.constant 11 : index
      %swap3A_707 = arith.constant 0 : index
      %swap3A_708 = vector.load %arg5[%swap3A_706, %swap3A_707] : memref<64x128xi32, #tpu.memory_space<vmem>>, vector<1x128xi32>
      tpu.vector_store %arg5[%swap3A_706, %swap3A_707], %slice3A_705 {strides = array<i32>} : memref<64x128xi32, #tpu.memory_space<vmem>>, vector<1x128xi32>,
      %slice3A_709 = vector.extract_strided_slice %convert_element_type3A_700 {offsets = [0, 0], sizes = [1, 128], strides = [1, 1]} : vector<1x256xi32> to vector<1x128xi32>
      %swap3A_710 = arith.constant 42 : index
      %swap3A_711 = arith.constant 0 : index
      %swap3A_712 = vector.load %arg5[%swap3A_710, %swap3A_711] : memref<64x128xi32, #tpu.memory_space<vmem>>, vector<1x128xi32>
      tpu.vector_store %arg5[%swap3A_710, %swap3A_711], %slice3A_709 {strides = array<i32>} : memref<64x128xi32, #tpu.memory_space<vmem>>, vector<1x128xi32>,
      %slice3A_713 = vector.extract_strided_slice %convert_element_type3A_700 {offsets = [0, 128], sizes = [1, 128], strides = [1, 1]} : vector<1x256xi32> to vector<1x128xi32>
      %swap3A_714 = arith.constant 43 : index
      %swap3A_715 = arith.constant 0 : index
      %swap3A_716 = vector.load %arg5[%swap3A_714, %swap3A_715] : memref<64x128xi32, #tpu.memory_space<vmem>>, vector<1x128xi32>
      tpu.vector_store %arg5[%swap3A_714, %swap3A_715], %slice3A_713 {strides = array<i32>} : memref<64x128xi32, #tpu.memory_space<vmem>>, vector<1x128xi32>,
      %get3A_717 = arith.constant 6 : index
      %get3A_718 = arith.constant 0 : index
      %get3A_719 = arith.constant 0 : index
      %get3A_720 = vector.load %arg9[%get3A_717, %get3A_718, %get3A_719] : memref<16x8x256xf32, #tpu.memory_space<vmem>>, vector<1x8x256xf32>
      %get3A_721 = vector.shape_cast %get3A_720 : vector<1x8x256xf32> to vector<8x256xf32>
      %slice3A_722 = vector.extract_strided_slice %add3A_402 {offsets = [0, 6], sizes = [8, 1], strides = [1, 1]} : vector<8x16xf32> to vector<8x1xf32>
      %mul3A_723 = vector.broadcast %slice3A_722 : vector<8x1xf32> to vector<8x256xf32>
      %mul3A_724 = arith.mulf %get3A_721, %mul3A_723 : vector<8x256xf32>
      %reduce_sum3A_725 = arith.constant dense<0.000000e+00> : vector<256xf32>
      %reduce_sum3A_726 = vector.multi_reduction <add>, %mul3A_724, %reduce_sum3A_725 [0] : vector<8x256xf32> to vector<256xf32>
      %broadcast_in_dim3A_727 = vector.shape_cast %reduce_sum3A_726 : vector<256xf32> to vector<1x256xf32>
      %get3A_728 = arith.constant 6 : index
      %get3A_729 = arith.constant 0 : index
      %get3A_730 = arith.constant 0 : index
      %get3A_731 = vector.load %arg11[%get3A_728, %get3A_729, %get3A_730] : memref<16x1x256xf32, #tpu.memory_space<vmem>>, vector<1x1x256xf32>
      %get3A_732 = vector.shape_cast %get3A_731 : vector<1x1x256xf32> to vector<1x256xf32>
      %add3A_733 = arith.addf %broadcast_in_dim3A_727, %get3A_732 : vector<1x256xf32>
      %convert_element_type3A_734 = arith.fptosi %add3A_733 : vector<1x256xf32> to vector<1x256xi32>
      %get3A_735 = arith.constant 6 : index
      %get3A_736 = arith.constant 0 : index
      %get3A_737 = arith.constant 0 : index
      %get3A_738 = vector.load %arg10[%get3A_735, %get3A_736, %get3A_737] : memref<16x8x256xf32, #tpu.memory_space<vmem>>, vector<1x8x256xf32>
      %get3A_739 = vector.shape_cast %get3A_738 : vector<1x8x256xf32> to vector<8x256xf32>
      %slice3A_740 = vector.extract_strided_slice %add3A_405 {offsets = [0, 6], sizes = [8, 1], strides = [1, 1]} : vector<8x16xf32> to vector<8x1xf32>
      %mul3A_741 = vector.broadcast %slice3A_740 : vector<8x1xf32> to vector<8x256xf32>
      %mul3A_742 = arith.mulf %get3A_739, %mul3A_741 : vector<8x256xf32>
      %reduce_sum3A_743 = arith.constant dense<0.000000e+00> : vector<256xf32>
      %reduce_sum3A_744 = vector.multi_reduction <add>, %mul3A_742, %reduce_sum3A_743 [0] : vector<8x256xf32> to vector<256xf32>
      %broadcast_in_dim3A_745 = vector.shape_cast %reduce_sum3A_744 : vector<256xf32> to vector<1x256xf32>
      %get3A_746 = arith.constant 6 : index
      %get3A_747 = arith.constant 0 : index
      %get3A_748 = arith.constant 0 : index
      %get3A_749 = vector.load %arg12[%get3A_746, %get3A_747, %get3A_748] : memref<16x1x256xf32, #tpu.memory_space<vmem>>, vector<1x1x256xf32>
      %get3A_750 = vector.shape_cast %get3A_749 : vector<1x1x256xf32> to vector<1x256xf32>
      %add3A_751 = arith.addf %broadcast_in_dim3A_745, %get3A_750 : vector<1x256xf32>
      %convert_element_type3A_752 = arith.fptosi %add3A_751 : vector<1x256xf32> to vector<1x256xi32>
      %slice3A_753 = vector.extract_strided_slice %convert_element_type3A_734 {offsets = [0, 0], sizes = [1, 128], strides = [1, 1]} : vector<1x256xi32> to vector<1x128xi32>
      %swap3A_754 = arith.constant 12 : index
      %swap3A_755 = arith.constant 0 : index
      %swap3A_756 = vector.load %arg5[%swap3A_754, %swap3A_755] : memref<64x128xi32, #tpu.memory_space<vmem>>, vector<1x128xi32>
      tpu.vector_store %arg5[%swap3A_754, %swap3A_755], %slice3A_753 {strides = array<i32>} : memref<64x128xi32, #tpu.memory_space<vmem>>, vector<1x128xi32>,
      %slice3A_757 = vector.extract_strided_slice %convert_element_type3A_734 {offsets = [0, 128], sizes = [1, 128], strides = [1, 1]} : vector<1x256xi32> to vector<1x128xi32>
      %swap3A_758 = arith.constant 13 : index
      %swap3A_759 = arith.constant 0 : index
      %swap3A_760 = vector.load %arg5[%swap3A_758, %swap3A_759] : memref<64x128xi32, #tpu.memory_space<vmem>>, vector<1x128xi32>
      tpu.vector_store %arg5[%swap3A_758, %swap3A_759], %slice3A_757 {strides = array<i32>} : memref<64x128xi32, #tpu.memory_space<vmem>>, vector<1x128xi32>,
      %slice3A_761 = vector.extract_strided_slice %convert_element_type3A_752 {offsets = [0, 0], sizes = [1, 128], strides = [1, 1]} : vector<1x256xi32> to vector<1x128xi32>
      %swap3A_762 = arith.constant 44 : index
      %swap3A_763 = arith.constant 0 : index
      %swap3A_764 = vector.load %arg5[%swap3A_762, %swap3A_763] : memref<64x128xi32, #tpu.memory_space<vmem>>, vector<1x128xi32>
      tpu.vector_store %arg5[%swap3A_762, %swap3A_763], %slice3A_761 {strides = array<i32>} : memref<64x128xi32, #tpu.memory_space<vmem>>, vector<1x128xi32>,
      %slice3A_765 = vector.extract_strided_slice %convert_element_type3A_752 {offsets = [0, 128], sizes = [1, 128], strides = [1, 1]} : vector<1x256xi32> to vector<1x128xi32>
      %swap3A_766 = arith.constant 45 : index
      %swap3A_767 = arith.constant 0 : index
      %swap3A_768 = vector.load %arg5[%swap3A_766, %swap3A_767] : memref<64x128xi32, #tpu.memory_space<vmem>>, vector<1x128xi32>
      tpu.vector_store %arg5[%swap3A_766, %swap3A_767], %slice3A_765 {strides = array<i32>} : memref<64x128xi32, #tpu.memory_space<vmem>>, vector<1x128xi32>,
      %get3A_769 = arith.constant 7 : index
      %get3A_770 = arith.constant 0 : index
      %get3A_771 = arith.constant 0 : index
      %get3A_772 = vector.load %arg9[%get3A_769, %get3A_770, %get3A_771] : memref<16x8x256xf32, #tpu.memory_space<vmem>>, vector<1x8x256xf32>
      %get3A_773 = vector.shape_cast %get3A_772 : vector<1x8x256xf32> to vector<8x256xf32>
      %slice3A_774 = vector.extract_strided_slice %add3A_402 {offsets = [0, 7], sizes = [8, 1], strides = [1, 1]} : vector<8x16xf32> to vector<8x1xf32>
      %mul3A_775 = vector.broadcast %slice3A_774 : vector<8x1xf32> to vector<8x256xf32>
      %mul3A_776 = arith.mulf %get3A_773, %mul3A_775 : vector<8x256xf32>
      %reduce_sum3A_777 = arith.constant dense<0.000000e+00> : vector<256xf32>
      %reduce_sum3A_778 = vector.multi_reduction <add>, %mul3A_776, %reduce_sum3A_777 [0] : vector<8x256xf32> to vector<256xf32>
      %broadcast_in_dim3A_779 = vector.shape_cast %reduce_sum3A_778 : vector<256xf32> to vector<1x256xf32>
      %get3A_780 = arith.constant 7 : index
      %get3A_781 = arith.constant 0 : index
      %get3A_782 = arith.constant 0 : index
      %get3A_783 = vector.load %arg11[%get3A_780, %get3A_781, %get3A_782] : memref<16x1x256xf32, #tpu.memory_space<vmem>>, vector<1x1x256xf32>
      %get3A_784 = vector.shape_cast %get3A_783 : vector<1x1x256xf32> to vector<1x256xf32>
      %add3A_785 = arith.addf %broadcast_in_dim3A_779, %get3A_784 : vector<1x256xf32>
      %convert_element_type3A_786 = arith.fptosi %add3A_785 : vector<1x256xf32> to vector<1x256xi32>
      %get3A_787 = arith.constant 7 : index
      %get3A_788 = arith.constant 0 : index
      %get3A_789 = arith.constant 0 : index
      %get3A_790 = vector.load %arg10[%get3A_787, %get3A_788, %get3A_789] : memref<16x8x256xf32, #tpu.memory_space<vmem>>, vector<1x8x256xf32>
      %get3A_791 = vector.shape_cast %get3A_790 : vector<1x8x256xf32> to vector<8x256xf32>
      %slice3A_792 = vector.extract_strided_slice %add3A_405 {offsets = [0, 7], sizes = [8, 1], strides = [1, 1]} : vector<8x16xf32> to vector<8x1xf32>
      %mul3A_793 = vector.broadcast %slice3A_792 : vector<8x1xf32> to vector<8x256xf32>
      %mul3A_794 = arith.mulf %get3A_791, %mul3A_793 : vector<8x256xf32>
      %reduce_sum3A_795 = arith.constant dense<0.000000e+00> : vector<256xf32>
      %reduce_sum3A_796 = vector.multi_reduction <add>, %mul3A_794, %reduce_sum3A_795 [0] : vector<8x256xf32> to vector<256xf32>
      %broadcast_in_dim3A_797 = vector.shape_cast %reduce_sum3A_796 : vector<256xf32> to vector<1x256xf32>
      %get3A_798 = arith.constant 7 : index
      %get3A_799 = arith.constant 0 : index
      %get3A_800 = arith.constant 0 : index
      %get3A_801 = vector.load %arg12[%get3A_798, %get3A_799, %get3A_800] : memref<16x1x256xf32, #tpu.memory_space<vmem>>, vector<1x1x256xf32>
      %get3A_802 = vector.shape_cast %get3A_801 : vector<1x1x256xf32> to vector<1x256xf32>
      %add3A_803 = arith.addf %broadcast_in_dim3A_797, %get3A_802 : vector<1x256xf32>
      %convert_element_type3A_804 = arith.fptosi %add3A_803 : vector<1x256xf32> to vector<1x256xi32>
      %slice3A_805 = vector.extract_strided_slice %convert_element_type3A_786 {offsets = [0, 0], sizes = [1, 128], strides = [1, 1]} : vector<1x256xi32> to vector<1x128xi32>
      %swap3A_806 = arith.constant 14 : index
      %swap3A_807 = arith.constant 0 : index
      %swap3A_808 = vector.load %arg5[%swap3A_806, %swap3A_807] : memref<64x128xi32, #tpu.memory_space<vmem>>, vector<1x128xi32>
      tpu.vector_store %arg5[%swap3A_806, %swap3A_807], %slice3A_805 {strides = array<i32>} : memref<64x128xi32, #tpu.memory_space<vmem>>, vector<1x128xi32>,
      %slice3A_809 = vector.extract_strided_slice %convert_element_type3A_786 {offsets = [0, 128], sizes = [1, 128], strides = [1, 1]} : vector<1x256xi32> to vector<1x128xi32>
      %swap3A_810 = arith.constant 15 : index
      %swap3A_811 = arith.constant 0 : index
      %swap3A_812 = vector.load %arg5[%swap3A_810, %swap3A_811] : memref<64x128xi32, #tpu.memory_space<vmem>>, vector<1x128xi32>
      tpu.vector_store %arg5[%swap3A_810, %swap3A_811], %slice3A_809 {strides = array<i32>} : memref<64x128xi32, #tpu.memory_space<vmem>>, vector<1x128xi32>,
      %slice3A_813 = vector.extract_strided_slice %convert_element_type3A_804 {offsets = [0, 0], sizes = [1, 128], strides = [1, 1]} : vector<1x256xi32> to vector<1x128xi32>
      %swap3A_814 = arith.constant 46 : index
      %swap3A_815 = arith.constant 0 : index
      %swap3A_816 = vector.load %arg5[%swap3A_814, %swap3A_815] : memref<64x128xi32, #tpu.memory_space<vmem>>, vector<1x128xi32>
      tpu.vector_store %arg5[%swap3A_814, %swap3A_815], %slice3A_813 {strides = array<i32>} : memref<64x128xi32, #tpu.memory_space<vmem>>, vector<1x128xi32>,
      %slice3A_817 = vector.extract_strided_slice %convert_element_type3A_804 {offsets = [0, 128], sizes = [1, 128], strides = [1, 1]} : vector<1x256xi32> to vector<1x128xi32>
      %swap3A_818 = arith.constant 47 : index
      %swap3A_819 = arith.constant 0 : index
      %swap3A_820 = vector.load %arg5[%swap3A_818, %swap3A_819] : memref<64x128xi32, #tpu.memory_space<vmem>>, vector<1x128xi32>
      tpu.vector_store %arg5[%swap3A_818, %swap3A_819], %slice3A_817 {strides = array<i32>} : memref<64x128xi32, #tpu.memory_space<vmem>>, vector<1x128xi32>,
      %get3A_821 = arith.constant 8 : index
      %get3A_822 = arith.constant 0 : index
      %get3A_823 = arith.constant 0 : index
      %get3A_824 = vector.load %arg9[%get3A_821, %get3A_822, %get3A_823] : memref<16x8x256xf32, #tpu.memory_space<vmem>>, vector<1x8x256xf32>
      %get3A_825 = vector.shape_cast %get3A_824 : vector<1x8x256xf32> to vector<8x256xf32>
      %slice3A_826 = vector.extract_strided_slice %add3A_402 {offsets = [0, 8], sizes = [8, 1], strides = [1, 1]} : vector<8x16xf32> to vector<8x1xf32>
      %mul3A_827 = vector.broadcast %slice3A_826 : vector<8x1xf32> to vector<8x256xf32>
      %mul3A_828 = arith.mulf %get3A_825, %mul3A_827 : vector<8x256xf32>
      %reduce_sum3A_829 = arith.constant dense<0.000000e+00> : vector<256xf32>
      %reduce_sum3A_830 = vector.multi_reduction <add>, %mul3A_828, %reduce_sum3A_829 [0] : vector<8x256xf32> to vector<256xf32>
      %broadcast_in_dim3A_831 = vector.shape_cast %reduce_sum3A_830 : vector<256xf32> to vector<1x256xf32>
      %get3A_832 = arith.constant 8 : index
      %get3A_833 = arith.constant 0 : index
      %get3A_834 = arith.constant 0 : index
      %get3A_835 = vector.load %arg11[%get3A_832, %get3A_833, %get3A_834] : memref<16x1x256xf32, #tpu.memory_space<vmem>>, vector<1x1x256xf32>
      %get3A_836 = vector.shape_cast %get3A_835 : vector<1x1x256xf32> to vector<1x256xf32>
      %add3A_837 = arith.addf %broadcast_in_dim3A_831, %get3A_836 : vector<1x256xf32>
      %convert_element_type3A_838 = arith.fptosi %add3A_837 : vector<1x256xf32> to vector<1x256xi32>
      %get3A_839 = arith.constant 8 : index
      %get3A_840 = arith.constant 0 : index
      %get3A_841 = arith.constant 0 : index
      %get3A_842 = vector.load %arg10[%get3A_839, %get3A_840, %get3A_841] : memref<16x8x256xf32, #tpu.memory_space<vmem>>, vector<1x8x256xf32>
      %get3A_843 = vector.shape_cast %get3A_842 : vector<1x8x256xf32> to vector<8x256xf32>
      %slice3A_844 = vector.extract_strided_slice %add3A_405 {offsets = [0, 8], sizes = [8, 1], strides = [1, 1]} : vector<8x16xf32> to vector<8x1xf32>
      %mul3A_845 = vector.broadcast %slice3A_844 : vector<8x1xf32> to vector<8x256xf32>
      %mul3A_846 = arith.mulf %get3A_843, %mul3A_845 : vector<8x256xf32>
      %reduce_sum3A_847 = arith.constant dense<0.000000e+00> : vector<256xf32>
      %reduce_sum3A_848 = vector.multi_reduction <add>, %mul3A_846, %reduce_sum3A_847 [0] : vector<8x256xf32> to vector<256xf32>
      %broadcast_in_dim3A_849 = vector.shape_cast %reduce_sum3A_848 : vector<256xf32> to vector<1x256xf32>
      %get3A_850 = arith.constant 8 : index
      %get3A_851 = arith.constant 0 : index
      %get3A_852 = arith.constant 0 : index
      %get3A_853 = vector.load %arg12[%get3A_850, %get3A_851, %get3A_852] : memref<16x1x256xf32, #tpu.memory_space<vmem>>, vector<1x1x256xf32>
      %get3A_854 = vector.shape_cast %get3A_853 : vector<1x1x256xf32> to vector<1x256xf32>
      %add3A_855 = arith.addf %broadcast_in_dim3A_849, %get3A_854 : vector<1x256xf32>
      %convert_element_type3A_856 = arith.fptosi %add3A_855 : vector<1x256xf32> to vector<1x256xi32>
      %slice3A_857 = vector.extract_strided_slice %convert_element_type3A_838 {offsets = [0, 0], sizes = [1, 128], strides = [1, 1]} : vector<1x256xi32> to vector<1x128xi32>
      %swap3A_858 = arith.constant 16 : index
      %swap3A_859 = arith.constant 0 : index
      %swap3A_860 = vector.load %arg5[%swap3A_858, %swap3A_859] : memref<64x128xi32, #tpu.memory_space<vmem>>, vector<1x128xi32>
      tpu.vector_store %arg5[%swap3A_858, %swap3A_859], %slice3A_857 {strides = array<i32>} : memref<64x128xi32, #tpu.memory_space<vmem>>, vector<1x128xi32>,
      %slice3A_861 = vector.extract_strided_slice %convert_element_type3A_838 {offsets = [0, 128], sizes = [1, 128], strides = [1, 1]} : vector<1x256xi32> to vector<1x128xi32>
      %swap3A_862 = arith.constant 17 : index
      %swap3A_863 = arith.constant 0 : index
      %swap3A_864 = vector.load %arg5[%swap3A_862, %swap3A_863] : memref<64x128xi32, #tpu.memory_space<vmem>>, vector<1x128xi32>
      tpu.vector_store %arg5[%swap3A_862, %swap3A_863], %slice3A_861 {strides = array<i32>} : memref<64x128xi32, #tpu.memory_space<vmem>>, vector<1x128xi32>,
      %slice3A_865 = vector.extract_strided_slice %convert_element_type3A_856 {offsets = [0, 0], sizes = [1, 128], strides = [1, 1]} : vector<1x256xi32> to vector<1x128xi32>
      %swap3A_866 = arith.constant 48 : index
      %swap3A_867 = arith.constant 0 : index
      %swap3A_868 = vector.load %arg5[%swap3A_866, %swap3A_867] : memref<64x128xi32, #tpu.memory_space<vmem>>, vector<1x128xi32>
      tpu.vector_store %arg5[%swap3A_866, %swap3A_867], %slice3A_865 {strides = array<i32>} : memref<64x128xi32, #tpu.memory_space<vmem>>, vector<1x128xi32>,
      %slice3A_869 = vector.extract_strided_slice %convert_element_type3A_856 {offsets = [0, 128], sizes = [1, 128], strides = [1, 1]} : vector<1x256xi32> to vector<1x128xi32>
      %swap3A_870 = arith.constant 49 : index
      %swap3A_871 = arith.constant 0 : index
      %swap3A_872 = vector.load %arg5[%swap3A_870, %swap3A_871] : memref<64x128xi32, #tpu.memory_space<vmem>>, vector<1x128xi32>
      tpu.vector_store %arg5[%swap3A_870, %swap3A_871], %slice3A_869 {strides = array<i32>} : memref<64x128xi32, #tpu.memory_space<vmem>>, vector<1x128xi32>,
      %get3A_873 = arith.constant 9 : index
      %get3A_874 = arith.constant 0 : index
      %get3A_875 = arith.constant 0 : index
      %get3A_876 = vector.load %arg9[%get3A_873, %get3A_874, %get3A_875] : memref<16x8x256xf32, #tpu.memory_space<vmem>>, vector<1x8x256xf32>
      %get3A_877 = vector.shape_cast %get3A_876 : vector<1x8x256xf32> to vector<8x256xf32>
      %slice3A_878 = vector.extract_strided_slice %add3A_402 {offsets = [0, 9], sizes = [8, 1], strides = [1, 1]} : vector<8x16xf32> to vector<8x1xf32>
      %mul3A_879 = vector.broadcast %slice3A_878 : vector<8x1xf32> to vector<8x256xf32>
      %mul3A_880 = arith.mulf %get3A_877, %mul3A_879 : vector<8x256xf32>
      %reduce_sum3A_881 = arith.constant dense<0.000000e+00> : vector<256xf32>
      %reduce_sum3A_882 = vector.multi_reduction <add>, %mul3A_880, %reduce_sum3A_881 [0] : vector<8x256xf32> to vector<256xf32>
      %broadcast_in_dim3A_883 = vector.shape_cast %reduce_sum3A_882 : vector<256xf32> to vector<1x256xf32>
      %get3A_884 = arith.constant 9 : index
      %get3A_885 = arith.constant 0 : index
      %get3A_886 = arith.constant 0 : index
      %get3A_887 = vector.load %arg11[%get3A_884, %get3A_885, %get3A_886] : memref<16x1x256xf32, #tpu.memory_space<vmem>>, vector<1x1x256xf32>
      %get3A_888 = vector.shape_cast %get3A_887 : vector<1x1x256xf32> to vector<1x256xf32>
      %add3A_889 = arith.addf %broadcast_in_dim3A_883, %get3A_888 : vector<1x256xf32>
      %convert_element_type3A_890 = arith.fptosi %add3A_889 : vector<1x256xf32> to vector<1x256xi32>
      %get3A_891 = arith.constant 9 : index
      %get3A_892 = arith.constant 0 : index
      %get3A_893 = arith.constant 0 : index
      %get3A_894 = vector.load %arg10[%get3A_891, %get3A_892, %get3A_893] : memref<16x8x256xf32, #tpu.memory_space<vmem>>, vector<1x8x256xf32>
      %get3A_895 = vector.shape_cast %get3A_894 : vector<1x8x256xf32> to vector<8x256xf32>
      %slice3A_896 = vector.extract_strided_slice %add3A_405 {offsets = [0, 9], sizes = [8, 1], strides = [1, 1]} : vector<8x16xf32> to vector<8x1xf32>
      %mul3A_897 = vector.broadcast %slice3A_896 : vector<8x1xf32> to vector<8x256xf32>
      %mul3A_898 = arith.mulf %get3A_895, %mul3A_897 : vector<8x256xf32>
      %reduce_sum3A_899 = arith.constant dense<0.000000e+00> : vector<256xf32>
      %reduce_sum3A_900 = vector.multi_reduction <add>, %mul3A_898, %reduce_sum3A_899 [0] : vector<8x256xf32> to vector<256xf32>
      %broadcast_in_dim3A_901 = vector.shape_cast %reduce_sum3A_900 : vector<256xf32> to vector<1x256xf32>
      %get3A_902 = arith.constant 9 : index
      %get3A_903 = arith.constant 0 : index
      %get3A_904 = arith.constant 0 : index
      %get3A_905 = vector.load %arg12[%get3A_902, %get3A_903, %get3A_904] : memref<16x1x256xf32, #tpu.memory_space<vmem>>, vector<1x1x256xf32>
      %get3A_906 = vector.shape_cast %get3A_905 : vector<1x1x256xf32> to vector<1x256xf32>
      %add3A_907 = arith.addf %broadcast_in_dim3A_901, %get3A_906 : vector<1x256xf32>
      %convert_element_type3A_908 = arith.fptosi %add3A_907 : vector<1x256xf32> to vector<1x256xi32>
      %slice3A_909 = vector.extract_strided_slice %convert_element_type3A_890 {offsets = [0, 0], sizes = [1, 128], strides = [1, 1]} : vector<1x256xi32> to vector<1x128xi32>
      %swap3A_910 = arith.constant 18 : index
      %swap3A_911 = arith.constant 0 : index
      %swap3A_912 = vector.load %arg5[%swap3A_910, %swap3A_911] : memref<64x128xi32, #tpu.memory_space<vmem>>, vector<1x128xi32>
      tpu.vector_store %arg5[%swap3A_910, %swap3A_911], %slice3A_909 {strides = array<i32>} : memref<64x128xi32, #tpu.memory_space<vmem>>, vector<1x128xi32>,
      %slice3A_913 = vector.extract_strided_slice %convert_element_type3A_890 {offsets = [0, 128], sizes = [1, 128], strides = [1, 1]} : vector<1x256xi32> to vector<1x128xi32>
      %swap3A_914 = arith.constant 19 : index
      %swap3A_915 = arith.constant 0 : index
      %swap3A_916 = vector.load %arg5[%swap3A_914, %swap3A_915] : memref<64x128xi32, #tpu.memory_space<vmem>>, vector<1x128xi32>
      tpu.vector_store %arg5[%swap3A_914, %swap3A_915], %slice3A_913 {strides = array<i32>} : memref<64x128xi32, #tpu.memory_space<vmem>>, vector<1x128xi32>,
      %slice3A_917 = vector.extract_strided_slice %convert_element_type3A_908 {offsets = [0, 0], sizes = [1, 128], strides = [1, 1]} : vector<1x256xi32> to vector<1x128xi32>
      %swap3A_918 = arith.constant 50 : index
      %swap3A_919 = arith.constant 0 : index
      %swap3A_920 = vector.load %arg5[%swap3A_918, %swap3A_919] : memref<64x128xi32, #tpu.memory_space<vmem>>, vector<1x128xi32>
      tpu.vector_store %arg5[%swap3A_918, %swap3A_919], %slice3A_917 {strides = array<i32>} : memref<64x128xi32, #tpu.memory_space<vmem>>, vector<1x128xi32>,
      %slice3A_921 = vector.extract_strided_slice %convert_element_type3A_908 {offsets = [0, 128], sizes = [1, 128], strides = [1, 1]} : vector<1x256xi32> to vector<1x128xi32>
      %swap3A_922 = arith.constant 51 : index
      %swap3A_923 = arith.constant 0 : index
      %swap3A_924 = vector.load %arg5[%swap3A_922, %swap3A_923] : memref<64x128xi32, #tpu.memory_space<vmem>>, vector<1x128xi32>
      tpu.vector_store %arg5[%swap3A_922, %swap3A_923], %slice3A_921 {strides = array<i32>} : memref<64x128xi32, #tpu.memory_space<vmem>>, vector<1x128xi32>,
      %get3A_925 = arith.constant 10 : index
      %get3A_926 = arith.constant 0 : index
      %get3A_927 = arith.constant 0 : index
      %get3A_928 = vector.load %arg9[%get3A_925, %get3A_926, %get3A_927] : memref<16x8x256xf32, #tpu.memory_space<vmem>>, vector<1x8x256xf32>
      %get3A_929 = vector.shape_cast %get3A_928 : vector<1x8x256xf32> to vector<8x256xf32>
      %slice3A_930 = vector.extract_strided_slice %add3A_402 {offsets = [0, 10], sizes = [8, 1], strides = [1, 1]} : vector<8x16xf32> to vector<8x1xf32>
      %mul3A_931 = vector.broadcast %slice3A_930 : vector<8x1xf32> to vector<8x256xf32>
      %mul3A_932 = arith.mulf %get3A_929, %mul3A_931 : vector<8x256xf32>
      %reduce_sum3A_933 = arith.constant dense<0.000000e+00> : vector<256xf32>
      %reduce_sum3A_934 = vector.multi_reduction <add>, %mul3A_932, %reduce_sum3A_933 [0] : vector<8x256xf32> to vector<256xf32>
      %broadcast_in_dim3A_935 = vector.shape_cast %reduce_sum3A_934 : vector<256xf32> to vector<1x256xf32>
      %get3A_936 = arith.constant 10 : index
      %get3A_937 = arith.constant 0 : index
      %get3A_938 = arith.constant 0 : index
      %get3A_939 = vector.load %arg11[%get3A_936, %get3A_937, %get3A_938] : memref<16x1x256xf32, #tpu.memory_space<vmem>>, vector<1x1x256xf32>
      %get3A_940 = vector.shape_cast %get3A_939 : vector<1x1x256xf32> to vector<1x256xf32>
      %add3A_941 = arith.addf %broadcast_in_dim3A_935, %get3A_940 : vector<1x256xf32>
      %convert_element_type3A_942 = arith.fptosi %add3A_941 : vector<1x256xf32> to vector<1x256xi32>
      %get3A_943 = arith.constant 10 : index
      %get3A_944 = arith.constant 0 : index
      %get3A_945 = arith.constant 0 : index
      %get3A_946 = vector.load %arg10[%get3A_943, %get3A_944, %get3A_945] : memref<16x8x256xf32, #tpu.memory_space<vmem>>, vector<1x8x256xf32>
      %get3A_947 = vector.shape_cast %get3A_946 : vector<1x8x256xf32> to vector<8x256xf32>
      %slice3A_948 = vector.extract_strided_slice %add3A_405 {offsets = [0, 10], sizes = [8, 1], strides = [1, 1]} : vector<8x16xf32> to vector<8x1xf32>
      %mul3A_949 = vector.broadcast %slice3A_948 : vector<8x1xf32> to vector<8x256xf32>
      %mul3A_950 = arith.mulf %get3A_947, %mul3A_949 : vector<8x256xf32>
      %reduce_sum3A_951 = arith.constant dense<0.000000e+00> : vector<256xf32>
      %reduce_sum3A_952 = vector.multi_reduction <add>, %mul3A_950, %reduce_sum3A_951 [0] : vector<8x256xf32> to vector<256xf32>
      %broadcast_in_dim3A_953 = vector.shape_cast %reduce_sum3A_952 : vector<256xf32> to vector<1x256xf32>
      %get3A_954 = arith.constant 10 : index
      %get3A_955 = arith.constant 0 : index
      %get3A_956 = arith.constant 0 : index
      %get3A_957 = vector.load %arg12[%get3A_954, %get3A_955, %get3A_956] : memref<16x1x256xf32, #tpu.memory_space<vmem>>, vector<1x1x256xf32>
      %get3A_958 = vector.shape_cast %get3A_957 : vector<1x1x256xf32> to vector<1x256xf32>
      %add3A_959 = arith.addf %broadcast_in_dim3A_953, %get3A_958 : vector<1x256xf32>
      %convert_element_type3A_960 = arith.fptosi %add3A_959 : vector<1x256xf32> to vector<1x256xi32>
      %slice3A_961 = vector.extract_strided_slice %convert_element_type3A_942 {offsets = [0, 0], sizes = [1, 128], strides = [1, 1]} : vector<1x256xi32> to vector<1x128xi32>
      %swap3A_962 = arith.constant 20 : index
      %swap3A_963 = arith.constant 0 : index
      %swap3A_964 = vector.load %arg5[%swap3A_962, %swap3A_963] : memref<64x128xi32, #tpu.memory_space<vmem>>, vector<1x128xi32>
      tpu.vector_store %arg5[%swap3A_962, %swap3A_963], %slice3A_961 {strides = array<i32>} : memref<64x128xi32, #tpu.memory_space<vmem>>, vector<1x128xi32>,
      %slice3A_965 = vector.extract_strided_slice %convert_element_type3A_942 {offsets = [0, 128], sizes = [1, 128], strides = [1, 1]} : vector<1x256xi32> to vector<1x128xi32>
      %swap3A_966 = arith.constant 21 : index
      %swap3A_967 = arith.constant 0 : index
      %swap3A_968 = vector.load %arg5[%swap3A_966, %swap3A_967] : memref<64x128xi32, #tpu.memory_space<vmem>>, vector<1x128xi32>
      tpu.vector_store %arg5[%swap3A_966, %swap3A_967], %slice3A_965 {strides = array<i32>} : memref<64x128xi32, #tpu.memory_space<vmem>>, vector<1x128xi32>,
      %slice3A_969 = vector.extract_strided_slice %convert_element_type3A_960 {offsets = [0, 0], sizes = [1, 128], strides = [1, 1]} : vector<1x256xi32> to vector<1x128xi32>
      %swap3A_970 = arith.constant 52 : index
      %swap3A_971 = arith.constant 0 : index
      %swap3A_972 = vector.load %arg5[%swap3A_970, %swap3A_971] : memref<64x128xi32, #tpu.memory_space<vmem>>, vector<1x128xi32>
      tpu.vector_store %arg5[%swap3A_970, %swap3A_971], %slice3A_969 {strides = array<i32>} : memref<64x128xi32, #tpu.memory_space<vmem>>, vector<1x128xi32>,
      %slice3A_973 = vector.extract_strided_slice %convert_element_type3A_960 {offsets = [0, 128], sizes = [1, 128], strides = [1, 1]} : vector<1x256xi32> to vector<1x128xi32>
      %swap3A_974 = arith.constant 53 : index
      %swap3A_975 = arith.constant 0 : index
      %swap3A_976 = vector.load %arg5[%swap3A_974, %swap3A_975] : memref<64x128xi32, #tpu.memory_space<vmem>>, vector<1x128xi32>
      tpu.vector_store %arg5[%swap3A_974, %swap3A_975], %slice3A_973 {strides = array<i32>} : memref<64x128xi32, #tpu.memory_space<vmem>>, vector<1x128xi32>,
      %get3A_977 = arith.constant 11 : index
      %get3A_978 = arith.constant 0 : index
      %get3A_979 = arith.constant 0 : index
      %get3A_980 = vector.load %arg9[%get3A_977, %get3A_978, %get3A_979] : memref<16x8x256xf32, #tpu.memory_space<vmem>>, vector<1x8x256xf32>
      %get3A_981 = vector.shape_cast %get3A_980 : vector<1x8x256xf32> to vector<8x256xf32>
      %slice3A_982 = vector.extract_strided_slice %add3A_402 {offsets = [0, 11], sizes = [8, 1], strides = [1, 1]} : vector<8x16xf32> to vector<8x1xf32>
      %mul3A_983 = vector.broadcast %slice3A_982 : vector<8x1xf32> to vector<8x256xf32>
      %mul3A_984 = arith.mulf %get3A_981, %mul3A_983 : vector<8x256xf32>
      %reduce_sum3A_985 = arith.constant dense<0.000000e+00> : vector<256xf32>
      %reduce_sum3A_986 = vector.multi_reduction <add>, %mul3A_984, %reduce_sum3A_985 [0] : vector<8x256xf32> to vector<256xf32>
      %broadcast_in_dim3A_987 = vector.shape_cast %reduce_sum3A_986 : vector<256xf32> to vector<1x256xf32>
      %get3A_988 = arith.constant 11 : index
      %get3A_989 = arith.constant 0 : index
      %get3A_990 = arith.constant 0 : index
      %get3A_991 = vector.load %arg11[%get3A_988, %get3A_989, %get3A_990] : memref<16x1x256xf32, #tpu.memory_space<vmem>>, vector<1x1x256xf32>
      %get3A_992 = vector.shape_cast %get3A_991 : vector<1x1x256xf32> to vector<1x256xf32>
      %add3A_993 = arith.addf %broadcast_in_dim3A_987, %get3A_992 : vector<1x256xf32>
      %convert_element_type3A_994 = arith.fptosi %add3A_993 : vector<1x256xf32> to vector<1x256xi32>
      %get3A_995 = arith.constant 11 : index
      %get3A_996 = arith.constant 0 : index
      %get3A_997 = arith.constant 0 : index
      %get3A_998 = vector.load %arg10[%get3A_995, %get3A_996, %get3A_997] : memref<16x8x256xf32, #tpu.memory_space<vmem>>, vector<1x8x256xf32>
      %get3A_999 = vector.shape_cast %get3A_998 : vector<1x8x256xf32> to vector<8x256xf32>
      %slice3A_1000 = vector.extract_strided_slice %add3A_405 {offsets = [0, 11], sizes = [8, 1], strides = [1, 1]} : vector<8x16xf32> to vector<8x1xf32>
      %mul3A_1001 = vector.broadcast %slice3A_1000 : vector<8x1xf32> to vector<8x256xf32>
      %mul3A_1002 = arith.mulf %get3A_999, %mul3A_1001 : vector<8x256xf32>
      %reduce_sum3A_1003 = arith.constant dense<0.000000e+00> : vector<256xf32>
      %reduce_sum3A_1004 = vector.multi_reduction <add>, %mul3A_1002, %reduce_sum3A_1003 [0] : vector<8x256xf32> to vector<256xf32>
      %broadcast_in_dim3A_1005 = vector.shape_cast %reduce_sum3A_1004 : vector<256xf32> to vector<1x256xf32>
      %get3A_1006 = arith.constant 11 : index
      %get3A_1007 = arith.constant 0 : index
      %get3A_1008 = arith.constant 0 : index
      %get3A_1009 = vector.load %arg12[%get3A_1006, %get3A_1007, %get3A_1008] : memref<16x1x256xf32, #tpu.memory_space<vmem>>, vector<1x1x256xf32>
      %get3A_1010 = vector.shape_cast %get3A_1009 : vector<1x1x256xf32> to vector<1x256xf32>
      %add3A_1011 = arith.addf %broadcast_in_dim3A_1005, %get3A_1010 : vector<1x256xf32>
      %convert_element_type3A_1012 = arith.fptosi %add3A_1011 : vector<1x256xf32> to vector<1x256xi32>
      %slice3A_1013 = vector.extract_strided_slice %convert_element_type3A_994 {offsets = [0, 0], sizes = [1, 128], strides = [1, 1]} : vector<1x256xi32> to vector<1x128xi32>
      %swap3A_1014 = arith.constant 22 : index
      %swap3A_1015 = arith.constant 0 : index
      %swap3A_1016 = vector.load %arg5[%swap3A_1014, %swap3A_1015] : memref<64x128xi32, #tpu.memory_space<vmem>>, vector<1x128xi32>
      tpu.vector_store %arg5[%swap3A_1014, %swap3A_1015], %slice3A_1013 {strides = array<i32>} : memref<64x128xi32, #tpu.memory_space<vmem>>, vector<1x128xi32>,
      %slice3A_1017 = vector.extract_strided_slice %convert_element_type3A_994 {offsets = [0, 128], sizes = [1, 128], strides = [1, 1]} : vector<1x256xi32> to vector<1x128xi32>
      %swap3A_1018 = arith.constant 23 : index
      %swap3A_1019 = arith.constant 0 : index
      %swap3A_1020 = vector.load %arg5[%swap3A_1018, %swap3A_1019] : memref<64x128xi32, #tpu.memory_space<vmem>>, vector<1x128xi32>
      tpu.vector_store %arg5[%swap3A_1018, %swap3A_1019], %slice3A_1017 {strides = array<i32>} : memref<64x128xi32, #tpu.memory_space<vmem>>, vector<1x128xi32>,
      %slice3A_1021 = vector.extract_strided_slice %convert_element_type3A_1012 {offsets = [0, 0], sizes = [1, 128], strides = [1, 1]} : vector<1x256xi32> to vector<1x128xi32>
      %swap3A_1022 = arith.constant 54 : index
      %swap3A_1023 = arith.constant 0 : index
      %swap3A_1024 = vector.load %arg5[%swap3A_1022, %swap3A_1023] : memref<64x128xi32, #tpu.memory_space<vmem>>, vector<1x128xi32>
      tpu.vector_store %arg5[%swap3A_1022, %swap3A_1023], %slice3A_1021 {strides = array<i32>} : memref<64x128xi32, #tpu.memory_space<vmem>>, vector<1x128xi32>,
      %slice3A_1025 = vector.extract_strided_slice %convert_element_type3A_1012 {offsets = [0, 128], sizes = [1, 128], strides = [1, 1]} : vector<1x256xi32> to vector<1x128xi32>
      %swap3A_1026 = arith.constant 55 : index
      %swap3A_1027 = arith.constant 0 : index
      %swap3A_1028 = vector.load %arg5[%swap3A_1026, %swap3A_1027] : memref<64x128xi32, #tpu.memory_space<vmem>>, vector<1x128xi32>
      tpu.vector_store %arg5[%swap3A_1026, %swap3A_1027], %slice3A_1025 {strides = array<i32>} : memref<64x128xi32, #tpu.memory_space<vmem>>, vector<1x128xi32>,
      %get3A_1029 = arith.constant 12 : index
      %get3A_1030 = arith.constant 0 : index
      %get3A_1031 = arith.constant 0 : index
      %get3A_1032 = vector.load %arg9[%get3A_1029, %get3A_1030, %get3A_1031] : memref<16x8x256xf32, #tpu.memory_space<vmem>>, vector<1x8x256xf32>
      %get3A_1033 = vector.shape_cast %get3A_1032 : vector<1x8x256xf32> to vector<8x256xf32>
      %slice3A_1034 = vector.extract_strided_slice %add3A_402 {offsets = [0, 12], sizes = [8, 1], strides = [1, 1]} : vector<8x16xf32> to vector<8x1xf32>
      %mul3A_1035 = vector.broadcast %slice3A_1034 : vector<8x1xf32> to vector<8x256xf32>
      %mul3A_1036 = arith.mulf %get3A_1033, %mul3A_1035 : vector<8x256xf32>
      %reduce_sum3A_1037 = arith.constant dense<0.000000e+00> : vector<256xf32>
      %reduce_sum3A_1038 = vector.multi_reduction <add>, %mul3A_1036, %reduce_sum3A_1037 [0] : vector<8x256xf32> to vector<256xf32>
      %broadcast_in_dim3A_1039 = vector.shape_cast %reduce_sum3A_1038 : vector<256xf32> to vector<1x256xf32>
      %get3A_1040 = arith.constant 12 : index
      %get3A_1041 = arith.constant 0 : index
      %get3A_1042 = arith.constant 0 : index
      %get3A_1043 = vector.load %arg11[%get3A_1040, %get3A_1041, %get3A_1042] : memref<16x1x256xf32, #tpu.memory_space<vmem>>, vector<1x1x256xf32>
      %get3A_1044 = vector.shape_cast %get3A_1043 : vector<1x1x256xf32> to vector<1x256xf32>
      %add3A_1045 = arith.addf %broadcast_in_dim3A_1039, %get3A_1044 : vector<1x256xf32>
      %convert_element_type3A_1046 = arith.fptosi %add3A_1045 : vector<1x256xf32> to vector<1x256xi32>
      %get3A_1047 = arith.constant 12 : index
      %get3A_1048 = arith.constant 0 : index
      %get3A_1049 = arith.constant 0 : index
      %get3A_1050 = vector.load %arg10[%get3A_1047, %get3A_1048, %get3A_1049] : memref<16x8x256xf32, #tpu.memory_space<vmem>>, vector<1x8x256xf32>
      %get3A_1051 = vector.shape_cast %get3A_1050 : vector<1x8x256xf32> to vector<8x256xf32>
      %slice3A_1052 = vector.extract_strided_slice %add3A_405 {offsets = [0, 12], sizes = [8, 1], strides = [1, 1]} : vector<8x16xf32> to vector<8x1xf32>
      %mul3A_1053 = vector.broadcast %slice3A_1052 : vector<8x1xf32> to vector<8x256xf32>
      %mul3A_1054 = arith.mulf %get3A_1051, %mul3A_1053 : vector<8x256xf32>
      %reduce_sum3A_1055 = arith.constant dense<0.000000e+00> : vector<256xf32>
      %reduce_sum3A_1056 = vector.multi_reduction <add>, %mul3A_1054, %reduce_sum3A_1055 [0] : vector<8x256xf32> to vector<256xf32>
      %broadcast_in_dim3A_1057 = vector.shape_cast %reduce_sum3A_1056 : vector<256xf32> to vector<1x256xf32>
      %get3A_1058 = arith.constant 12 : index
      %get3A_1059 = arith.constant 0 : index
      %get3A_1060 = arith.constant 0 : index
      %get3A_1061 = vector.load %arg12[%get3A_1058, %get3A_1059, %get3A_1060] : memref<16x1x256xf32, #tpu.memory_space<vmem>>, vector<1x1x256xf32>
      %get3A_1062 = vector.shape_cast %get3A_1061 : vector<1x1x256xf32> to vector<1x256xf32>
      %add3A_1063 = arith.addf %broadcast_in_dim3A_1057, %get3A_1062 : vector<1x256xf32>
      %convert_element_type3A_1064 = arith.fptosi %add3A_1063 : vector<1x256xf32> to vector<1x256xi32>
      %slice3A_1065 = vector.extract_strided_slice %convert_element_type3A_1046 {offsets = [0, 0], sizes = [1, 128], strides = [1, 1]} : vector<1x256xi32> to vector<1x128xi32>
      %swap3A_1066 = arith.constant 24 : index
      %swap3A_1067 = arith.constant 0 : index
      %swap3A_1068 = vector.load %arg5[%swap3A_1066, %swap3A_1067] : memref<64x128xi32, #tpu.memory_space<vmem>>, vector<1x128xi32>
      tpu.vector_store %arg5[%swap3A_1066, %swap3A_1067], %slice3A_1065 {strides = array<i32>} : memref<64x128xi32, #tpu.memory_space<vmem>>, vector<1x128xi32>,
      %slice3A_1069 = vector.extract_strided_slice %convert_element_type3A_1046 {offsets = [0, 128], sizes = [1, 128], strides = [1, 1]} : vector<1x256xi32> to vector<1x128xi32>
      %swap3A_1070 = arith.constant 25 : index
      %swap3A_1071 = arith.constant 0 : index
      %swap3A_1072 = vector.load %arg5[%swap3A_1070, %swap3A_1071] : memref<64x128xi32, #tpu.memory_space<vmem>>, vector<1x128xi32>
      tpu.vector_store %arg5[%swap3A_1070, %swap3A_1071], %slice3A_1069 {strides = array<i32>} : memref<64x128xi32, #tpu.memory_space<vmem>>, vector<1x128xi32>,
      %slice3A_1073 = vector.extract_strided_slice %convert_element_type3A_1064 {offsets = [0, 0], sizes = [1, 128], strides = [1, 1]} : vector<1x256xi32> to vector<1x128xi32>
      %swap3A_1074 = arith.constant 56 : index
      %swap3A_1075 = arith.constant 0 : index
      %swap3A_1076 = vector.load %arg5[%swap3A_1074, %swap3A_1075] : memref<64x128xi32, #tpu.memory_space<vmem>>, vector<1x128xi32>
      tpu.vector_store %arg5[%swap3A_1074, %swap3A_1075], %slice3A_1073 {strides = array<i32>} : memref<64x128xi32, #tpu.memory_space<vmem>>, vector<1x128xi32>,
      %slice3A_1077 = vector.extract_strided_slice %convert_element_type3A_1064 {offsets = [0, 128], sizes = [1, 128], strides = [1, 1]} : vector<1x256xi32> to vector<1x128xi32>
      %swap3A_1078 = arith.constant 57 : index
      %swap3A_1079 = arith.constant 0 : index
      %swap3A_1080 = vector.load %arg5[%swap3A_1078, %swap3A_1079] : memref<64x128xi32, #tpu.memory_space<vmem>>, vector<1x128xi32>
      tpu.vector_store %arg5[%swap3A_1078, %swap3A_1079], %slice3A_1077 {strides = array<i32>} : memref<64x128xi32, #tpu.memory_space<vmem>>, vector<1x128xi32>,
      %get3A_1081 = arith.constant 13 : index
      %get3A_1082 = arith.constant 0 : index
      %get3A_1083 = arith.constant 0 : index
      %get3A_1084 = vector.load %arg9[%get3A_1081, %get3A_1082, %get3A_1083] : memref<16x8x256xf32, #tpu.memory_space<vmem>>, vector<1x8x256xf32>
      %get3A_1085 = vector.shape_cast %get3A_1084 : vector<1x8x256xf32> to vector<8x256xf32>
      %slice3A_1086 = vector.extract_strided_slice %add3A_402 {offsets = [0, 13], sizes = [8, 1], strides = [1, 1]} : vector<8x16xf32> to vector<8x1xf32>
      %mul3A_1087 = vector.broadcast %slice3A_1086 : vector<8x1xf32> to vector<8x256xf32>
      %mul3A_1088 = arith.mulf %get3A_1085, %mul3A_1087 : vector<8x256xf32>
      %reduce_sum3A_1089 = arith.constant dense<0.000000e+00> : vector<256xf32>
      %reduce_sum3A_1090 = vector.multi_reduction <add>, %mul3A_1088, %reduce_sum3A_1089 [0] : vector<8x256xf32> to vector<256xf32>
      %broadcast_in_dim3A_1091 = vector.shape_cast %reduce_sum3A_1090 : vector<256xf32> to vector<1x256xf32>
      %get3A_1092 = arith.constant 13 : index
      %get3A_1093 = arith.constant 0 : index
      %get3A_1094 = arith.constant 0 : index
      %get3A_1095 = vector.load %arg11[%get3A_1092, %get3A_1093, %get3A_1094] : memref<16x1x256xf32, #tpu.memory_space<vmem>>, vector<1x1x256xf32>
      %get3A_1096 = vector.shape_cast %get3A_1095 : vector<1x1x256xf32> to vector<1x256xf32>
      %add3A_1097 = arith.addf %broadcast_in_dim3A_1091, %get3A_1096 : vector<1x256xf32>
      %convert_element_type3A_1098 = arith.fptosi %add3A_1097 : vector<1x256xf32> to vector<1x256xi32>
      %get3A_1099 = arith.constant 13 : index
      %get3A_1100 = arith.constant 0 : index
      %get3A_1101 = arith.constant 0 : index
      %get3A_1102 = vector.load %arg10[%get3A_1099, %get3A_1100, %get3A_1101] : memref<16x8x256xf32, #tpu.memory_space<vmem>>, vector<1x8x256xf32>
      %get3A_1103 = vector.shape_cast %get3A_1102 : vector<1x8x256xf32> to vector<8x256xf32>
      %slice3A_1104 = vector.extract_strided_slice %add3A_405 {offsets = [0, 13], sizes = [8, 1], strides = [1, 1]} : vector<8x16xf32> to vector<8x1xf32>
      %mul3A_1105 = vector.broadcast %slice3A_1104 : vector<8x1xf32> to vector<8x256xf32>
      %mul3A_1106 = arith.mulf %get3A_1103, %mul3A_1105 : vector<8x256xf32>
      %reduce_sum3A_1107 = arith.constant dense<0.000000e+00> : vector<256xf32>
      %reduce_sum3A_1108 = vector.multi_reduction <add>, %mul3A_1106, %reduce_sum3A_1107 [0] : vector<8x256xf32> to vector<256xf32>
      %broadcast_in_dim3A_1109 = vector.shape_cast %reduce_sum3A_1108 : vector<256xf32> to vector<1x256xf32>
      %get3A_1110 = arith.constant 13 : index
      %get3A_1111 = arith.constant 0 : index
      %get3A_1112 = arith.constant 0 : index
      %get3A_1113 = vector.load %arg12[%get3A_1110, %get3A_1111, %get3A_1112] : memref<16x1x256xf32, #tpu.memory_space<vmem>>, vector<1x1x256xf32>
      %get3A_1114 = vector.shape_cast %get3A_1113 : vector<1x1x256xf32> to vector<1x256xf32>
      %add3A_1115 = arith.addf %broadcast_in_dim3A_1109, %get3A_1114 : vector<1x256xf32>
      %convert_element_type3A_1116 = arith.fptosi %add3A_1115 : vector<1x256xf32> to vector<1x256xi32>
      %slice3A_1117 = vector.extract_strided_slice %convert_element_type3A_1098 {offsets = [0, 0], sizes = [1, 128], strides = [1, 1]} : vector<1x256xi32> to vector<1x128xi32>
      %swap3A_1118 = arith.constant 26 : index
      %swap3A_1119 = arith.constant 0 : index
      %swap3A_1120 = vector.load %arg5[%swap3A_1118, %swap3A_1119] : memref<64x128xi32, #tpu.memory_space<vmem>>, vector<1x128xi32>
      tpu.vector_store %arg5[%swap3A_1118, %swap3A_1119], %slice3A_1117 {strides = array<i32>} : memref<64x128xi32, #tpu.memory_space<vmem>>, vector<1x128xi32>,
      %slice3A_1121 = vector.extract_strided_slice %convert_element_type3A_1098 {offsets = [0, 128], sizes = [1, 128], strides = [1, 1]} : vector<1x256xi32> to vector<1x128xi32>
      %swap3A_1122 = arith.constant 27 : index
      %swap3A_1123 = arith.constant 0 : index
      %swap3A_1124 = vector.load %arg5[%swap3A_1122, %swap3A_1123] : memref<64x128xi32, #tpu.memory_space<vmem>>, vector<1x128xi32>
      tpu.vector_store %arg5[%swap3A_1122, %swap3A_1123], %slice3A_1121 {strides = array<i32>} : memref<64x128xi32, #tpu.memory_space<vmem>>, vector<1x128xi32>,
      %slice3A_1125 = vector.extract_strided_slice %convert_element_type3A_1116 {offsets = [0, 0], sizes = [1, 128], strides = [1, 1]} : vector<1x256xi32> to vector<1x128xi32>
      %swap3A_1126 = arith.constant 58 : index
      %swap3A_1127 = arith.constant 0 : index
      %swap3A_1128 = vector.load %arg5[%swap3A_1126, %swap3A_1127] : memref<64x128xi32, #tpu.memory_space<vmem>>, vector<1x128xi32>
      tpu.vector_store %arg5[%swap3A_1126, %swap3A_1127], %slice3A_1125 {strides = array<i32>} : memref<64x128xi32, #tpu.memory_space<vmem>>, vector<1x128xi32>,
      %slice3A_1129 = vector.extract_strided_slice %convert_element_type3A_1116 {offsets = [0, 128], sizes = [1, 128], strides = [1, 1]} : vector<1x256xi32> to vector<1x128xi32>
      %swap3A_1130 = arith.constant 59 : index
      %swap3A_1131 = arith.constant 0 : index
      %swap3A_1132 = vector.load %arg5[%swap3A_1130, %swap3A_1131] : memref<64x128xi32, #tpu.memory_space<vmem>>, vector<1x128xi32>
      tpu.vector_store %arg5[%swap3A_1130, %swap3A_1131], %slice3A_1129 {strides = array<i32>} : memref<64x128xi32, #tpu.memory_space<vmem>>, vector<1x128xi32>,
      %get3A_1133 = arith.constant 14 : index
      %get3A_1134 = arith.constant 0 : index
      %get3A_1135 = arith.constant 0 : index
      %get3A_1136 = vector.load %arg9[%get3A_1133, %get3A_1134, %get3A_1135] : memref<16x8x256xf32, #tpu.memory_space<vmem>>, vector<1x8x256xf32>
      %get3A_1137 = vector.shape_cast %get3A_1136 : vector<1x8x256xf32> to vector<8x256xf32>
      %slice3A_1138 = vector.extract_strided_slice %add3A_402 {offsets = [0, 14], sizes = [8, 1], strides = [1, 1]} : vector<8x16xf32> to vector<8x1xf32>
      %mul3A_1139 = vector.broadcast %slice3A_1138 : vector<8x1xf32> to vector<8x256xf32>
      %mul3A_1140 = arith.mulf %get3A_1137, %mul3A_1139 : vector<8x256xf32>
      %reduce_sum3A_1141 = arith.constant dense<0.000000e+00> : vector<256xf32>
      %reduce_sum3A_1142 = vector.multi_reduction <add>, %mul3A_1140, %reduce_sum3A_1141 [0] : vector<8x256xf32> to vector<256xf32>
      %broadcast_in_dim3A_1143 = vector.shape_cast %reduce_sum3A_1142 : vector<256xf32> to vector<1x256xf32>
      %get3A_1144 = arith.constant 14 : index
      %get3A_1145 = arith.constant 0 : index
      %get3A_1146 = arith.constant 0 : index
      %get3A_1147 = vector.load %arg11[%get3A_1144, %get3A_1145, %get3A_1146] : memref<16x1x256xf32, #tpu.memory_space<vmem>>, vector<1x1x256xf32>
      %get3A_1148 = vector.shape_cast %get3A_1147 : vector<1x1x256xf32> to vector<1x256xf32>
      %add3A_1149 = arith.addf %broadcast_in_dim3A_1143, %get3A_1148 : vector<1x256xf32>
      %convert_element_type3A_1150 = arith.fptosi %add3A_1149 : vector<1x256xf32> to vector<1x256xi32>
      %get3A_1151 = arith.constant 14 : index
      %get3A_1152 = arith.constant 0 : index
      %get3A_1153 = arith.constant 0 : index
      %get3A_1154 = vector.load %arg10[%get3A_1151, %get3A_1152, %get3A_1153] : memref<16x8x256xf32, #tpu.memory_space<vmem>>, vector<1x8x256xf32>
      %get3A_1155 = vector.shape_cast %get3A_1154 : vector<1x8x256xf32> to vector<8x256xf32>
      %slice3A_1156 = vector.extract_strided_slice %add3A_405 {offsets = [0, 14], sizes = [8, 1], strides = [1, 1]} : vector<8x16xf32> to vector<8x1xf32>
      %mul3A_1157 = vector.broadcast %slice3A_1156 : vector<8x1xf32> to vector<8x256xf32>
      %mul3A_1158 = arith.mulf %get3A_1155, %mul3A_1157 : vector<8x256xf32>
      %reduce_sum3A_1159 = arith.constant dense<0.000000e+00> : vector<256xf32>
      %reduce_sum3A_1160 = vector.multi_reduction <add>, %mul3A_1158, %reduce_sum3A_1159 [0] : vector<8x256xf32> to vector<256xf32>
      %broadcast_in_dim3A_1161 = vector.shape_cast %reduce_sum3A_1160 : vector<256xf32> to vector<1x256xf32>
      %get3A_1162 = arith.constant 14 : index
      %get3A_1163 = arith.constant 0 : index
      %get3A_1164 = arith.constant 0 : index
      %get3A_1165 = vector.load %arg12[%get3A_1162, %get3A_1163, %get3A_1164] : memref<16x1x256xf32, #tpu.memory_space<vmem>>, vector<1x1x256xf32>
      %get3A_1166 = vector.shape_cast %get3A_1165 : vector<1x1x256xf32> to vector<1x256xf32>
      %add3A_1167 = arith.addf %broadcast_in_dim3A_1161, %get3A_1166 : vector<1x256xf32>
      %convert_element_type3A_1168 = arith.fptosi %add3A_1167 : vector<1x256xf32> to vector<1x256xi32>
      %slice3A_1169 = vector.extract_strided_slice %convert_element_type3A_1150 {offsets = [0, 0], sizes = [1, 128], strides = [1, 1]} : vector<1x256xi32> to vector<1x128xi32>
      %swap3A_1170 = arith.constant 28 : index
      %swap3A_1171 = arith.constant 0 : index
      %swap3A_1172 = vector.load %arg5[%swap3A_1170, %swap3A_1171] : memref<64x128xi32, #tpu.memory_space<vmem>>, vector<1x128xi32>
      tpu.vector_store %arg5[%swap3A_1170, %swap3A_1171], %slice3A_1169 {strides = array<i32>} : memref<64x128xi32, #tpu.memory_space<vmem>>, vector<1x128xi32>,
      %slice3A_1173 = vector.extract_strided_slice %convert_element_type3A_1150 {offsets = [0, 128], sizes = [1, 128], strides = [1, 1]} : vector<1x256xi32> to vector<1x128xi32>
      %swap3A_1174 = arith.constant 29 : index
      %swap3A_1175 = arith.constant 0 : index
      %swap3A_1176 = vector.load %arg5[%swap3A_1174, %swap3A_1175] : memref<64x128xi32, #tpu.memory_space<vmem>>, vector<1x128xi32>
      tpu.vector_store %arg5[%swap3A_1174, %swap3A_1175], %slice3A_1173 {strides = array<i32>} : memref<64x128xi32, #tpu.memory_space<vmem>>, vector<1x128xi32>,
      %slice3A_1177 = vector.extract_strided_slice %convert_element_type3A_1168 {offsets = [0, 0], sizes = [1, 128], strides = [1, 1]} : vector<1x256xi32> to vector<1x128xi32>
      %swap3A_1178 = arith.constant 60 : index
      %swap3A_1179 = arith.constant 0 : index
      %swap3A_1180 = vector.load %arg5[%swap3A_1178, %swap3A_1179] : memref<64x128xi32, #tpu.memory_space<vmem>>, vector<1x128xi32>
      tpu.vector_store %arg5[%swap3A_1178, %swap3A_1179], %slice3A_1177 {strides = array<i32>} : memref<64x128xi32, #tpu.memory_space<vmem>>, vector<1x128xi32>,
      %slice3A_1181 = vector.extract_strided_slice %convert_element_type3A_1168 {offsets = [0, 128], sizes = [1, 128], strides = [1, 1]} : vector<1x256xi32> to vector<1x128xi32>
      %swap3A_1182 = arith.constant 61 : index
      %swap3A_1183 = arith.constant 0 : index
      %swap3A_1184 = vector.load %arg5[%swap3A_1182, %swap3A_1183] : memref<64x128xi32, #tpu.memory_space<vmem>>, vector<1x128xi32>
      tpu.vector_store %arg5[%swap3A_1182, %swap3A_1183], %slice3A_1181 {strides = array<i32>} : memref<64x128xi32, #tpu.memory_space<vmem>>, vector<1x128xi32>,
      %get3A_1185 = arith.constant 15 : index
      %get3A_1186 = arith.constant 0 : index
      %get3A_1187 = arith.constant 0 : index
      %get3A_1188 = vector.load %arg9[%get3A_1185, %get3A_1186, %get3A_1187] : memref<16x8x256xf32, #tpu.memory_space<vmem>>, vector<1x8x256xf32>
      %get3A_1189 = vector.shape_cast %get3A_1188 : vector<1x8x256xf32> to vector<8x256xf32>
      %slice3A_1190 = vector.extract_strided_slice %add3A_402 {offsets = [0, 15], sizes = [8, 1], strides = [1, 1]} : vector<8x16xf32> to vector<8x1xf32>
      %mul3A_1191 = vector.broadcast %slice3A_1190 : vector<8x1xf32> to vector<8x256xf32>
      %mul3A_1192 = arith.mulf %get3A_1189, %mul3A_1191 : vector<8x256xf32>
      %reduce_sum3A_1193 = arith.constant dense<0.000000e+00> : vector<256xf32>
      %reduce_sum3A_1194 = vector.multi_reduction <add>, %mul3A_1192, %reduce_sum3A_1193 [0] : vector<8x256xf32> to vector<256xf32>
      %broadcast_in_dim3A_1195 = vector.shape_cast %reduce_sum3A_1194 : vector<256xf32> to vector<1x256xf32>
      %get3A_1196 = arith.constant 15 : index
      %get3A_1197 = arith.constant 0 : index
      %get3A_1198 = arith.constant 0 : index
      %get3A_1199 = vector.load %arg11[%get3A_1196, %get3A_1197, %get3A_1198] : memref<16x1x256xf32, #tpu.memory_space<vmem>>, vector<1x1x256xf32>
      %get3A_1200 = vector.shape_cast %get3A_1199 : vector<1x1x256xf32> to vector<1x256xf32>
      %add3A_1201 = arith.addf %broadcast_in_dim3A_1195, %get3A_1200 : vector<1x256xf32>
      %convert_element_type3A_1202 = arith.fptosi %add3A_1201 : vector<1x256xf32> to vector<1x256xi32>
      %get3A_1203 = arith.constant 15 : index
      %get3A_1204 = arith.constant 0 : index
      %get3A_1205 = arith.constant 0 : index
      %get3A_1206 = vector.load %arg10[%get3A_1203, %get3A_1204, %get3A_1205] : memref<16x8x256xf32, #tpu.memory_space<vmem>>, vector<1x8x256xf32>
      %get3A_1207 = vector.shape_cast %get3A_1206 : vector<1x8x256xf32> to vector<8x256xf32>
      %slice3A_1208 = vector.extract_strided_slice %add3A_405 {offsets = [0, 15], sizes = [8, 1], strides = [1, 1]} : vector<8x16xf32> to vector<8x1xf32>
      %mul3A_1209 = vector.broadcast %slice3A_1208 : vector<8x1xf32> to vector<8x256xf32>
      %mul3A_1210 = arith.mulf %get3A_1207, %mul3A_1209 : vector<8x256xf32>
      %reduce_sum3A_1211 = arith.constant dense<0.000000e+00> : vector<256xf32>
      %reduce_sum3A_1212 = vector.multi_reduction <add>, %mul3A_1210, %reduce_sum3A_1211 [0] : vector<8x256xf32> to vector<256xf32>
      %broadcast_in_dim3A_1213 = vector.shape_cast %reduce_sum3A_1212 : vector<256xf32> to vector<1x256xf32>
      %get3A_1214 = arith.constant 15 : index
      %get3A_1215 = arith.constant 0 : index
      %get3A_1216 = arith.constant 0 : index
      %get3A_1217 = vector.load %arg12[%get3A_1214, %get3A_1215, %get3A_1216] : memref<16x1x256xf32, #tpu.memory_space<vmem>>, vector<1x1x256xf32>
      %get3A_1218 = vector.shape_cast %get3A_1217 : vector<1x1x256xf32> to vector<1x256xf32>
      %add3A_1219 = arith.addf %broadcast_in_dim3A_1213, %get3A_1218 : vector<1x256xf32>
      %convert_element_type3A_1220 = arith.fptosi %add3A_1219 : vector<1x256xf32> to vector<1x256xi32>
      %slice3A_1221 = vector.extract_strided_slice %convert_element_type3A_1202 {offsets = [0, 0], sizes = [1, 128], strides = [1, 1]} : vector<1x256xi32> to vector<1x128xi32>
      %swap3A_1222 = arith.constant 30 : index
      %swap3A_1223 = arith.constant 0 : index
      %swap3A_1224 = vector.load %arg5[%swap3A_1222, %swap3A_1223] : memref<64x128xi32, #tpu.memory_space<vmem>>, vector<1x128xi32>
      tpu.vector_store %arg5[%swap3A_1222, %swap3A_1223], %slice3A_1221 {strides = array<i32>} : memref<64x128xi32, #tpu.memory_space<vmem>>, vector<1x128xi32>,
      %slice3A_1225 = vector.extract_strided_slice %convert_element_type3A_1202 {offsets = [0, 128], sizes = [1, 128], strides = [1, 1]} : vector<1x256xi32> to vector<1x128xi32>
      %swap3A_1226 = arith.constant 31 : index
      %swap3A_1227 = arith.constant 0 : index
      %swap3A_1228 = vector.load %arg5[%swap3A_1226, %swap3A_1227] : memref<64x128xi32, #tpu.memory_space<vmem>>, vector<1x128xi32>
      tpu.vector_store %arg5[%swap3A_1226, %swap3A_1227], %slice3A_1225 {strides = array<i32>} : memref<64x128xi32, #tpu.memory_space<vmem>>, vector<1x128xi32>,
      %slice3A_1229 = vector.extract_strided_slice %convert_element_type3A_1220 {offsets = [0, 0], sizes = [1, 128], strides = [1, 1]} : vector<1x256xi32> to vector<1x128xi32>
      %swap3A_1230 = arith.constant 62 : index
      %swap3A_1231 = arith.constant 0 : index
      %swap3A_1232 = vector.load %arg5[%swap3A_1230, %swap3A_1231] : memref<64x128xi32, #tpu.memory_space<vmem>>, vector<1x128xi32>
      tpu.vector_store %arg5[%swap3A_1230, %swap3A_1231], %slice3A_1229 {strides = array<i32>} : memref<64x128xi32, #tpu.memory_space<vmem>>, vector<1x128xi32>,
      %slice3A_1233 = vector.extract_strided_slice %convert_element_type3A_1220 {offsets = [0, 128], sizes = [1, 128], strides = [1, 1]} : vector<1x256xi32> to vector<1x128xi32>
      %swap3A_1234 = arith.constant 63 : index
      %swap3A_1235 = arith.constant 0 : index
      %swap3A_1236 = vector.load %arg5[%swap3A_1234, %swap3A_1235] : memref<64x128xi32, #tpu.memory_space<vmem>>, vector<1x128xi32>
      tpu.vector_store %arg5[%swap3A_1234, %swap3A_1235], %slice3A_1233 {strides = array<i32>} : memref<64x128xi32, #tpu.memory_space<vmem>>, vector<1x128xi32>,
      %iota3A_1237 = tpu.iota {dimensions = array<i32: 1>} : vector<1x64xi32>
      %convert_element_type3A_1238 = arith.sitofp %iota3A_1237 : vector<1x64xi32> to vector<1x64xf32>
      %ge3A = vector.broadcast %convert_element_type3A_1238 : vector<1x64xf32> to vector<8x64xf32>
      %ge3A_1239 = vector.broadcast %dot_general3A_397 : vector<8x1xf32> to vector<8x64xf32>
      %ge3A_1240 = arith.cmpf oge, %ge3A, %ge3A_1239 : vector<8x64xf32>
      %convert_element_type3A_1241 = arith.extui %ge3A_1240 : vector<8x64xi1> to vector<8x64xi32>
      %convert_element_type3A_1242 = arith.sitofp %convert_element_type3A_1241 : vector<8x64xi32> to vector<8x64xf32>
      %reduce_sum3A_1243 = arith.constant dense<0.000000e+00> : vector<64xf32>
      %reduce_sum3A_1244 = vector.multi_reduction <add>, %convert_element_type3A_1242, %reduce_sum3A_1243 [0] : vector<8x64xf32> to vector<64xf32>
      %broadcast_in_dim3A_1245 = vector.shape_cast %reduce_sum3A_1244 : vector<64xf32> to vector<1x64xf32>
      %sub3A_1246 = arith.constant 1.000000e+00 : f32
      %sub3A_1247 = vector.broadcast %sub3A_1246 : f32 to vector<1x64xf32>
      %sub3A_1248 = arith.subf %broadcast_in_dim3A_1245, %sub3A_1247 : vector<1x64xf32>
      %convert_element_type3A_1249 = arith.fptosi %sub3A_1248 : vector<1x64xf32> to vector<1x64xi32>
      %swap3A_1250 = arith.constant 0 : index
      %swap3A_1251 = arith.constant 0 : index
      %swap3A_1252 = vector.load %arg6[%swap3A_1250, %swap3A_1251] : memref<1x64xi32, #tpu.memory_space<vmem>>, vector<1x64xi32>
      tpu.vector_store %arg6[%swap3A_1250, %swap3A_1251], %convert_element_type3A_1249 {strides = array<i32>} : memref<1x64xi32, #tpu.memory_space<vmem>>, vector<1x64xi32>,
    } else {
    }
    return
  }
  func.func @transform_0(%arg0: i32) -> (i32, i32) {
    %eq3A = arith.constant 16 : i32
    %eq3A_0 = arith.cmpi eq, %arg0, %eq3A : i32
    %jit3A = arith.constant 0 : i32
    %select_n3A = arith.select %eq3A_0, %jit3A, %arg0 : i32
    %c0_i32 = arith.constant 0 : i32
    %c0_i32_1 = arith.constant 0 : i32
    return %select_n3A, %c0_i32 : i32, i32
  }
  func.func @transform_1(%arg0: i32) -> (i32, i32) {
    %rem3A = arith.constant 8 : i32
    %rem3A_0 = arith.remsi %arg0, %rem3A : i32
    %c0_i32 = arith.constant 0 : i32
    %c0_i32_1 = arith.constant 0 : i32
    return %rem3A_0, %c0_i32 : i32, i32
  }
  func.func @transform_2(%arg0: i32) -> (i32, i32) {
    %c0_i32 = arith.constant 0 : i32
    %c0_i32_0 = arith.constant 0 : i32
    %c0_i32_1 = arith.constant 0 : i32
    return %c0_i32, %c0_i32_0 : i32, i32
  }
  func.func @transform_3(%arg0: i32) -> (i32, i32) {
    %eq3A = arith.constant 16 : i32
    %eq3A_0 = arith.cmpi eq, %arg0, %eq3A : i32
    %jit3A = arith.constant 0 : i32
    %select_n3A = arith.select %eq3A_0, %jit3A, %arg0 : i32
    %c0_i32 = arith.constant 0 : i32
    %c0_i32_1 = arith.constant 0 : i32
    return %select_n3A, %c0_i32 : i32, i32
  }
  func.func @transform_4(%arg0: i32) -> (i32, i32) {
    %c0_i32 = arith.constant 0 : i32
    %c0_i32_0 = arith.constant 0 : i32
    %c0_i32_1 = arith.constant 0 : i32
    return %c0_i32, %c0_i32_0 : i32, i32
  }
  func.func @transform_5(%arg0: i32) -> (i32, i32) {
    %c0_i32 = arith.constant 0 : i32
    %c0_i32_0 = arith.constant 0 : i32
    %c0_i32_1 = arith.constant 0 : i32
    return %c0_i32, %c0_i32_0 : i32, i32
  }
  func.func @transform_6(%arg0: i32) -> (i32, i32, i32) {
    %eq3A = arith.constant 16 : i32
    %eq3A_0 = arith.cmpi eq, %arg0, %eq3A : i32
    %jit3A = arith.constant 0 : i32
    %select_n3A = arith.select %eq3A_0, %jit3A, %arg0 : i32
    %c0_i32 = arith.constant 0 : i32
    %c0_i32_1 = arith.constant 0 : i32
    %c0_i32_2 = arith.constant 0 : i32
    return %select_n3A, %c0_i32, %c0_i32_1 : i32, i32, i32
  }
  func.func @transform_7(%arg0: i32) -> (i32, i32, i32) {
    %eq3A = arith.constant 16 : i32
    %eq3A_0 = arith.cmpi eq, %arg0, %eq3A : i32
    %jit3A = arith.constant 0 : i32
    %select_n3A = arith.select %eq3A_0, %jit3A, %arg0 : i32
    %c0_i32 = arith.constant 0 : i32
    %c0_i32_1 = arith.constant 0 : i32
    %c0_i32_2 = arith.constant 0 : i32
    return %select_n3A, %c0_i32, %c0_i32_1 : i32, i32, i32
  }
}

module attributes {stable_mosaic.version = 14 : i64} {
  func.func @_proj_body(%arg0: i32, %arg1: memref<256x256xf32, #tpu.memory_space<vmem>>, %arg2: memref<256x256xf32, #tpu.memory_space<vmem>>, %arg3: memref<1x256x1xf32, #tpu.memory_space<vmem>>, %arg4: memref<1x256x1xf32, #tpu.memory_space<vmem>>, %arg5: memref<256x1280xbf16, #tpu.memory_space<vmem>>, %arg6: memref<1x1280xf32, #tpu.memory_space<vmem>>, %arg7: memref<256x1280xf32, #tpu.memory_space<vmem>>) attributes {dimension_semantics = [#tpu.dimension_semantics<arbitrary>], iteration_bounds = array<i64: 16>, scalar_prefetch = 0 : i64, scratch_operands = 0 : i64, tpu.core_type = #tpu.core_type<tc>, window_params = [{transform_indices = @transform_0, window_bounds = array<i64: 256, 256>}, {transform_indices = @transform_1, window_bounds = array<i64: 256, 256>}, {transform_indices = @transform_2, window_bounds = array<i64: 1, 256, 1>}, {transform_indices = @transform_3, window_bounds = array<i64: 1, 256, 1>}, {pipeline_mode = #tpu.pipeline_mode<synchronous>, transform_indices = @transform_4, window_bounds = array<i64: 256, 1280>}, {pipeline_mode = #tpu.pipeline_mode<synchronous>, transform_indices = @transform_5, window_bounds = array<i64: 1, 1280>}, {transform_indices = @transform_6, window_bounds = array<i64: 256, 1280>}]} {
    %get3A = arith.constant 0 : index
    %get3A_0 = arith.constant 0 : index
    %get3A_1 = arith.constant 0 : index
    %get3A_2 = vector.load %arg3[%get3A, %get3A_0, %get3A_1] : memref<1x256x1xf32, #tpu.memory_space<vmem>>, vector<1x256x1xf32>
    %get3A_3 = vector.shape_cast %get3A_2 : vector<1x256x1xf32> to vector<256x1xf32>
    %get3A_4 = arith.constant 0 : index
    %get3A_5 = arith.constant 0 : index
    %get3A_6 = vector.load %arg1[%get3A_4, %get3A_5] : memref<256x256xf32, #tpu.memory_space<vmem>>, vector<256x256xf32>
    %mul3A = vector.broadcast %get3A_3 : vector<256x1xf32> to vector<256x256xf32>
    %mul3A_7 = arith.mulf %mul3A, %get3A_6 : vector<256x256xf32>
    %get3A_8 = arith.constant 0 : index
    %get3A_9 = arith.constant 0 : index
    %get3A_10 = arith.constant 0 : index
    %get3A_11 = vector.load %arg4[%get3A_8, %get3A_9, %get3A_10] : memref<1x256x1xf32, #tpu.memory_space<vmem>>, vector<1x256x1xf32>
    %get3A_12 = vector.shape_cast %get3A_11 : vector<1x256x1xf32> to vector<256x1xf32>
    %get3A_13 = arith.constant 0 : index
    %get3A_14 = arith.constant 0 : index
    %get3A_15 = vector.load %arg2[%get3A_13, %get3A_14] : memref<256x256xf32, #tpu.memory_space<vmem>>, vector<256x256xf32>
    %mul3A_16 = vector.broadcast %get3A_12 : vector<256x1xf32> to vector<256x256xf32>
    %mul3A_17 = arith.mulf %mul3A_16, %get3A_15 : vector<256x256xf32>
    %add3A = arith.addf %mul3A_7, %mul3A_17 : vector<256x256xf32>
    %integer_pow3A = arith.mulf %add3A, %add3A : vector<256x256xf32>
    %integer_pow3A_18 = arith.mulf %add3A, %integer_pow3A : vector<256x256xf32>
    %mul3A_19 = arith.constant 4.471500e-02 : f32
    %mul3A_20 = vector.broadcast %mul3A_19 : f32 to vector<256x256xf32>
    %mul3A_21 = arith.mulf %mul3A_20, %integer_pow3A_18 : vector<256x256xf32>
    %add3A_22 = arith.addf %add3A, %mul3A_21 : vector<256x256xf32>
    %mul3A_23 = arith.constant 0.797884583 : f32
    %mul3A_24 = vector.broadcast %mul3A_23 : f32 to vector<256x256xf32>
    %mul3A_25 = arith.mulf %mul3A_24, %add3A_22 : vector<256x256xf32>
    %tanh3A = math.tanh %mul3A_25 : vector<256x256xf32>
    %add3A_26 = arith.constant 1.000000e+00 : f32
    %add3A_27 = vector.broadcast %add3A_26 : f32 to vector<256x256xf32>
    %add3A_28 = arith.addf %add3A_27, %tanh3A : vector<256x256xf32>
    %mul3A_29 = arith.constant 5.000000e-01 : f32
    %mul3A_30 = vector.broadcast %mul3A_29 : f32 to vector<256x256xf32>
    %mul3A_31 = arith.mulf %mul3A_30, %add3A_28 : vector<256x256xf32>
    %mul3A_32 = arith.mulf %add3A, %mul3A_31 : vector<256x256xf32>
    %convert_element_type3A = arith.truncf %mul3A_32 : vector<256x256xf32> to vector<256x256xbf16>
    %get3A_33 = arith.constant 0 : index
    %get3A_34 = arith.constant 0 : index
    %get3A_35 = vector.load %arg5[%get3A_33, %get3A_34] : memref<256x1280xbf16, #tpu.memory_space<vmem>>, vector<256x1280xbf16>
    %dot_general3A = arith.constant dense<0.000000e+00> : vector<256x1280xf32>
    %dot_general3A_36 = tpu.matmul %convert_element_type3A, %get3A_35, %dot_general3A {dimension_numbers = #tpu.dot_dimension_numbers<[1], [0], [0], [1], [0, 0, 1, 1], [], []>, transpose_lhs_hint = false} : vector<256x256xbf16>, vector<256x1280xbf16>, vector<256x1280xf32> -> vector<256x1280xf32>
    %get3A_37 = arith.constant 0 : index
    %get3A_38 = arith.constant 0 : index
    %get3A_39 = vector.load %arg6[%get3A_37, %get3A_38] : memref<1x1280xf32, #tpu.memory_space<vmem>>, vector<1x1280xf32>
    %add3A_40 = vector.broadcast %get3A_39 : vector<1x1280xf32> to vector<256x1280xf32>
    %add3A_41 = arith.addf %dot_general3A_36, %add3A_40 : vector<256x1280xf32>
    %swap3A = arith.constant 0 : index
    %swap3A_42 = arith.constant 0 : index
    %swap3A_43 = vector.load %arg7[%swap3A, %swap3A_42] : memref<256x1280xf32, #tpu.memory_space<vmem>>, vector<256x1280xf32>
    tpu.vector_store %arg7[%swap3A, %swap3A_42], %add3A_41 {strides = array<i32>} : memref<256x1280xf32, #tpu.memory_space<vmem>>, vector<256x1280xf32>,
    return
  }
  func.func @transform_0(%arg0: i32) -> (i32, i32) {
    %c0_i32 = arith.constant 0 : i32
    %c0_i32_0 = arith.constant 0 : i32
    return %arg0, %c0_i32 : i32, i32
  }
  func.func @transform_1(%arg0: i32) -> (i32, i32) {
    %add3A = arith.constant 16 : i32
    %add3A_0 = arith.addi %arg0, %add3A : i32
    %c0_i32 = arith.constant 0 : i32
    %c0_i32_1 = arith.constant 0 : i32
    return %add3A_0, %c0_i32 : i32, i32
  }
  func.func @transform_2(%arg0: i32) -> (i32, i32, i32) {
    %c0_i32 = arith.constant 0 : i32
    %c0_i32_0 = arith.constant 0 : i32
    %c0_i32_1 = arith.constant 0 : i32
    return %arg0, %c0_i32, %c0_i32_0 : i32, i32, i32
  }
  func.func @transform_3(%arg0: i32) -> (i32, i32, i32) {
    %c0_i32 = arith.constant 0 : i32
    %c0_i32_0 = arith.constant 0 : i32
    %c0_i32_1 = arith.constant 0 : i32
    return %arg0, %c0_i32, %c0_i32_0 : i32, i32, i32
  }
  func.func @transform_4(%arg0: i32) -> (i32, i32) {
    %c0_i32 = arith.constant 0 : i32
    %c0_i32_0 = arith.constant 0 : i32
    %c0_i32_1 = arith.constant 0 : i32
    return %c0_i32, %c0_i32_0 : i32, i32
  }
  func.func @transform_5(%arg0: i32) -> (i32, i32) {
    %c0_i32 = arith.constant 0 : i32
    %c0_i32_0 = arith.constant 0 : i32
    %c0_i32_1 = arith.constant 0 : i32
    return %c0_i32, %c0_i32_0 : i32, i32
  }
  func.func @transform_6(%arg0: i32) -> (i32, i32) {
    %c0_i32 = arith.constant 0 : i32
    %c0_i32_0 = arith.constant 0 : i32
    return %arg0, %c0_i32 : i32, i32
  }
}

</mosaic_0001>

<sc_bundles>
// kernel: kernel.10.cloned.1.call-start
scs
__scs_entry_jumppad:
0x0: {  	(pc) =	sbr.rel $0x88, $3  }
0x1: {  	(tag) =	ssettag $0x0;
	lr =	simm.s32 $0x1  }
0x2: {  	[smem:$0x3F98] =	sst lr;
	_ =	strace $0xD0000000  }
0x3: {  	_ = 	snop  }
0x4: {  	_ = 	snop  }
0x5: {  	_ = 	snop  }
0x6: {  	_ = 	snop  }
0x7: {  	_ = 	snop  }
__scs_overlays_trampoline_lowered:
0x8: {  	[smem:$0x3FA7] =	sst s0  }
0x9: {  	[smem:$0x3FA8] =	sst s1  }
0xa: {  	[smem:$0x3FA9] =	sst s2  }
0xb: {  	[smem:$0x3FAA] =	sst s3  }
0xc: {  	[smem:$0x3FAB] =	sst s4  }
0xd: {  	[smem:$0x3FAC] =	sst s5  }
0xe: {  	[smem:$0x3FAD] =	sst s6  }
0xf: {  	[smem:$0x3FAE] =	sst s7  }
0x10: {  	[smem:$0x3FAF] =	sst s8  }
0x11: {  	[smem:$0x3FB0] =	sst s9;
	s0 =	simm.s32 @!p0 $0x0  }
0x12: {  	s1 =	sld [smem:$0x3F96];
	s0 =	simm.s32 @p0 $0x1  }
0x13: {  	[smem:$0x3FB1] =	sst s0;
	s0 =	simm.s32 @!p1 $0x0  }
0x14: {  	s2 =	sld [smem:$0x3F95];
	s0 =	simm.s32 @p1 $0x1  }
0x15: {  	[smem:$0x3FB2] =	sst s0;
	s0 =	simm.s32 @!p2 $0x0  }
0x16: {  	s3 =	sld [smem:$0x3FDB];
	s0 =	simm.s32 @p2 $0x1  }
0x17: {  	s4 =	simm.s32 $0x1BF5;
	[smem:$0x3FB4] =	sst s0  }
0x18: {  	s0 =	sld [smem:$0x3F97];
	_ =	swait.ge [sflag:s4], $0x0  }
0x19: {  	s7 =	sld [smem:$0x3F98]  }
0x1a: {  	s8 =	sadd.s32 $0xFFFFE003, lr  }
0x1b: {  	s9 =	sadd.s32 $0xFFFFFEF7, lr;
	s5 =	simm.s32 $0xFFFFFFFF;
	p2 =	slt.u32 s8, $0xFFFFF086  }
0x1c: {  	p1 =	slt.u32 s9, $0xF7A;
	s5 =	simm.s32 @!p2 $0x0  }
0x1d: {  	s5 =	simm.s32 @p1 $0x1;
	p0 =	seq.s32 s7, s2  }
0x1e: {  	s7 =	smul.u32 @!p0 $0xF7A, s2;
	p2 =	seq.s32 @!p0 s5, $0x0  }
0x1f: {  	s9 =	smul.u32 $0xF7A, s1;
	s8 =	simm.s32 @!p0 $0x1BF5;
	p2 =	por !p2, p0  }
0x20: {  	[sflag:s8] =	ssyncset.s32 @!p0 $0xFFFFF086;
	s6 =	sadd.s32 @!p0 s3, s7;
	s7 =	simm.s32 @!p0 $0x108  }
0x21: {  	s3 =	sadd.s32 s3, s9;
	s6 =	sadd.s32 @!p0 $0x88, s6;
	s7 =	simm.s32 @p2 $0x1082  }
0x22: {  	[simem:s7], [sflag:s8] =	dma.local @!p0 [hbm:s6], $0xF7A  }
0x23: {  	s9 =	sor.u32 $0xD0000000, s2;
	s6 =	simm.s32 $0x108;
	_ =	swait.ge @!p0 [sflag:s8], $0x0  }
0x24: {  	s3 =	sadd.s32 $0x88, s3;
	s6 =	simm.s32 @!p1 $0x1082;
	[sflag:s4] =	ssyncset.s32 $0xFFFFF086  }
0x25: {  	[simem:s6], [sflag:s4] =	dma.local [hbm:s3], $0xF7A  }
0x26: {  	[smem:$0x3F98] =	sst s1;
	(tag) =	ssettag s2;
	_ =	strace s9  }
0x27: {  	s1 =	sld [smem:$0x3FA8]  }
0x28: {  	s2 =	sld [smem:$0x3FA9]  }
0x29: {  	s4 =	sld [smem:$0x3FAB]  }
0x2a: {  	p0 =	seq.s32 s5, $0x0;
	s5 =	sld [smem:$0x3FAC]  }
0x2b: {  	s6 =	sld [smem:$0x3FAD]  }
0x2c: {  	s7 =	sld [smem:$0x3FAE]  }
0x2d: {  	s3 =	simm.s32 $0x108;
	s8 =	sld [smem:$0x3FAF]  }
0x2e: {  	s3 =	simm.s32 @!p0 $0x1082;
	s9 =	sld [smem:$0x3FB0]  }
0x2f: {  	lr =	sadd.s32 s0, s3;
	s0 =	sld [smem:$0x3FA7]  }
0x30: {  	s3 =	sld [smem:$0x3FAA]  }
0x31: {  	[smem:$0x3FB3] =	sst s10  }
0x32: {  	s10 =	sld [smem:$0x3FB1];
	_ =	sdelay $0x3  }
0x33: {  	p0 =	seq.s32 s10, $0x1;
	s10 =	sld [smem:$0x3FB3];
	_ =	sdelay $0x3  }
0x34: {  	[smem:$0x3FB3] =	sst s10  }
0x35: {  	s10 =	sld [smem:$0x3FB2];
	_ =	sdelay $0x3  }
0x36: {  	p1 =	seq.s32 s10, $0x1;
	s10 =	sld [smem:$0x3FB3];
	_ =	sdelay $0x3  }
0x37: {  	[smem:$0x3FB3] =	sst s10  }
0x38: {  	s10 =	sld [smem:$0x3FB4]  }
0x39: {  	_ = 	snop;
	(pc) =	sbr.ind lr, $3  }
0x3a: {  	_ = 	snop  }
0x3b: {  	_ = 	snop  }
0x3c: {  	p2 =	seq.s32 s10, $0x1;
	s10 =	sld [smem:$0x3FB3]  }
0x3d: {  	_ =	shalt  }
0x3e: {  	_ =	shalt  }
0x3f: {  	_ =	shalt  }
0x40: {  	_ =	shalt  }
0x41: {  	_ =	shalt  }
0x42: {  	_ =	shalt  }
0x43: {  	_ =	shalt  }
0x44: {  	_ =	shalt  }
0x45: {  	_ =	shalt  }
0x46: {  	_ =	shalt  }
0x47: {  	_ =	shalt  }
0x48: {  	_ =	shalt  }
0x49: {  	_ =	shalt  }
0x4a: {  	_ =	shalt  }
0x4b: {  	_ =	shalt  }
0x4c: {  	_ =	shalt  }
0x4d: {  	_ =	shalt  }
0x4e: {  	_ =	shalt  }
0x4f: {  	_ =	shalt  }
0x50: {  	_ =	shalt  }
0x51: {  	_ =	shalt  }
0x52: {  	_ =	shalt  }
0x53: {  	_ =	shalt  }
0x54: {  	_ =	shalt  }
0x55: {  	_ =	shalt  }
0x56: {  	_ =	shalt  }
0x57: {  	_ =	shalt  }
0x58: {  	_ =	shalt  }
0x59: {  	_ =	shalt  }
0x5a: {  	_ =	shalt  }
0x5b: {  	_ =	shalt  }
0x5c: {  	_ =	shalt  }
0x5d: {  	_ =	shalt  }
0x5e: {  	_ =	shalt  }
0x5f: {  	_ =	shalt  }
0x60: {  	_ =	shalt  }
0x61: {  	_ =	shalt  }
0x62: {  	_ =	shalt  }
0x63: {  	_ =	shalt  }
0x64: {  	_ =	shalt  }
0x65: {  	_ =	shalt  }
0x66: {  	_ =	shalt  }
0x67: {  	_ =	shalt  }
0x68: {  	_ =	shalt  }
0x69: {  	_ =	shalt  }
0x6a: {  	_ =	shalt  }
0x6b: {  	_ =	shalt  }
0x6c: {  	_ =	shalt  }
0x6d: {  	_ =	shalt  }
0x6e: {  	_ =	shalt  }
0x6f: {  	_ =	shalt  }
0x70: {  	_ =	shalt  }
0x71: {  	_ =	shalt  }
0x72: {  	_ =	shalt  }
0x73: {  	_ =	shalt  }
0x74: {  	_ =	shalt  }
0x75: {  	_ =	shalt  }
0x76: {  	_ =	shalt  }
0x77: {  	_ =	shalt  }
0x78: {  	_ =	shalt  }
0x79: {  	_ =	shalt  }
0x7a: {  	_ =	shalt  }
0x7b: {  	_ =	shalt  }
0x7c: {  	_ =	shalt  }
0x7d: {  	_ =	shalt  }
0x7e: {  	_ =	shalt  }
0x7f: {  	_ =	shalt  }
0x80: {  	_ =	shalt  }
0x81: {  	_ =	shalt  }
0x82: {  	_ =	shalt  }
0x83: {  	_ =	shalt  }
0x84: {  	_ =	shalt  }
0x85: {  	_ =	shalt  }
0x86: {  	_ =	shalt  }
0x87: {  	_ =	shalt  }
.Lfunc_end0:
.L_simem_size_0:
called_computation.1_lowered:
.L_overlay_start_0:
0x88: {  	s2 =	sld [smem:$0x3FD9]  }
0x89: {  	s3 =	sld [smem:$0x3FFE];
	_ =	sdelay $0x1  }
0x8a: {  	s1 =	srdreg.scid  }
0x8b: {  	s0 =	sand.u32 $0x1, s1  }
0x8c: {  	s17 =	sshll.u32 s0, $0xA;
	s2 =	sadd.s32 s3, s2  }
0x8d: {  	s2 =	sadd.s32 s2, s17  }
0x8e: {  	[smem:$0x3FBF] =	sst s2  }
0x8f: {  	_ = 	snop  }
0x90: {  	s2 =	sld [smem:$0x3FD0];
	(tm) =	ssettm $0x1  }
0x91: {  	s18 =	sld [smem:$0x3FFB];
	_ =	sdelay $0x3  }
0x92: {  	_ =	strace s18  }
0x93: {  	s3 =	sld [smem:$0x3FFC];
	_ =	sdelay $0x3  }
0x94: {  	_ =	strace s3  }
0x95: {  	s3 =	sld [smem:$0x3FFD];
	_ =	sdelay $0x3  }
0x96: {  	_ =	strace s3  }
0x97: {  	_ =	strace $0x8FFFFFFF  }
0x98: {  	s19 =	sld [smem:$0x3FDB];
	_ =	sdelay $0x1  }
0x99: {  	s4 =	simm.s32 $_scs_section_size  }
0x9a: {  	s5 =	simm.s32 $_size__tile_overlayer_lowered;
	s6 =	simm.s32 $_tile_overlayer_lowered  }
0x9b: {  	s22 =	simm.s32 $0x1BFF;
	s21 =	sshll.u32 s6, $0x1;
	s3 =	sadd.s32 s4, s19  }
0x9c: {  	s7 =	simm.s32 $0x0;
	s20 =	sshll.u32 s5, $0x1;
	s5 =	sadd.s32 s21, s3  }
0x9d: {  	[timem:s7], [sflag:s22] =	dma.local [hbm:s5], s20  }
0x9e: {  	_ =	swait.ge [sflag:s22], s20  }
0x9f: {  	s4 =	ssub.s32 $0x0, s20;
	[sflag:s22] =	ssyncset.done $0x0  }
0xa0: {  	[sflag:s22] =	ssyncadd.s32 s4;
	_ =	sdelay $0x1  }
0xa1: {  	s23 =	simm.s32 $0x1B8B  }
0xa2: {  	_ =	swait.ge [sflag:s23], $0x1  }
0xa3: {  	[sflag:s23] =	ssyncset.done $0x0  }
0xa4: {  	s25 =	simm.s32 $0x1B8E;
	s24 =	sld [smem:$0x3FFE];
	[sflag:s23] =	ssyncadd.s32 $0xFFFFFFFF  }
0xa5: {  	s26 =	simm.s32 $execute0_lowered;
	[smem:$0x3FD2] =	sst s25  }
0xa6: {  	s5 =	sshll.u32 s26, $0x1;
	_ =	strace $0x80000049;
	[dreg:$0x1] =	wrdreg $0xFFFFFFFF  }
0xa7: {  	s28 =	simm.s32 $_size_execute0_lowered;
	s3 =	sadd.s32 s3, s5;
	[dreg:$0x0] =	wrdreg $0x0  }
0xa8: {  	s5 =	sshll.u32 s28, $0x1;
	[dreg:$0x2] =	wrdreg s3  }
0xa9: {  	[dreg:$0x3] =	wrdreg s5  }
0xaa: {  	[dreg:$0x4] =	wrdreg $0xC0  }
0xab: {  	_ =	task [dreg:s7], $0x5FFFF  }
0xac: {  	[dreg:$0x1] =	wrdreg $0xFFFFFFFF  }
0xad: {  	[dreg:$0x0] =	wrdreg $0x60  }
0xae: {  	[dreg:$0x2] =	wrdreg s2  }
0xaf: {  	[dreg:$0x3] =	wrdreg s24  }
0xb0: {  	[dreg:$0x4] =	wrdreg $0x9  }
0xb1: {  	_ =	task.clear_ibuf [dreg:s7], $0x5FFFF;
	_ =	strace $0x90000049  }
0xb2: {  	s29 =	simm.s32 $0x9;
	_ =	strace $0x8000004B  }
0xb3: {  	_ =	swait.ge [sflag:s29], $0x1  }
0xb4: {  	[sflag:s29] =	ssyncadd.s32 $0xFFFFFFFF  }
0xb5: {  	_ =	strace $0x9000004B  }
0xb6: {  	_ =	sfence  }
0xb7: {  	s30 =	sld [smem:$0x0];
	_ =	sdelay $0x2  }
0xb8: {  	s31 =	sshll.u32 s1, $0xD;
	s1 =	sshrl.u32 s1, $0x2  }
0xb9: {  	s3 =	sand.u32 $0x4000, s31;
	s1 =	sadd.s32 s1, s30  }
0xba: {  	s0 =	sor.u32 s3, s0;
	s1 =	sshll.u32 s1, $0x11  }
0xbb: {  	s0 =	sor.u32 s1, s0  }
0xbc: {  	s0 =	sadd.s32 $0x8F2B, s0  }
0xbd: {  	[sflag:s0] =	ssyncadd.remote.s32 $0x1  }
0xbe: {  	_ =	sfence.sel $0xFFFF  }
0xbf: {  	[dreg:$0x0] =	wrdreg $0xFFFFFFFF;
	(pc) =	sbr.abs _section_cstart, $3  }
0xc0: {  	[dreg:$0x1] =	wrdreg $0xFFFFFFFF  }
0xc1: {  	_ =	task.clear_ibuf [dreg:s7], $0x2FFFF;
	_ =	strace $0x9FFFFFFF  }
0xc2: {  	(tm) =	ssettm $0x7FFFFFFF  }
0xc3: {  	_ =	shalt  }
tec
execute0_lowered:
.L_overlay_start_1:
0x0: {  	(tag) =	ssettag $0x1  }
0x1: {  	s1 =	srdreg.scid  }
0x2: {  	s0 =	stileid.u32;
	s6 =	rddreg [dreg:$0x1];
	s18 =	simm.s32 $0x80  }
0x3: {  	s19 =	simm.s32 $0x900;
	s20 =	simm.s32 $0x1100;
	s21 =	simm.s32 $0x1900  }
0x4: {  	s23 =	simm.s32 $0x2100;
	s24 =	simm.s32 $0x2900;
	s25 =	simm.s32 $0x3100  }
0x5: {  	s26 =	simm.s32 $0x3900;
	s8 =	simm.s32 $0x4900;
	s9 =	simm.s32 $0x5100  }
0x6: {  	s10 =	simm.s32 $0x5900;
	s1 =	sand.u32 $0x1, s1;
	s2 =	sshll.u32 s0, $0x1  }
0x7: {  	s11 =	simm.s32 $0x6100;
	s3 =	sshll.u32 s0, $0x6;
	s4 =	sor.u32 s1, s2  }
0x8: {  	s2 =	rddreg [dreg:$0x0];
	s7 =	sand.u32 $0x380, s3;
	s3 =	simm.s32 $0x0  }
0x9: {  	s12 =	simm.s32 $0x6900;
	s13 =	simm.s32 $0x7100;
	[smem:$0x7FF] =	sst s3  }
0xa: {  	s14 =	simm.s32 $0x7900;
	_ =	strace $0x8000004A;
	[dreg:$0x6] =	wrdreg s18  }
0xb: {  	s15 =	simm.s32 $0x8100;
	s16 =	simm.s32 $0x8900;
	[dreg:$0x7] =	wrdreg s19  }
0xc: {  	s28 =	simm.s32 $0xE100;
	s29 =	simm.s32 $0xE900;
	[dreg:$0x8] =	wrdreg s20  }
0xd: {  	s30 =	simm.s32 $0xF100;
	s31 =	simm.s32 $0xF900;
	[dreg:$0x9] =	wrdreg s21  }
0xe: {  	s1 =	ssub.s32 $0x2, s1;
	s5 =	sshll.u32 s4, $0x5;
	[dreg:$0xa] =	wrdreg s23  }
0xf: {  	s4 =	sshll.u32 s4, $0xD;
	s22 =	sshrl.u32 s1, $0x1;
	[dreg:$0xb] =	wrdreg s24  }
0x10: {  	s5 =	sand.u32 $0x60, s5;
	s4 =	sadd.s32 s4, s6;
	[dreg:$0xc] =	wrdreg s25  }
0x11: {  	s1 =	ssub.s32 s1, s22;
	[dreg:$0xd] =	wrdreg s26;
	s18 =	simm.s32 $0x9900  }
0x12: {  	s19 =	simm.s32 $0xA100;
	s20 =	simm.s32 $0xA900;
	s21 =	simm.s32 $0xB100  }
0x13: {  	s22 =	simm.s32 $0xB900;
	s23 =	simm.s32 $0xC100;
	s24 =	simm.s32 $0xC900  }
0x14: {  	s25 =	simm.s32 $0xD100;
	s5 =	sor.u32 s7, s5;
	s4 =	sadd.s32 $0x23200, s4  }
0x15: {  	s26 =	simm.s32 $0xD900;
	s5 =	sadd.s32 s5, s6;
	[dreg:$0x5] =	wrdreg s4  }
0x16: {  	v2 =	vlaneseq.u32;
	s4 =	smax.u32 s1, $0x1;
	s6 =	simm.s32 $0x100;
	s17 =	sadd.s32 $0x22E00, s5  }
0x17: {  	vm0 =	vmmov $0xffff;
	v1 =	vshrl.u32 v2, $0x3;
	s1 =	simm.s32 $0x1;
	s5 =	sadd.s32 $0x22E10, s5;
	[dreg:$0x3] =	wrdreg s17  }
0x18: {  	v0 =	vand.u32 $0x7, v2;
	v2 =	vor.u32 $0x8, v2;
	v1 =	vmul.u32 $0x8, v1;
	[dreg:$0x4] =	wrdreg s5;
	s5 =	simm.s32 $0x2;
	s17 =	simm.s32 $0x9100  }
.LBB2_1:
0x19: {  	s0 =	rddreg [dreg:$0x3]  }
0x1a: {  	[tilespmem:s3], [sflag:$0x2] =	stream.linear.gather [hbm4b:s0+s3], $0x80, $0x38;
	[tilespmem:$0x10100] =	vst v63  }
0x1b: {  	_ =	swait.ge [sflag:s5], $0x80  }
0x1c: {  	s0 =	rddreg [dreg:$0x4];
	[sflag:s5] =	ssyncset.done $0x0  }
0x1d: {  	s7 =	rddreg [dreg:$0x6];
	[sflag:s5] =	ssyncadd.s32 $0xFFFFFF80  }
0x1e: {  	[tilespmem:s7], [sflag:$0x2] =	stream.linear.gather [hbm4b:s0+s3], $0x80, $0x38;
	[tilespmem:$0x10100] =	vst v63  }
0x1f: {  	_ =	swait.ge [sflag:s5], $0x80  }
0x20: {  	[sflag:s5] =	ssyncset.done $0x0  }
0x21: {  	[sflag:s5] =	ssyncadd.s32 $0xFFFFFF80  }
0x22: {  	v3 =	vld [tilespmem:$0x0];
	_ =	sdelay $0x4  }
0x23: {  	v4 =	vshll.u32 v3, $0x1  }
0x24: {  	v3 =	vand.u32 $0x7, v3;
	v4 =	vand.u32 $0xFFFFFFF0, v4  }
0x25: {  	v3 =	vor.u32 v3, v4  }
0x26: {  	v4 =	vperm.xlane v3, v0;
	_ =	sdelay $0x1  }
0x27: {  	v3 =	vperm.xlane v3, v2;
	v4 =	vadd.s32 v1, v4;
	_ =	sdelay $0x1  }
0x28: {  	v3 =	vadd.s32 v1, v3;
	_ =	sdelay $0x2  }
0x29: {  	[tilespmem:s6], [sflag:$0x1] =	stream.indirect_vreg.gather [hbm4b:s2+s3], $0x80, v4, vm0, $0xb8;
	[tilespmem:$0x10100] =	vst v63  }
0x2a: {  	s7 =	rddreg [dreg:$0x7]  }
0x2b: {  	[tilespmem:s7], [sflag:$0x1] =	stream.indirect_vreg.gather [hbm4b:s2+s3], $0x80, v3, vm0, $0xb8;
	[tilespmem:$0x10100] =	vst v63  }
0x2c: {  	v3 =	vld [tilespmem:$0x10];
	_ =	sdelay $0x4  }
0x2d: {  	v49 =	vshll.u32 v3, $0x1  }
0x2e: {  	v3 =	vand.u32 $0x7, v3;
	v4 =	vand.u32 $0xFFFFFFF0, v49  }
0x2f: {  	v3 =	vor.u32 v3, v4  }
0x30: {  	v4 =	vperm.xlane v3, v0;
	_ =	sdelay $0x1  }
0x31: {  	v3 =	vperm.xlane v3, v2;
	v4 =	vadd.s32 v1, v4;
	_ =	sdelay $0x1  }
0x32: {  	v3 =	vadd.s32 v1, v3;
	_ =	sdelay $0x1  }
0x33: {  	s0 =	rddreg [dreg:$0x8]  }
0x34: {  	[tilespmem:s0], [sflag:$0x1] =	stream.indirect_vreg.gather [hbm4b:s2+s3], $0x80, v4, vm0, $0xb8;
	[tilespmem:$0x10100] =	vst v63  }
0x35: {  	s7 =	rddreg [dreg:$0x9]  }
0x36: {  	[tilespmem:s7], [sflag:$0x1] =	stream.indirect_vreg.gather [hbm4b:s2+s3], $0x80, v3, vm0, $0xb8;
	[tilespmem:$0x10100] =	vst v63  }
0x37: {  	v3 =	vld [tilespmem:$0x20];
	_ =	sdelay $0x4  }
0x38: {  	v50 =	vshll.u32 v3, $0x1  }
0x39: {  	v3 =	vand.u32 $0x7, v3;
	v4 =	vand.u32 $0xFFFFFFF0, v50  }
0x3a: {  	v3 =	vor.u32 v3, v4  }
0x3b: {  	v4 =	vperm.xlane v3, v0;
	_ =	sdelay $0x1  }
0x3c: {  	v3 =	vperm.xlane v3, v2;
	v4 =	vadd.s32 v1, v4;
	_ =	sdelay $0x1  }
0x3d: {  	v3 =	vadd.s32 v1, v3;
	_ =	sdelay $0x1  }
0x3e: {  	s0 =	rddreg [dreg:$0xa]  }
0x3f: {  	[tilespmem:s0], [sflag:$0x1] =	stream.indirect_vreg.gather [hbm4b:s2+s3], $0x80, v4, vm0, $0xb8;
	[tilespmem:$0x10100] =	vst v63  }
0x40: {  	s7 =	rddreg [dreg:$0xb]  }
0x41: {  	[tilespmem:s7], [sflag:$0x1] =	stream.indirect_vreg.gather [hbm4b:s2+s3], $0x80, v3, vm0, $0xb8;
	[tilespmem:$0x10100] =	vst v63  }
0x42: {  	v3 =	vld [tilespmem:$0x30];
	_ =	sdelay $0x4  }
0x43: {  	v51 =	vshll.u32 v3, $0x1  }
0x44: {  	v3 =	vand.u32 $0x7, v3;
	v4 =	vand.u32 $0xFFFFFFF0, v51  }
0x45: {  	v3 =	vor.u32 v3, v4  }
0x46: {  	v4 =	vperm.xlane v3, v0;
	_ =	sdelay $0x1  }
0x47: {  	v3 =	vperm.xlane v3, v2;
	v4 =	vadd.s32 v1, v4;
	_ =	sdelay $0x1  }
0x48: {  	v3 =	vadd.s32 v1, v3;
	_ =	sdelay $0x1  }
0x49: {  	s0 =	rddreg [dreg:$0xc]  }
0x4a: {  	[tilespmem:s0], [sflag:$0x1] =	stream.indirect_vreg.gather [hbm4b:s2+s3], $0x80, v4, vm0, $0xb8;
	[tilespmem:$0x10100] =	vst v63  }
0x4b: {  	s7 =	rddreg [dreg:$0xd]  }
0x4c: {  	[tilespmem:s7], [sflag:$0x1] =	stream.indirect_vreg.gather [hbm4b:s2+s3], $0x80, v3, vm0, $0xb8;
	[tilespmem:$0x10100] =	vst v63  }
0x4d: {  	v3 =	vld [tilespmem:$0x40];
	_ =	sdelay $0x4  }
0x4e: {  	v52 =	vshll.u32 v3, $0x1  }
0x4f: {  	v3 =	vand.u32 $0x7, v3;
	v4 =	vand.u32 $0xFFFFFFF0, v52  }
0x50: {  	v3 =	vor.u32 v3, v4  }
0x51: {  	v4 =	vperm.xlane v3, v0;
	_ =	sdelay $0x1  }
0x52: {  	v3 =	vperm.xlane v3, v2;
	v4 =	vadd.s32 v1, v4;
	_ =	sdelay $0x1  }
0x53: {  	v3 =	vadd.s32 v1, v3;
	_ =	sdelay $0x1  }
0x54: {  	s7 =	simm.s32 $0x4100  }
0x55: {  	[tilespmem:s7], [sflag:$0x1] =	stream.indirect_vreg.gather [hbm4b:s2+s3], $0x80, v4, vm0, $0xb8;
	[tilespmem:$0x10100] =	vst v63  }
0x56: {  	_ = 	snop  }
0x57: {  	[tilespmem:s8], [sflag:$0x1] =	stream.indirect_vreg.gather [hbm4b:s2+s3], $0x80, v3, vm0, $0xb8;
	[tilespmem:$0x10100] =	vst v63  }
0x58: {  	v3 =	vld [tilespmem:$0x50];
	_ =	sdelay $0x4  }
0x59: {  	v53 =	vshll.u32 v3, $0x1  }
0x5a: {  	v3 =	vand.u32 $0x7, v3;
	v4 =	vand.u32 $0xFFFFFFF0, v53  }
0x5b: {  	v3 =	vor.u32 v3, v4  }
0x5c: {  	v4 =	vperm.xlane v3, v0;
	_ =	sdelay $0x1  }
0x5d: {  	v3 =	vperm.xlane v3, v2;
	v4 =	vadd.s32 v1, v4;
	_ =	sdelay $0x1  }
0x5e: {  	v3 =	vadd.s32 v1, v3;
	_ =	sdelay $0x2  }
0x5f: {  	[tilespmem:s9], [sflag:$0x1] =	stream.indirect_vreg.gather [hbm4b:s2+s3], $0x80, v4, vm0, $0xb8;
	[tilespmem:$0x10100] =	vst v63  }
0x60: {  	_ = 	snop  }
0x61: {  	[tilespmem:s10], [sflag:$0x1] =	stream.indirect_vreg.gather [hbm4b:s2+s3], $0x80, v3, vm0, $0xb8;
	[tilespmem:$0x10100] =	vst v63  }
0x62: {  	v3 =	vld [tilespmem:$0x60];
	_ =	sdelay $0x4  }
0x63: {  	v54 =	vshll.u32 v3, $0x1  }
0x64: {  	v3 =	vand.u32 $0x7, v3;
	v4 =	vand.u32 $0xFFFFFFF0, v54  }
0x65: {  	v3 =	vor.u32 v3, v4  }
0x66: {  	v4 =	vperm.xlane v3, v0;
	_ =	sdelay $0x1  }
0x67: {  	v3 =	vperm.xlane v3, v2;
	v4 =	vadd.s32 v1, v4;
	_ =	sdelay $0x1  }
0x68: {  	v3 =	vadd.s32 v1, v3;
	_ =	sdelay $0x2  }
0x69: {  	[tilespmem:s11], [sflag:$0x1] =	stream.indirect_vreg.gather [hbm4b:s2+s3], $0x80, v4, vm0, $0xb8;
	[tilespmem:$0x10100] =	vst v63  }
0x6a: {  	_ = 	snop  }
0x6b: {  	[tilespmem:s12], [sflag:$0x1] =	stream.indirect_vreg.gather [hbm4b:s2+s3], $0x80, v3, vm0, $0xb8;
	[tilespmem:$0x10100] =	vst v63  }
0x6c: {  	v3 =	vld [tilespmem:$0x70];
	_ =	sdelay $0x4  }
0x6d: {  	v55 =	vshll.u32 v3, $0x1  }
0x6e: {  	v3 =	vand.u32 $0x7, v3;
	v4 =	vand.u32 $0xFFFFFFF0, v55  }
0x6f: {  	v3 =	vor.u32 v3, v4  }
0x70: {  	v4 =	vperm.xlane v3, v0;
	_ =	sdelay $0x1  }
0x71: {  	v3 =	vperm.xlane v3, v2;
	v4 =	vadd.s32 v1, v4;
	_ =	sdelay $0x1  }
0x72: {  	v3 =	vadd.s32 v1, v3;
	_ =	sdelay $0x2  }
0x73: {  	[tilespmem:s13], [sflag:$0x1] =	stream.indirect_vreg.gather [hbm4b:s2+s3], $0x80, v4, vm0, $0xb8;
	[tilespmem:$0x10100] =	vst v63  }
0x74: {  	_ = 	snop  }
0x75: {  	[tilespmem:s14], [sflag:$0x1] =	stream.indirect_vreg.gather [hbm4b:s2+s3], $0x80, v3, vm0, $0xb8;
	[tilespmem:$0x10100] =	vst v63  }
0x76: {  	v3 =	vld [tilespmem:$0x80];
	_ =	sdelay $0x4  }
0x77: {  	v56 =	vshll.u32 v3, $0x1  }
0x78: {  	v3 =	vand.u32 $0x7, v3;
	v4 =	vand.u32 $0xFFFFFFF0, v56  }
0x79: {  	v3 =	vor.u32 v3, v4  }
0x7a: {  	v4 =	vperm.xlane v3, v0;
	_ =	sdelay $0x1  }
0x7b: {  	v3 =	vperm.xlane v3, v2;
	v4 =	vadd.s32 v1, v4;
	_ =	sdelay $0x1  }
0x7c: {  	v3 =	vadd.s32 v1, v3;
	_ =	sdelay $0x2  }
0x7d: {  	[tilespmem:s15], [sflag:$0x1] =	stream.indirect_vreg.gather [hbm4b:s2+s3], $0x80, v4, vm0, $0xb8;
	[tilespmem:$0x10100] =	vst v63  }
0x7e: {  	_ = 	snop  }
0x7f: {  	[tilespmem:s16], [sflag:$0x1] =	stream.indirect_vreg.gather [hbm4b:s2+s3], $0x80, v3, vm0, $0xb8;
	[tilespmem:$0x10100] =	vst v63  }
0x80: {  	v3 =	vld [tilespmem:$0x90];
	_ =	sdelay $0x4  }
0x81: {  	v57 =	vshll.u32 v3, $0x1  }
0x82: {  	v3 =	vand.u32 $0x7, v3;
	v4 =	vand.u32 $0xFFFFFFF0, v57  }
0x83: {  	v3 =	vor.u32 v3, v4  }
0x84: {  	v4 =	vperm.xlane v3, v0;
	_ =	sdelay $0x1  }
0x85: {  	v3 =	vperm.xlane v3, v2;
	v4 =	vadd.s32 v1, v4;
	_ =	sdelay $0x1  }
0x86: {  	v3 =	vadd.s32 v1, v3;
	_ =	sdelay $0x2  }
0x87: {  	[tilespmem:s17], [sflag:$0x1] =	stream.indirect_vreg.gather [hbm4b:s2+s3], $0x80, v4, vm0, $0xb8;
	[tilespmem:$0x10100] =	vst v63  }
0x88: {  	_ = 	snop  }
0x89: {  	[tilespmem:s18], [sflag:$0x1] =	stream.indirect_vreg.gather [hbm4b:s2+s3], $0x80, v3, vm0, $0xb8;
	[tilespmem:$0x10100] =	vst v63  }
0x8a: {  	v3 =	vld [tilespmem:$0xA0];
	_ =	sdelay $0x4  }
0x8b: {  	v58 =	vshll.u32 v3, $0x1  }
0x8c: {  	v3 =	vand.u32 $0x7, v3;
	v4 =	vand.u32 $0xFFFFFFF0, v58  }
0x8d: {  	v3 =	vor.u32 v3, v4  }
0x8e: {  	v4 =	vperm.xlane v3, v0;
	_ =	sdelay $0x1  }
0x8f: {  	v3 =	vperm.xlane v3, v2;
	v4 =	vadd.s32 v1, v4;
	_ =	sdelay $0x1  }
0x90: {  	v3 =	vadd.s32 v1, v3;
	_ =	sdelay $0x2  }
0x91: {  	[tilespmem:s19], [sflag:$0x1] =	stream.indirect_vreg.gather [hbm4b:s2+s3], $0x80, v4, vm0, $0xb8;
	[tilespmem:$0x10100] =	vst v63  }
0x92: {  	_ = 	snop  }
0x93: {  	[tilespmem:s20], [sflag:$0x1] =	stream.indirect_vreg.gather [hbm4b:s2+s3], $0x80, v3, vm0, $0xb8;
	[tilespmem:$0x10100] =	vst v63  }
0x94: {  	v3 =	vld [tilespmem:$0xB0];
	_ =	sdelay $0x4  }
0x95: {  	v59 =	vshll.u32 v3, $0x1  }
0x96: {  	v3 =	vand.u32 $0x7, v3;
	v4 =	vand.u32 $0xFFFFFFF0, v59  }
0x97: {  	v3 =	vor.u32 v3, v4  }
0x98: {  	v4 =	vperm.xlane v3, v0;
	_ =	sdelay $0x1  }
0x99: {  	v3 =	vperm.xlane v3, v2;
	v4 =	vadd.s32 v1, v4;
	_ =	sdelay $0x1  }
0x9a: {  	v3 =	vadd.s32 v1, v3;
	_ =	sdelay $0x2  }
0x9b: {  	[tilespmem:s21], [sflag:$0x1] =	stream.indirect_vreg.gather [hbm4b:s2+s3], $0x80, v4, vm0, $0xb8;
	[tilespmem:$0x10100] =	vst v63  }
0x9c: {  	_ = 	snop  }
0x9d: {  	[tilespmem:s22], [sflag:$0x1] =	stream.indirect_vreg.gather [hbm4b:s2+s3], $0x80, v3, vm0, $0xb8;
	[tilespmem:$0x10100] =	vst v63  }
0x9e: {  	v3 =	vld [tilespmem:$0xC0];
	_ =	sdelay $0x4  }
0x9f: {  	v60 =	vshll.u32 v3, $0x1  }
0xa0: {  	v3 =	vand.u32 $0x7, v3;
	v4 =	vand.u32 $0xFFFFFFF0, v60  }
0xa1: {  	v3 =	vor.u32 v3, v4  }
0xa2: {  	v4 =	vperm.xlane v3, v0;
	_ =	sdelay $0x1  }
0xa3: {  	v3 =	vperm.xlane v3, v2;
	v4 =	vadd.s32 v1, v4;
	_ =	sdelay $0x1  }
0xa4: {  	v3 =	vadd.s32 v1, v3;
	_ =	sdelay $0x2  }
0xa5: {  	[tilespmem:s23], [sflag:$0x1] =	stream.indirect_vreg.gather [hbm4b:s2+s3], $0x80, v4, vm0, $0xb8;
	[tilespmem:$0x10100] =	vst v63  }
0xa6: {  	_ = 	snop  }
0xa7: {  	[tilespmem:s24], [sflag:$0x1] =	stream.indirect_vreg.gather [hbm4b:s2+s3], $0x80, v3, vm0, $0xb8;
	[tilespmem:$0x10100] =	vst v63  }
0xa8: {  	v3 =	vld [tilespmem:$0xD0];
	_ =	sdelay $0x4  }
0xa9: {  	v61 =	vshll.u32 v3, $0x1  }
0xaa: {  	v3 =	vand.u32 $0x7, v3;
	v4 =	vand.u32 $0xFFFFFFF0, v61  }
0xab: {  	v3 =	vor.u32 v3, v4  }
0xac: {  	v4 =	vperm.xlane v3, v0;
	_ =	sdelay $0x1  }
0xad: {  	v3 =	vperm.xlane v3, v2;
	v4 =	vadd.s32 v1, v4;
	_ =	sdelay $0x1  }
0xae: {  	v3 =	vadd.s32 v1, v3;
	_ =	sdelay $0x2  }
0xaf: {  	[tilespmem:s25], [sflag:$0x1] =	stream.indirect_vreg.gather [hbm4b:s2+s3], $0x80, v4, vm0, $0xb8;
	[tilespmem:$0x10100] =	vst v63  }
0xb0: {  	_ = 	snop  }
0xb1: {  	[tilespmem:s26], [sflag:$0x1] =	stream.indirect_vreg.gather [hbm4b:s2+s3], $0x80, v3, vm0, $0xb8;
	[tilespmem:$0x10100] =	vst v63  }
0xb2: {  	v3 =	vld [tilespmem:$0xE0];
	_ =	sdelay $0x4  }
0xb3: {  	v62 =	vshll.u32 v3, $0x1  }
0xb4: {  	v3 =	vand.u32 $0x7, v3;
	v4 =	vand.u32 $0xFFFFFFF0, v62  }
0xb5: {  	v3 =	vor.u32 v3, v4  }
0xb6: {  	v4 =	vperm.xlane v3, v0;
	_ =	sdelay $0x1  }
0xb7: {  	v3 =	vperm.xlane v3, v2;
	v4 =	vadd.s32 v1, v4;
	_ =	sdelay $0x1  }
0xb8: {  	v3 =	vadd.s32 v1, v3;
	_ =	sdelay $0x2  }
0xb9: {  	[tilespmem:s28], [sflag:$0x1] =	stream.indirect_vreg.gather [hbm4b:s2+s3], $0x80, v4, vm0, $0xb8;
	[tilespmem:$0x10100] =	vst v63  }
0xba: {  	_ = 	snop  }
0xbb: {  	[tilespmem:s29], [sflag:$0x1] =	stream.indirect_vreg.gather [hbm4b:s2+s3], $0x80, v3, vm0, $0xb8;
	[tilespmem:$0x10100] =	vst v63  }
0xbc: {  	v3 =	vld [tilespmem:$0xF0];
	_ =	sdelay $0x4  }
0xbd: {  	v63 =	vshll.u32 v3, $0x1  }
0xbe: {  	v3 =	vand.u32 $0x7, v3;
	v4 =	vand.u32 $0xFFFFFFF0, v63  }
0xbf: {  	v3 =	vor.u32 v3, v4  }
0xc0: {  	v4 =	vperm.xlane v3, v0;
	_ =	sdelay $0x1  }
0xc1: {  	v3 =	vperm.xlane v3, v2;
	v4 =	vadd.s32 v1, v4;
	_ =	sdelay $0x1  }
0xc2: {  	v3 =	vadd.s32 v1, v3;
	_ =	sdelay $0x2  }
0xc3: {  	[tilespmem:s30], [sflag:$0x1] =	stream.indirect_vreg.gather [hbm4b:s2+s3], $0x80, v4, vm0, $0xb8;
	[tilespmem:$0x10100] =	vst v63  }
0xc4: {  	_ = 	snop  }
0xc5: {  	[tilespmem:s31], [sflag:$0x1] =	stream.indirect_vreg.gather [hbm4b:s2+s3], $0x80, v3, vm0, $0xb8;
	[tilespmem:$0x10100] =	vst v63  }
0xc6: {  	_ =	swait.ge [sflag:s1], $0x10000  }
0xc7: {  	p0 =	sne.s32 s4, $0x1;
	[sflag:s1] =	ssyncset.done $0x0  }
.Ltmp0:
0xc8: {  	s7 =	rddreg [dreg:$0x5];
	[sflag:s1] =	ssyncadd.s32 $0xFFFF0000;
	(pc) =	sbr.rel @p0 .LBB2_1-.Ltmp0, $4  }
0xc9: {  	[hbm4b:s7+s3] =	stream.linear.scatter [tilespmem:s6], [sflag:$0x2], $0x10000, $0x38;
	[tilespmem:$0x10100] =	vst v63  }
0xca: {  	_ =	swait.ge [sflag:s5], $0x10000  }
0xcb: {  	[sflag:s5] =	ssyncset.done $0x0  }
0xcc: {  	s4 =	sadd.s32 $0xFFFFFFFF, s4;
	[sflag:s5] =	ssyncadd.s32 $0xFFFF0000  }
0xcd: {  	_ =	sfence.sel $0x180000  }
0xce: {  	[bflag:$0x0] =	sbarrier.arrive $0xFFFF  }
0xcf: {  	_ =	strace $0x9000004A  }
0xd0: {  	s0 =	stileid.u32;
	[bflag:$0x2] =	sbarrier.arrive $0xFFFF  }
0xd1: {  	p0 =	sne.s32 s0, $0x0;
	s0 =	rddreg [dreg:$0x2]  }
0xd2: {  	s0 =	sadd.s32 @!p0 $0x100000, s0  }
0xd3: {  	[sflag:s0] =	ssyncadd.tile.s32 @!p0 $0x1;
	_ =	shalt  }
.Lfunc_end2:
_tile_overlayer_lowered:
.L_overlay_start_2:
0xd4: {  	(tag) =	ssettag $0x2  }
0xd5: {  	s0 =	rddreg [dreg:$0x0];
	s2 =	stileid.u32  }
0xd6: {  	s1 =	rddreg [dreg:$0x1];
	p0 =	sne.s32 s2, $0x0  }
0xd7: {  	s3 =	rddreg [dreg:$0x2];
	[bflag:$0x3] =	sbarrier.arrive $0xFFFF;
	s2 =	simm.s32 @!p0 $0x1C02  }
0xd8: {  	[timem:s3], [sflag:s2] =	dma.local @!p0 [hbm:s0], s1  }
0xd9: {  	s0 =	simm.s32 @!p0 $0x2  }
0xda: {  	_ =	swait.ge @!p0 [sflag:s0], s1  }
0xdb: {  	s1 =	ssub.s32 @!p0 $0x0, s1;
	[sflag:s0] =	ssyncset.done @!p0 $0x0  }
0xdc: {  	[sflag:s0] =	ssyncadd.s32 @!p0 s1  }
0xdd: {  	[bflag:$0x3] =	sbarrier.arrive $0xFFFF  }
0xde: {  	_ =	shalt  }

// kernel: kernel.7.cloned.1.call-start
scs
__scs_entry_jumppad:
0x0: {  	(pc) =	sbr.rel $0x88, $3  }
0x1: {  	(tag) =	ssettag $0x0;
	lr =	simm.s32 $0x1  }
0x2: {  	[smem:$0x3F98] =	sst lr;
	_ =	strace $0xD0000000  }
0x3: {  	_ = 	snop  }
0x4: {  	_ = 	snop  }
0x5: {  	_ = 	snop  }
0x6: {  	_ = 	snop  }
0x7: {  	_ = 	snop  }
__scs_overlays_trampoline_lowered:
0x8: {  	[smem:$0x3FA7] =	sst s0  }
0x9: {  	[smem:$0x3FA8] =	sst s1  }
0xa: {  	[smem:$0x3FA9] =	sst s2  }
0xb: {  	[smem:$0x3FAA] =	sst s3  }
0xc: {  	[smem:$0x3FAB] =	sst s4  }
0xd: {  	[smem:$0x3FAC] =	sst s5  }
0xe: {  	[smem:$0x3FAD] =	sst s6  }
0xf: {  	[smem:$0x3FAE] =	sst s7  }
0x10: {  	[smem:$0x3FAF] =	sst s8  }
0x11: {  	[smem:$0x3FB0] =	sst s9;
	s0 =	simm.s32 @!p0 $0x0  }
0x12: {  	s1 =	sld [smem:$0x3F96];
	s0 =	simm.s32 @p0 $0x1  }
0x13: {  	[smem:$0x3FB1] =	sst s0;
	s0 =	simm.s32 @!p1 $0x0  }
0x14: {  	s2 =	sld [smem:$0x3F95];
	s0 =	simm.s32 @p1 $0x1  }
0x15: {  	[smem:$0x3FB2] =	sst s0;
	s0 =	simm.s32 @!p2 $0x0  }
0x16: {  	s3 =	sld [smem:$0x3FDB];
	s0 =	simm.s32 @p2 $0x1  }
0x17: {  	s4 =	simm.s32 $0x1BF5;
	[smem:$0x3FB4] =	sst s0  }
0x18: {  	s0 =	sld [smem:$0x3F97];
	_ =	swait.ge [sflag:s4], $0x0  }
0x19: {  	s7 =	sld [smem:$0x3F98]  }
0x1a: {  	s8 =	sadd.s32 $0xFFFFE003, lr  }
0x1b: {  	s9 =	sadd.s32 $0xFFFFFEF7, lr;
	s5 =	simm.s32 $0xFFFFFFFF;
	p2 =	slt.u32 s8, $0xFFFFF086  }
0x1c: {  	p1 =	slt.u32 s9, $0xF7A;
	s5 =	simm.s32 @!p2 $0x0  }
0x1d: {  	s5 =	simm.s32 @p1 $0x1;
	p0 =	seq.s32 s7, s2  }
0x1e: {  	s7 =	smul.u32 @!p0 $0xF7A, s2;
	p2 =	seq.s32 @!p0 s5, $0x0  }
0x1f: {  	s9 =	smul.u32 $0xF7A, s1;
	s8 =	simm.s32 @!p0 $0x1BF5;
	p2 =	por !p2, p0  }
0x20: {  	[sflag:s8] =	ssyncset.s32 @!p0 $0xFFFFF086;
	s6 =	sadd.s32 @!p0 s3, s7;
	s7 =	simm.s32 @!p0 $0x108  }
0x21: {  	s3 =	sadd.s32 s3, s9;
	s6 =	sadd.s32 @!p0 $0x88, s6;
	s7 =	simm.s32 @p2 $0x1082  }
0x22: {  	[simem:s7], [sflag:s8] =	dma.local @!p0 [hbm:s6], $0xF7A  }
0x23: {  	s9 =	sor.u32 $0xD0000000, s2;
	s6 =	simm.s32 $0x108;
	_ =	swait.ge @!p0 [sflag:s8], $0x0  }
0x24: {  	s3 =	sadd.s32 $0x88, s3;
	s6 =	simm.s32 @!p1 $0x1082;
	[sflag:s4] =	ssyncset.s32 $0xFFFFF086  }
0x25: {  	[simem:s6], [sflag:s4] =	dma.local [hbm:s3], $0xF7A  }
0x26: {  	[smem:$0x3F98] =	sst s1;
	(tag) =	ssettag s2;
	_ =	strace s9  }
0x27: {  	s1 =	sld [smem:$0x3FA8]  }
0x28: {  	s2 =	sld [smem:$0x3FA9]  }
0x29: {  	s4 =	sld [smem:$0x3FAB]  }
0x2a: {  	p0 =	seq.s32 s5, $0x0;
	s5 =	sld [smem:$0x3FAC]  }
0x2b: {  	s6 =	sld [smem:$0x3FAD]  }
0x2c: {  	s7 =	sld [smem:$0x3FAE]  }
0x2d: {  	s3 =	simm.s32 $0x108;
	s8 =	sld [smem:$0x3FAF]  }
0x2e: {  	s3 =	simm.s32 @!p0 $0x1082;
	s9 =	sld [smem:$0x3FB0]  }
0x2f: {  	lr =	sadd.s32 s0, s3;
	s0 =	sld [smem:$0x3FA7]  }
0x30: {  	s3 =	sld [smem:$0x3FAA]  }
0x31: {  	[smem:$0x3FB3] =	sst s10  }
0x32: {  	s10 =	sld [smem:$0x3FB1];
	_ =	sdelay $0x3  }
0x33: {  	p0 =	seq.s32 s10, $0x1;
	s10 =	sld [smem:$0x3FB3];
	_ =	sdelay $0x3  }
0x34: {  	[smem:$0x3FB3] =	sst s10  }
0x35: {  	s10 =	sld [smem:$0x3FB2];
	_ =	sdelay $0x3  }
0x36: {  	p1 =	seq.s32 s10, $0x1;
	s10 =	sld [smem:$0x3FB3];
	_ =	sdelay $0x3  }
0x37: {  	[smem:$0x3FB3] =	sst s10  }
0x38: {  	s10 =	sld [smem:$0x3FB4]  }
0x39: {  	_ = 	snop;
	(pc) =	sbr.ind lr, $3  }
0x3a: {  	_ = 	snop  }
0x3b: {  	_ = 	snop  }
0x3c: {  	p2 =	seq.s32 s10, $0x1;
	s10 =	sld [smem:$0x3FB3]  }
0x3d: {  	_ =	shalt  }
0x3e: {  	_ =	shalt  }
0x3f: {  	_ =	shalt  }
0x40: {  	_ =	shalt  }
0x41: {  	_ =	shalt  }
0x42: {  	_ =	shalt  }
0x43: {  	_ =	shalt  }
0x44: {  	_ =	shalt  }
0x45: {  	_ =	shalt  }
0x46: {  	_ =	shalt  }
0x47: {  	_ =	shalt  }
0x48: {  	_ =	shalt  }
0x49: {  	_ =	shalt  }
0x4a: {  	_ =	shalt  }
0x4b: {  	_ =	shalt  }
0x4c: {  	_ =	shalt  }
0x4d: {  	_ =	shalt  }
0x4e: {  	_ =	shalt  }
0x4f: {  	_ =	shalt  }
0x50: {  	_ =	shalt  }
0x51: {  	_ =	shalt  }
0x52: {  	_ =	shalt  }
0x53: {  	_ =	shalt  }
0x54: {  	_ =	shalt  }
0x55: {  	_ =	shalt  }
0x56: {  	_ =	shalt  }
0x57: {  	_ =	shalt  }
0x58: {  	_ =	shalt  }
0x59: {  	_ =	shalt  }
0x5a: {  	_ =	shalt  }
0x5b: {  	_ =	shalt  }
0x5c: {  	_ =	shalt  }
0x5d: {  	_ =	shalt  }
0x5e: {  	_ =	shalt  }
0x5f: {  	_ =	shalt  }
0x60: {  	_ =	shalt  }
0x61: {  	_ =	shalt  }
0x62: {  	_ =	shalt  }
0x63: {  	_ =	shalt  }
0x64: {  	_ =	shalt  }
0x65: {  	_ =	shalt  }
0x66: {  	_ =	shalt  }
0x67: {  	_ =	shalt  }
0x68: {  	_ =	shalt  }
0x69: {  	_ =	shalt  }
0x6a: {  	_ =	shalt  }
0x6b: {  	_ =	shalt  }
0x6c: {  	_ =	shalt  }
0x6d: {  	_ =	shalt  }
0x6e: {  	_ =	shalt  }
0x6f: {  	_ =	shalt  }
0x70: {  	_ =	shalt  }
0x71: {  	_ =	shalt  }
0x72: {  	_ =	shalt  }
0x73: {  	_ =	shalt  }
0x74: {  	_ =	shalt  }
0x75: {  	_ =	shalt  }
0x76: {  	_ =	shalt  }
0x77: {  	_ =	shalt  }
0x78: {  	_ =	shalt  }
0x79: {  	_ =	shalt  }
0x7a: {  	_ =	shalt  }
0x7b: {  	_ =	shalt  }
0x7c: {  	_ =	shalt  }
0x7d: {  	_ =	shalt  }
0x7e: {  	_ =	shalt  }
0x7f: {  	_ =	shalt  }
0x80: {  	_ =	shalt  }
0x81: {  	_ =	shalt  }
0x82: {  	_ =	shalt  }
0x83: {  	_ =	shalt  }
0x84: {  	_ =	shalt  }
0x85: {  	_ =	shalt  }
0x86: {  	_ =	shalt  }
0x87: {  	_ =	shalt  }
.Lfunc_end0:
.L_simem_size_0:
called_computation_lowered:
.L_overlay_start_0:
0x88: {  	s2 =	sld [smem:$0x3FD9]  }
0x89: {  	s3 =	sld [smem:$0x3FFE];
	_ =	sdelay $0x1  }
0x8a: {  	s1 =	srdreg.scid  }
0x8b: {  	s0 =	sand.u32 $0x1, s1  }
0x8c: {  	s17 =	sshll.u32 s0, $0xA;
	s2 =	sadd.s32 s3, s2  }
0x8d: {  	s2 =	sadd.s32 s2, s17  }
0x8e: {  	[smem:$0x3FBF] =	sst s2  }
0x8f: {  	_ = 	snop  }
0x90: {  	s2 =	sld [smem:$0x3FD0];
	(tm) =	ssettm $0x1  }
0x91: {  	s18 =	sld [smem:$0x3FFB];
	_ =	sdelay $0x3  }
0x92: {  	_ =	strace s18  }
0x93: {  	s3 =	sld [smem:$0x3FFC];
	_ =	sdelay $0x3  }
0x94: {  	_ =	strace s3  }
0x95: {  	s3 =	sld [smem:$0x3FFD];
	_ =	sdelay $0x3  }
0x96: {  	_ =	strace s3  }
0x97: {  	_ =	strace $0x8FFFFFFF  }
0x98: {  	s19 =	sld [smem:$0x3FDB];
	_ =	sdelay $0x1  }
0x99: {  	s4 =	simm.s32 $_scs_section_size  }
0x9a: {  	s5 =	simm.s32 $_size__tile_overlayer_lowered;
	s6 =	simm.s32 $_tile_overlayer_lowered  }
0x9b: {  	s22 =	simm.s32 $0x1BFF;
	s21 =	sshll.u32 s6, $0x1;
	s3 =	sadd.s32 s4, s19  }
0x9c: {  	s7 =	simm.s32 $0x0;
	s20 =	sshll.u32 s5, $0x1;
	s5 =	sadd.s32 s21, s3  }
0x9d: {  	[timem:s7], [sflag:s22] =	dma.local [hbm:s5], s20  }
0x9e: {  	_ =	swait.ge [sflag:s22], s20  }
0x9f: {  	s4 =	ssub.s32 $0x0, s20;
	[sflag:s22] =	ssyncset.done $0x0  }
0xa0: {  	[sflag:s22] =	ssyncadd.s32 s4;
	_ =	sdelay $0x1  }
0xa1: {  	s23 =	simm.s32 $0x1B8B  }
0xa2: {  	_ =	swait.ge [sflag:s23], $0x1  }
0xa3: {  	[sflag:s23] =	ssyncset.done $0x0  }
0xa4: {  	s25 =	simm.s32 $0x1B8E;
	s24 =	sld [smem:$0x3FFE];
	[sflag:s23] =	ssyncadd.s32 $0xFFFFFFFF  }
0xa5: {  	s26 =	simm.s32 $execute0_lowered;
	[smem:$0x3FD2] =	sst s25  }
0xa6: {  	s5 =	sshll.u32 s26, $0x1;
	_ =	strace $0x80000046;
	[dreg:$0x1] =	wrdreg $0xFFFFFFFF  }
0xa7: {  	s28 =	simm.s32 $_size_execute0_lowered;
	s3 =	sadd.s32 s3, s5;
	[dreg:$0x0] =	wrdreg $0x0  }
0xa8: {  	s5 =	sshll.u32 s28, $0x1;
	[dreg:$0x2] =	wrdreg s3  }
0xa9: {  	[dreg:$0x3] =	wrdreg s5  }
0xaa: {  	[dreg:$0x4] =	wrdreg $0xC0  }
0xab: {  	_ =	task [dreg:s7], $0x5FFFF  }
0xac: {  	[dreg:$0x1] =	wrdreg $0xFFFFFFFF  }
0xad: {  	[dreg:$0x0] =	wrdreg $0x60  }
0xae: {  	[dreg:$0x2] =	wrdreg s24  }
0xaf: {  	[dreg:$0x3] =	wrdreg s2  }
0xb0: {  	[dreg:$0x4] =	wrdreg $0x9  }
0xb1: {  	_ =	task.clear_ibuf [dreg:s7], $0x5FFFF;
	_ =	strace $0x90000046  }
0xb2: {  	s29 =	simm.s32 $0x9;
	_ =	strace $0x80000048  }
0xb3: {  	_ =	swait.ge [sflag:s29], $0x1  }
0xb4: {  	[sflag:s29] =	ssyncadd.s32 $0xFFFFFFFF  }
0xb5: {  	_ =	strace $0x90000048  }
0xb6: {  	_ =	sfence  }
0xb7: {  	s30 =	sld [smem:$0x0];
	_ =	sdelay $0x2  }
0xb8: {  	s31 =	sshll.u32 s1, $0xD;
	s1 =	sshrl.u32 s1, $0x2  }
0xb9: {  	s3 =	sand.u32 $0x4000, s31;
	s1 =	sadd.s32 s1, s30  }
0xba: {  	s0 =	sor.u32 s3, s0;
	s1 =	sshll.u32 s1, $0x11  }
0xbb: {  	s0 =	sor.u32 s1, s0  }
0xbc: {  	s0 =	sadd.s32 $0x8F2B, s0  }
0xbd: {  	[sflag:s0] =	ssyncadd.remote.s32 $0x1  }
0xbe: {  	_ =	sfence.sel $0xFFFF  }
0xbf: {  	[dreg:$0x0] =	wrdreg $0xFFFFFFFF;
	(pc) =	sbr.abs _section_cstart, $3  }
0xc0: {  	[dreg:$0x1] =	wrdreg $0xFFFFFFFF  }
0xc1: {  	_ =	task.clear_ibuf [dreg:s7], $0x2FFFF;
	_ =	strace $0x9FFFFFFF  }
0xc2: {  	(tm) =	ssettm $0x7FFFFFFF  }
0xc3: {  	_ =	shalt  }
tec
execute0_lowered:
.L_overlay_start_1:
0x0: {  	(tag) =	ssettag $0x1  }
0x1: {  	s4 =	rddreg [dreg:$0x0]  }
0x2: {  	s2 =	rddreg [dreg:$0x1]  }
0x3: {  	s0 =	rddreg [dreg:$0x2];
	s3 =	simm.s32 $0x0;
	s5 =	srdreg.scid  }
0x4: {  	s1 =	stileid.u32;
	s9 =	simm.s32 $0x80;
	s10 =	simm.s32 $0x100  }
0x5: {  	s11 =	simm.s32 $0x900;
	s12 =	simm.s32 $0x1100;
	s13 =	simm.s32 $0x1900  }
0x6: {  	s14 =	simm.s32 $0x2100;
	s15 =	simm.s32 $0x2900;
	s16 =	simm.s32 $0x3100  }
0x7: {  	s17 =	simm.s32 $0x3900;
	s18 =	simm.s32 $0x4100;
	s19 =	simm.s32 $0x4900  }
0x8: {  	s20 =	simm.s32 $0x5100;
	s21 =	simm.s32 $0x5900;
	s22 =	simm.s32 $0x6100  }
0x9: {  	s23 =	simm.s32 $0x6900;
	s24 =	simm.s32 $0x7100;
	s25 =	simm.s32 $0x7900  }
0xa: {  	[smem:$0x7FF] =	sst s3;
	s5 =	sand.u32 $0x1, s5;
	s6 =	sshll.u32 s1, $0x1  }
0xb: {  	s26 =	simm.s32 $0x1;
	_ =	strace $0x80000047;
	s6 =	sor.u32 s5, s6  }
0xc: {  	s5 =	ssub.s32 $0x2, s5;
	s7 =	sshll.u32 s6, $0xC;
	s6 =	sshll.u32 s6, $0x4  }
0xd: {  	v2 =	vlaneseq.u32;
	s31 =	sshrl.u32 s5, $0x1;
	s7 =	sadd.s32 s7, s4;
	s6 =	sadd.s32 s6, s4  }
0xe: {  	vm0 =	vmmov $0xffff;
	v1 =	vshrl.u32 v2, $0x3;
	s8 =	ssub.s32 s5, s31;
	s4 =	sadd.s32 $0x22E00, s6;
	s5 =	sadd.s32 $0x23000, s6  }
0xf: {  	v0 =	vand.u32 $0x7, v2;
	v2 =	vor.u32 $0x8, v2;
	v1 =	vmul.u32 $0x8, v1;
	s6 =	sadd.s32 $0x2E00, s7;
	s7 =	smax.u32 s8, $0x1;
	s8 =	simm.s32 $0x2  }
.LBB2_1:
0x10: {  	[tilespmem:s3], [sflag:$0x2] =	stream.linear.gather [hbm4b:s4+s3], $0x80, $0x38;
	[tilespmem:$0x8100] =	vst v63  }
0x11: {  	_ =	swait.ge [sflag:s8], $0x80  }
0x12: {  	[sflag:s8] =	ssyncset.done $0x0  }
0x13: {  	[sflag:s8] =	ssyncadd.s32 $0xFFFFFF80  }
0x14: {  	[tilespmem:s9], [sflag:$0x2] =	stream.linear.gather [hbm4b:s5+s3], $0x80, $0x38;
	[tilespmem:$0x8100] =	vst v63  }
0x15: {  	_ =	swait.ge [sflag:s8], $0x80  }
0x16: {  	[sflag:s8] =	ssyncset.done $0x0  }
0x17: {  	[sflag:s8] =	ssyncadd.s32 $0xFFFFFF80  }
0x18: {  	[tilespmem:s10], [sflag:$0x2] =	stream.linear.gather [hbm4b:s6+s3], $0x8000, $0x38;
	[tilespmem:$0x8100] =	vst v63  }
0x19: {  	_ =	swait.ge [sflag:s8], $0x8000  }
0x1a: {  	[sflag:s8] =	ssyncset.done $0x0  }
0x1b: {  	[sflag:s8] =	ssyncadd.s32 $0xFFFF8000  }
0x1c: {  	v3 =	vld [tilespmem:$0x0];
	_ =	sdelay $0x4  }
0x1d: {  	v4 =	vshll.u32 v3, $0x1  }
0x1e: {  	v3 =	vand.u32 $0x7, v3;
	v4 =	vand.u32 $0xFFFFFFF0, v4  }
0x1f: {  	v3 =	vor.u32 v3, v4  }
0x20: {  	v4 =	vperm.xlane v3, v0;
	_ =	sdelay $0x1  }
0x21: {  	v3 =	vperm.xlane v3, v2;
	v4 =	vadd.s32 v1, v4;
	_ =	sdelay $0x1  }
0x22: {  	v3 =	vadd.s32 v1, v3;
	_ =	sdelay $0x2  }
0x23: {  	[hbm4b:s2+s3] =	stream.indirect_vreg.scatter [tilespmem:s10], [sflag:$0x1], $0x80, v4, vm0, $0xb8;
	[tilespmem:$0x8100] =	vst v63  }
0x24: {  	_ = 	snop  }
0x25: {  	[hbm4b:s2+s3] =	stream.indirect_vreg.scatter [tilespmem:s11], [sflag:$0x1], $0x80, v3, vm0, $0xb8;
	[tilespmem:$0x8100] =	vst v63  }
0x26: {  	v3 =	vld [tilespmem:$0x10];
	_ =	sdelay $0x4  }
0x27: {  	v49 =	vshll.u32 v3, $0x1  }
0x28: {  	v3 =	vand.u32 $0x7, v3;
	v4 =	vand.u32 $0xFFFFFFF0, v49  }
0x29: {  	v3 =	vor.u32 v3, v4  }
0x2a: {  	v4 =	vperm.xlane v3, v0;
	_ =	sdelay $0x1  }
0x2b: {  	v3 =	vperm.xlane v3, v2;
	v4 =	vadd.s32 v1, v4;
	_ =	sdelay $0x1  }
0x2c: {  	v3 =	vadd.s32 v1, v3;
	_ =	sdelay $0x2  }
0x2d: {  	[hbm4b:s2+s3] =	stream.indirect_vreg.scatter [tilespmem:s12], [sflag:$0x1], $0x80, v4, vm0, $0xb8;
	[tilespmem:$0x8100] =	vst v63  }
0x2e: {  	_ = 	snop  }
0x2f: {  	[hbm4b:s2+s3] =	stream.indirect_vreg.scatter [tilespmem:s13], [sflag:$0x1], $0x80, v3, vm0, $0xb8;
	[tilespmem:$0x8100] =	vst v63  }
0x30: {  	v3 =	vld [tilespmem:$0x20];
	_ =	sdelay $0x4  }
0x31: {  	v50 =	vshll.u32 v3, $0x1  }
0x32: {  	v3 =	vand.u32 $0x7, v3;
	v4 =	vand.u32 $0xFFFFFFF0, v50  }
0x33: {  	v3 =	vor.u32 v3, v4  }
0x34: {  	v4 =	vperm.xlane v3, v0;
	_ =	sdelay $0x1  }
0x35: {  	v3 =	vperm.xlane v3, v2;
	v4 =	vadd.s32 v1, v4;
	_ =	sdelay $0x1  }
0x36: {  	v3 =	vadd.s32 v1, v3;
	_ =	sdelay $0x2  }
0x37: {  	[hbm4b:s2+s3] =	stream.indirect_vreg.scatter [tilespmem:s14], [sflag:$0x1], $0x80, v4, vm0, $0xb8;
	[tilespmem:$0x8100] =	vst v63  }
0x38: {  	_ = 	snop  }
0x39: {  	[hbm4b:s2+s3] =	stream.indirect_vreg.scatter [tilespmem:s15], [sflag:$0x1], $0x80, v3, vm0, $0xb8;
	[tilespmem:$0x8100] =	vst v63  }
0x3a: {  	v3 =	vld [tilespmem:$0x30];
	_ =	sdelay $0x4  }
0x3b: {  	v51 =	vshll.u32 v3, $0x1  }
0x3c: {  	v3 =	vand.u32 $0x7, v3;
	v4 =	vand.u32 $0xFFFFFFF0, v51  }
0x3d: {  	v3 =	vor.u32 v3, v4  }
0x3e: {  	v4 =	vperm.xlane v3, v0;
	_ =	sdelay $0x1  }
0x3f: {  	v3 =	vperm.xlane v3, v2;
	v4 =	vadd.s32 v1, v4;
	_ =	sdelay $0x1  }
0x40: {  	v3 =	vadd.s32 v1, v3;
	_ =	sdelay $0x2  }
0x41: {  	[hbm4b:s2+s3] =	stream.indirect_vreg.scatter [tilespmem:s16], [sflag:$0x1], $0x80, v4, vm0, $0xb8;
	[tilespmem:$0x8100] =	vst v63  }
0x42: {  	_ = 	snop  }
0x43: {  	[hbm4b:s2+s3] =	stream.indirect_vreg.scatter [tilespmem:s17], [sflag:$0x1], $0x80, v3, vm0, $0xb8;
	[tilespmem:$0x8100] =	vst v63  }
0x44: {  	v3 =	vld [tilespmem:$0x40];
	_ =	sdelay $0x4  }
0x45: {  	v52 =	vshll.u32 v3, $0x1  }
0x46: {  	v3 =	vand.u32 $0x7, v3;
	v4 =	vand.u32 $0xFFFFFFF0, v52  }
0x47: {  	v3 =	vor.u32 v3, v4  }
0x48: {  	v4 =	vperm.xlane v3, v0;
	_ =	sdelay $0x1  }
0x49: {  	v3 =	vperm.xlane v3, v2;
	v4 =	vadd.s32 v1, v4;
	_ =	sdelay $0x1  }
0x4a: {  	v3 =	vadd.s32 v1, v3;
	_ =	sdelay $0x2  }
0x4b: {  	[hbm4b:s2+s3] =	stream.indirect_vreg.scatter [tilespmem:s18], [sflag:$0x1], $0x80, v4, vm0, $0xb8;
	[tilespmem:$0x8100] =	vst v63  }
0x4c: {  	_ = 	snop  }
0x4d: {  	[hbm4b:s2+s3] =	stream.indirect_vreg.scatter [tilespmem:s19], [sflag:$0x1], $0x80, v3, vm0, $0xb8;
	[tilespmem:$0x8100] =	vst v63  }
0x4e: {  	v3 =	vld [tilespmem:$0x50];
	_ =	sdelay $0x4  }
0x4f: {  	v53 =	vshll.u32 v3, $0x1  }
0x50: {  	v3 =	vand.u32 $0x7, v3;
	v4 =	vand.u32 $0xFFFFFFF0, v53  }
0x51: {  	v3 =	vor.u32 v3, v4  }
0x52: {  	v4 =	vperm.xlane v3, v0;
	_ =	sdelay $0x1  }
0x53: {  	v3 =	vperm.xlane v3, v2;
	v4 =	vadd.s32 v1, v4;
	_ =	sdelay $0x1  }
0x54: {  	v3 =	vadd.s32 v1, v3;
	_ =	sdelay $0x2  }
0x55: {  	[hbm4b:s2+s3] =	stream.indirect_vreg.scatter [tilespmem:s20], [sflag:$0x1], $0x80, v4, vm0, $0xb8;
	[tilespmem:$0x8100] =	vst v63  }
0x56: {  	_ = 	snop  }
0x57: {  	[hbm4b:s2+s3] =	stream.indirect_vreg.scatter [tilespmem:s21], [sflag:$0x1], $0x80, v3, vm0, $0xb8;
	[tilespmem:$0x8100] =	vst v63  }
0x58: {  	v3 =	vld [tilespmem:$0x60];
	_ =	sdelay $0x4  }
0x59: {  	v54 =	vshll.u32 v3, $0x1  }
0x5a: {  	v3 =	vand.u32 $0x7, v3;
	v4 =	vand.u32 $0xFFFFFFF0, v54  }
0x5b: {  	v3 =	vor.u32 v3, v4  }
0x5c: {  	v4 =	vperm.xlane v3, v0;
	_ =	sdelay $0x1  }
0x5d: {  	v3 =	vperm.xlane v3, v2;
	v4 =	vadd.s32 v1, v4;
	_ =	sdelay $0x1  }
0x5e: {  	v3 =	vadd.s32 v1, v3;
	_ =	sdelay $0x2  }
0x5f: {  	[hbm4b:s2+s3] =	stream.indirect_vreg.scatter [tilespmem:s22], [sflag:$0x1], $0x80, v4, vm0, $0xb8;
	[tilespmem:$0x8100] =	vst v63  }
0x60: {  	_ = 	snop  }
0x61: {  	[hbm4b:s2+s3] =	stream.indirect_vreg.scatter [tilespmem:s23], [sflag:$0x1], $0x80, v3, vm0, $0xb8;
	[tilespmem:$0x8100] =	vst v63  }
0x62: {  	v3 =	vld [tilespmem:$0x70];
	_ =	sdelay $0x4  }
0x63: {  	v55 =	vshll.u32 v3, $0x1  }
0x64: {  	v3 =	vand.u32 $0x7, v3;
	v4 =	vand.u32 $0xFFFFFFF0, v55  }
0x65: {  	v3 =	vor.u32 v3, v4  }
0x66: {  	v4 =	vperm.xlane v3, v0;
	_ =	sdelay $0x1  }
0x67: {  	v3 =	vperm.xlane v3, v2;
	v4 =	vadd.s32 v1, v4;
	_ =	sdelay $0x1  }
0x68: {  	v3 =	vadd.s32 v1, v3;
	_ =	sdelay $0x2  }
0x69: {  	[hbm4b:s2+s3] =	stream.indirect_vreg.scatter [tilespmem:s24], [sflag:$0x1], $0x80, v4, vm0, $0xb8;
	[tilespmem:$0x8100] =	vst v63  }
0x6a: {  	_ = 	snop  }
0x6b: {  	[hbm4b:s2+s3] =	stream.indirect_vreg.scatter [tilespmem:s25], [sflag:$0x1], $0x80, v3, vm0, $0xb8;
	[tilespmem:$0x8100] =	vst v63  }
0x6c: {  	v3 =	vld [tilespmem:$0x80];
	_ =	sdelay $0x4  }
0x6d: {  	v56 =	vshll.u32 v3, $0x1  }
0x6e: {  	v3 =	vand.u32 $0x7, v3;
	v4 =	vand.u32 $0xFFFFFFF0, v56  }
0x6f: {  	v3 =	vor.u32 v3, v4  }
0x70: {  	v4 =	vperm.xlane v3, v0;
	_ =	sdelay $0x1  }
0x71: {  	v3 =	vperm.xlane v3, v2;
	v4 =	vadd.s32 v1, v4;
	_ =	sdelay $0x1  }
0x72: {  	v3 =	vadd.s32 v1, v3;
	_ =	sdelay $0x2  }
0x73: {  	[hbm4b:s2+s3] =	stream.indirect_vreg.scatter [tilespmem:s10], [sflag:$0x1], $0x80, v4, vm0, $0xb8;
	[tilespmem:$0x8100] =	vst v63  }
0x74: {  	_ = 	snop  }
0x75: {  	[hbm4b:s2+s3] =	stream.indirect_vreg.scatter [tilespmem:s11], [sflag:$0x1], $0x80, v3, vm0, $0xb8;
	[tilespmem:$0x8100] =	vst v63  }
0x76: {  	v3 =	vld [tilespmem:$0x90];
	_ =	sdelay $0x4  }
0x77: {  	v57 =	vshll.u32 v3, $0x1  }
0x78: {  	v3 =	vand.u32 $0x7, v3;
	v4 =	vand.u32 $0xFFFFFFF0, v57  }
0x79: {  	v3 =	vor.u32 v3, v4  }
0x7a: {  	v4 =	vperm.xlane v3, v0;
	_ =	sdelay $0x1  }
0x7b: {  	v3 =	vperm.xlane v3, v2;
	v4 =	vadd.s32 v1, v4;
	_ =	sdelay $0x1  }
0x7c: {  	v3 =	vadd.s32 v1, v3;
	_ =	sdelay $0x2  }
0x7d: {  	[hbm4b:s2+s3] =	stream.indirect_vreg.scatter [tilespmem:s12], [sflag:$0x1], $0x80, v4, vm0, $0xb8;
	[tilespmem:$0x8100] =	vst v63  }
0x7e: {  	_ = 	snop  }
0x7f: {  	[hbm4b:s2+s3] =	stream.indirect_vreg.scatter [tilespmem:s13], [sflag:$0x1], $0x80, v3, vm0, $0xb8;
	[tilespmem:$0x8100] =	vst v63  }
0x80: {  	v3 =	vld [tilespmem:$0xA0];
	_ =	sdelay $0x4  }
0x81: {  	v58 =	vshll.u32 v3, $0x1  }
0x82: {  	v3 =	vand.u32 $0x7, v3;
	v4 =	vand.u32 $0xFFFFFFF0, v58  }
0x83: {  	v3 =	vor.u32 v3, v4  }
0x84: {  	v4 =	vperm.xlane v3, v0;
	_ =	sdelay $0x1  }
0x85: {  	v3 =	vperm.xlane v3, v2;
	v4 =	vadd.s32 v1, v4;
	_ =	sdelay $0x1  }
0x86: {  	v3 =	vadd.s32 v1, v3;
	_ =	sdelay $0x2  }
0x87: {  	[hbm4b:s2+s3] =	stream.indirect_vreg.scatter [tilespmem:s14], [sflag:$0x1], $0x80, v4, vm0, $0xb8;
	[tilespmem:$0x8100] =	vst v63  }
0x88: {  	_ = 	snop  }
0x89: {  	[hbm4b:s2+s3] =	stream.indirect_vreg.scatter [tilespmem:s15], [sflag:$0x1], $0x80, v3, vm0, $0xb8;
	[tilespmem:$0x8100] =	vst v63  }
0x8a: {  	v3 =	vld [tilespmem:$0xB0];
	_ =	sdelay $0x4  }
0x8b: {  	v59 =	vshll.u32 v3, $0x1  }
0x8c: {  	v3 =	vand.u32 $0x7, v3;
	v4 =	vand.u32 $0xFFFFFFF0, v59  }
0x8d: {  	v3 =	vor.u32 v3, v4  }
0x8e: {  	v4 =	vperm.xlane v3, v0;
	_ =	sdelay $0x1  }
0x8f: {  	v3 =	vperm.xlane v3, v2;
	v4 =	vadd.s32 v1, v4;
	_ =	sdelay $0x1  }
0x90: {  	v3 =	vadd.s32 v1, v3;
	_ =	sdelay $0x2  }
0x91: {  	[hbm4b:s2+s3] =	stream.indirect_vreg.scatter [tilespmem:s16], [sflag:$0x1], $0x80, v4, vm0, $0xb8;
	[tilespmem:$0x8100] =	vst v63  }
0x92: {  	_ = 	snop  }
0x93: {  	[hbm4b:s2+s3] =	stream.indirect_vreg.scatter [tilespmem:s17], [sflag:$0x1], $0x80, v3, vm0, $0xb8;
	[tilespmem:$0x8100] =	vst v63  }
0x94: {  	v3 =	vld [tilespmem:$0xC0];
	_ =	sdelay $0x4  }
0x95: {  	v60 =	vshll.u32 v3, $0x1  }
0x96: {  	v3 =	vand.u32 $0x7, v3;
	v4 =	vand.u32 $0xFFFFFFF0, v60  }
0x97: {  	v3 =	vor.u32 v3, v4  }
0x98: {  	v4 =	vperm.xlane v3, v0;
	_ =	sdelay $0x1  }
0x99: {  	v3 =	vperm.xlane v3, v2;
	v4 =	vadd.s32 v1, v4;
	_ =	sdelay $0x1  }
0x9a: {  	v3 =	vadd.s32 v1, v3;
	_ =	sdelay $0x2  }
0x9b: {  	[hbm4b:s2+s3] =	stream.indirect_vreg.scatter [tilespmem:s18], [sflag:$0x1], $0x80, v4, vm0, $0xb8;
	[tilespmem:$0x8100] =	vst v63  }
0x9c: {  	_ = 	snop  }
0x9d: {  	[hbm4b:s2+s3] =	stream.indirect_vreg.scatter [tilespmem:s19], [sflag:$0x1], $0x80, v3, vm0, $0xb8;
	[tilespmem:$0x8100] =	vst v63  }
0x9e: {  	v3 =	vld [tilespmem:$0xD0];
	_ =	sdelay $0x4  }
0x9f: {  	v61 =	vshll.u32 v3, $0x1  }
0xa0: {  	v3 =	vand.u32 $0x7, v3;
	v4 =	vand.u32 $0xFFFFFFF0, v61  }
0xa1: {  	v3 =	vor.u32 v3, v4  }
0xa2: {  	v4 =	vperm.xlane v3, v0;
	_ =	sdelay $0x1  }
0xa3: {  	v3 =	vperm.xlane v3, v2;
	v4 =	vadd.s32 v1, v4;
	_ =	sdelay $0x1  }
0xa4: {  	v3 =	vadd.s32 v1, v3;
	_ =	sdelay $0x2  }
0xa5: {  	[hbm4b:s2+s3] =	stream.indirect_vreg.scatter [tilespmem:s20], [sflag:$0x1], $0x80, v4, vm0, $0xb8;
	[tilespmem:$0x8100] =	vst v63  }
0xa6: {  	_ = 	snop  }
0xa7: {  	[hbm4b:s2+s3] =	stream.indirect_vreg.scatter [tilespmem:s21], [sflag:$0x1], $0x80, v3, vm0, $0xb8;
	[tilespmem:$0x8100] =	vst v63  }
0xa8: {  	v3 =	vld [tilespmem:$0xE0];
	_ =	sdelay $0x4  }
0xa9: {  	v62 =	vshll.u32 v3, $0x1  }
0xaa: {  	v3 =	vand.u32 $0x7, v3;
	v4 =	vand.u32 $0xFFFFFFF0, v62  }
0xab: {  	v3 =	vor.u32 v3, v4  }
0xac: {  	v4 =	vperm.xlane v3, v0;
	_ =	sdelay $0x1  }
0xad: {  	v3 =	vperm.xlane v3, v2;
	v4 =	vadd.s32 v1, v4;
	_ =	sdelay $0x1  }
0xae: {  	v3 =	vadd.s32 v1, v3;
	_ =	sdelay $0x2  }
0xaf: {  	[hbm4b:s2+s3] =	stream.indirect_vreg.scatter [tilespmem:s22], [sflag:$0x1], $0x80, v4, vm0, $0xb8;
	[tilespmem:$0x8100] =	vst v63  }
0xb0: {  	_ = 	snop  }
0xb1: {  	[hbm4b:s2+s3] =	stream.indirect_vreg.scatter [tilespmem:s23], [sflag:$0x1], $0x80, v3, vm0, $0xb8;
	[tilespmem:$0x8100] =	vst v63  }
0xb2: {  	v3 =	vld [tilespmem:$0xF0];
	_ =	sdelay $0x4  }
0xb3: {  	v63 =	vshll.u32 v3, $0x1  }
0xb4: {  	v3 =	vand.u32 $0x7, v3;
	v4 =	vand.u32 $0xFFFFFFF0, v63  }
0xb5: {  	v3 =	vor.u32 v3, v4  }
0xb6: {  	v4 =	vperm.xlane v3, v0;
	_ =	sdelay $0x1  }
0xb7: {  	v3 =	vperm.xlane v3, v2;
	v4 =	vadd.s32 v1, v4;
	_ =	sdelay $0x1  }
0xb8: {  	v3 =	vadd.s32 v1, v3;
	_ =	sdelay $0x2  }
0xb9: {  	[hbm4b:s2+s3] =	stream.indirect_vreg.scatter [tilespmem:s24], [sflag:$0x1], $0x80, v4, vm0, $0xb8;
	[tilespmem:$0x8100] =	vst v63  }
0xba: {  	_ = 	snop  }
0xbb: {  	[hbm4b:s2+s3] =	stream.indirect_vreg.scatter [tilespmem:s25], [sflag:$0x1], $0x80, v3, vm0, $0xb8;
	[tilespmem:$0x8100] =	vst v63  }
0xbc: {  	p0 =	sne.s32 s7, $0x1;
	_ =	swait.ge [sflag:s26], $0x8000  }
.Ltmp0:
0xbd: {  	[sflag:s26] =	ssyncset.done $0x0;
	(pc) =	sbr.rel @p0 .LBB2_1-.Ltmp0, $4  }
0xbe: {  	[sflag:s26] =	ssyncadd.s32 $0xFFFF8000  }
0xbf: {  	_ =	swait.ge [sflag:s26], $0x8000  }
0xc0: {  	[sflag:s26] =	ssyncset.done $0x0  }
0xc1: {  	s7 =	sadd.s32 $0xFFFFFFFF, s7;
	[sflag:s26] =	ssyncadd.s32 $0xFFFF8000  }
0xc2: {  	_ =	sfence.sel $0x180000  }
0xc3: {  	[bflag:$0x0] =	sbarrier.arrive $0xFFFF  }
0xc4: {  	p0 =	sne.s32 s1, $0x0;
	_ =	strace $0x90000047  }
0xc5: {  	s0 =	sadd.s32 @!p0 $0x100000, s0;
	[bflag:$0x2] =	sbarrier.arrive $0xFFFF  }
0xc6: {  	[sflag:s0] =	ssyncadd.tile.s32 @!p0 $0x1;
	_ =	shalt  }
.Lfunc_end2:
_tile_overlayer_lowered:
.L_overlay_start_2:
0xc7: {  	(tag) =	ssettag $0x2  }
0xc8: {  	s0 =	rddreg [dreg:$0x0];
	s2 =	stileid.u32  }
0xc9: {  	s1 =	rddreg [dreg:$0x1];
	p0 =	sne.s32 s2, $0x0  }
0xca: {  	s3 =	rddreg [dreg:$0x2];
	[bflag:$0x3] =	sbarrier.arrive $0xFFFF;
	s2 =	simm.s32 @!p0 $0x1C02  }
0xcb: {  	[timem:s3], [sflag:s2] =	dma.local @!p0 [hbm:s0], s1  }
0xcc: {  	s0 =	simm.s32 @!p0 $0x2  }
0xcd: {  	_ =	swait.ge @!p0 [sflag:s0], s1  }
0xce: {  	s1 =	ssub.s32 @!p0 $0x0, s1;
	[sflag:s0] =	ssyncset.done @!p0 $0x0  }
0xcf: {  	[sflag:s0] =	ssyncadd.s32 @!p0 s1  }
0xd0: {  	[bflag:$0x3] =	sbarrier.arrive $0xFFFF  }
0xd1: {  	_ =	shalt  }

</sc_bundles>
